<compile_context>
chip_gen: v7x
topology: tpu7x:2x2x1
jax: 0.10.2.dev20260603
libtpu: 0.0.44.dev20260713+nightly
codegen_flags: <defaults>
</compile_context>

<pallas_src>
import functools

import jax
import jax.numpy as jnp
from jax import lax
from jax.experimental import pallas as pl
from jax.experimental.pallas import tpu as pltpu
from jax.experimental.pallas import tpu_sc as plsc

N = 10000
E = 320000
F_IN = 128
H = 128
OUT = 8

NC = 2
NS = 16
NW = NC * NS
CHUNK = 128
NCHUNK = 80
NPAIR = NCHUNK // 2
EPT = NCHUNK * CHUNK
RPT = 632
ACC_ROWS = NS * RPT

ROWB = 2000
GRID = N // ROWB


def _seg_sum_body(h_hbm, idx_hbm, out_hbm,
                  idx_v, rows_v, acc, sem0, sem1, isem):
    c = lax.axis_index("c")
    s = lax.axis_index("s")
    wid = c * NS + s

    def zstore(i, carry):
        rows_v[0, i // 8, pl.ds((i % 8) * 16, 16)] = jnp.zeros((16,),
                                                               jnp.float32)
        return carry
    lax.fori_loop(0, CHUNK * 8, zstore, 0)
    for t in range(4):
        pltpu.sync_copy(rows_v.at[0],
                        acc.at[pl.ds(s * RPT + t * CHUNK, CHUNK)])
    pltpu.sync_copy(rows_v.at[0, pl.ds(0, RPT - 4 * CHUNK)],
                    acc.at[pl.ds(s * RPT + 4 * CHUNK, RPT - 4 * CHUNK)])
    plsc.subcore_barrier()

    def gather(buf, idx_ref, sem):
        return pltpu.async_copy(h_hbm.at[idx_ref], rows_v.at[buf], sem)

    def scatter(buf, idx_ref):
        pltpu.sync_copy(rows_v.at[buf], acc.at[idx_ref], add=True)

    pltpu.sync_copy(idx_hbm.at[wid, 0], idx_v.at[0])
    gather(0, idx_v.at[0, 0, 0], sem0)

    def pair(k, carry):
        p = lax.rem(k, 2)
        q = 1 - p
        ildma = pltpu.async_copy(idx_hbm.at[wid, k + 1], idx_v.at[q], isem)
        g1 = gather(1, idx_v.at[p, 1, 0], sem1)
        pltpu.make_async_copy(h_hbm.at[idx_v.at[p, 0, 0]], rows_v.at[0],
                              sem0).wait()
        scatter(0, idx_v.at[p, 0, 1])
        ildma.wait()
        gather(0, idx_v.at[q, 0, 0], sem0)
        g1.wait()
        scatter(1, idx_v.at[p, 1, 1])
        return carry
    lax.fori_loop(0, NPAIR - 1, pair, 0)

    g1 = gather(1, idx_v.at[1, 1, 0], sem1)
    pltpu.make_async_copy(h_hbm.at[idx_v.at[1, 0, 0]], rows_v.at[0],
                          sem0).wait()
    scatter(0, idx_v.at[1, 0, 1])
    g1.wait()
    scatter(1, idx_v.at[1, 1, 1])

    plsc.subcore_barrier()
    pltpu.sync_copy(acc.at[pl.ds(s * RPT, RPT)],
                    out_hbm.at[c, pl.ds(s * RPT, RPT)])


@functools.partial(
    pl.kernel,
    out_type=jax.ShapeDtypeStruct((NC, ACC_ROWS, H), jnp.float32),
    mesh=plsc.VectorSubcoreMesh(core_axis_name="c", subcore_axis_name="s"),
    scratch_types=[
        pltpu.VMEM((2, 2, 2, CHUNK), jnp.int32),
        pltpu.VMEM((2, CHUNK, H), jnp.float32),
        pltpu.VMEM_SHARED((ACC_ROWS, H), jnp.float32),
        pltpu.SemaphoreType.DMA,
        pltpu.SemaphoreType.DMA,
        pltpu.SemaphoreType.DMA,
    ],
)
def _seg_sum(h_hbm, idx_hbm, out_hbm, idx_v, rows_v, acc, sem0, sem1, isem):
    _seg_sum_body(h_hbm, idx_hbm, out_hbm,
                  idx_v, rows_v, acc, sem0, sem1, isem)


def _leaky(z):
    return jnp.where(z >= 0, z, 0.01 * z)


def _pre_body(x_ref, w_ref, b_ref, o_ref):
    o_ref[...] = lax.dot_general(
        x_ref[...], w_ref[...], (((0,), (0,)), ((), ())),
        preferred_element_type=jnp.float32) + b_ref[...]


def _pre(x, W, b):
    return pl.pallas_call(
        _pre_body,
        out_shape=jax.ShapeDtypeStruct((N, H), jnp.float32),
    )(x, W, b)


def _conv_stats_body(h_ref, a0_ref, a1_ref, w1_ref, b1_ref, w2_ref, b2_ref,
                     u_ref, st_ref, acc_ref):
    i = pl.program_id(0)
    z = h_ref[...] + a0_ref[0] + a1_ref[0]
    t = _leaky(jnp.dot(z, w1_ref[...], preferred_element_type=jnp.float32)
               + b1_ref[...])
    u = jnp.dot(t, w2_ref[...], preferred_element_type=jnp.float32) + b2_ref[...]
    u_ref[...] = u
    blk = jnp.concatenate(
        [jnp.sum(u, axis=0, keepdims=True),
         jnp.sum(u * u, axis=0, keepdims=True),
         jnp.zeros((6, H), jnp.float32)], axis=0)

    @pl.when(i == 0)
    def _():
        acc_ref[...] = blk

    @pl.when(i > 0)
    def _():
        acc_ref[...] = acc_ref[...] + blk

    @pl.when(i == GRID - 1)
    def _():
        st_ref[...] = acc_ref[...]


def _conv_stats(h, parts, W1, b1, W2, b2):
    full = lambda shape: pl.BlockSpec(shape, lambda i: (0, 0))
    row = pl.BlockSpec((ROWB, H), lambda i: (i, 0))
    p0 = pl.BlockSpec((1, ROWB, H), lambda i: (0, i, 0))
    p1 = pl.BlockSpec((1, ROWB, H), lambda i: (1, i, 0))
    return pl.pallas_call(
        _conv_stats_body,
        grid=(GRID,),
        in_specs=[row, p0, p1, full((H, H)), full((1, H)), full((H, H)),
                  full((1, H))],
        out_specs=[row, full((8, H))],
        out_shape=[jax.ShapeDtypeStruct((N, H), jnp.float32),
                   jax.ShapeDtypeStruct((8, H), jnp.float32)],
        scratch_shapes=[pltpu.VMEM((8, H), jnp.float32)],
    )(h, parts, parts, W1, b1, W2, b2)


def _bn_body(u_ref, st_ref, g_ref, b_ref, o_ref):
    m = st_ref[0:1, :] / N
    v = st_ref[1:2, :] / N - m * m
    inv = lax.rsqrt(v + 1e-5)
    o_ref[...] = (u_ref[...] - m) * inv * g_ref[...] + b_ref[...]


def _bn(u, st, g, b):
    full = lambda shape: pl.BlockSpec(shape, lambda i: (0, 0))
    row = pl.BlockSpec((ROWB, H), lambda i: (i, 0))
    return pl.pallas_call(
        _bn_body,
        grid=(GRID,),
        in_specs=[row, full((8, H)), full((1, H)), full((1, H))],
        out_specs=row,
        out_shape=jax.ShapeDtypeStruct((N, H), jnp.float32),
    )(u, st, g, b)


def _last_body(h_ref, a0_ref, a1_ref, w1_ref, b1_ref, w2_ref, b2_ref,
               wp1_ref, bp1_ref, wp2_ref, bp2_ref, o_ref):
    z = h_ref[...] + a0_ref[0] + a1_ref[0]
    t = _leaky(jnp.dot(z, w1_ref[...], preferred_element_type=jnp.float32)
               + b1_ref[...])
    u = jnp.dot(t, w2_ref[...], preferred_element_type=jnp.float32) + b2_ref[...]
    p = _leaky(jnp.dot(u, wp1_ref[...], preferred_element_type=jnp.float32)
               + bp1_ref[...])
    o_ref[...] = jnp.dot(p, wp2_ref[...],
                         preferred_element_type=jnp.float32) + bp2_ref[...]


def _last(h, parts, W1, b1, W2, b2, Wp1, bp1, Wp2, bp2):
    full = lambda shape: pl.BlockSpec(shape, lambda i: (0, 0))
    row = pl.BlockSpec((ROWB, H), lambda i: (i, 0))
    p0 = pl.BlockSpec((1, ROWB, H), lambda i: (0, i, 0))
    p1 = pl.BlockSpec((1, ROWB, H), lambda i: (1, i, 0))
    return pl.pallas_call(
        _last_body,
        grid=(GRID,),
        in_specs=[row, p0, p1, full((H, H)), full((1, H)), full((H, H)),
                  full((1, H)), full((H, H)), full((1, H)), full((H, OUT)),
                  full((1, OUT))],
        out_specs=pl.BlockSpec((ROWB, OUT), lambda i: (i, 0)),
        out_shape=jax.ShapeDtypeStruct((N, OUT), jnp.float32),
    )(h, parts, parts, W1, b1, W2, b2, Wp1, bp1, Wp2, bp2)


def kernel(x, edge_index, W_pre, b_pre, W1_0, b1_0, W2_0, b2_0, W1_1, b1_1,
           W2_1, b2_1, W1_2, b1_2, W2_2, b2_2, gamma_0, beta_0, gamma_1,
           beta_1, Wp1, bp1, Wp2, bp2):
    pad = NW * EPT - E
    src = jnp.concatenate([edge_index[0], jnp.zeros((pad,), jnp.int32)])
    dst = jnp.concatenate([edge_index[1], jnp.full((pad,), N, jnp.int32)])
    srcp = src.reshape(NW, NCHUNK, CHUNK)
    dstp = dst.reshape(NW, NCHUNK, CHUNK)
    idxp = jnp.stack([srcp, dstp], axis=2).reshape(NW, NPAIR, 2, 2, CHUNK)

    h = _pre(x, W_pre, b_pre.reshape(1, H))

    layers = [(W1_0, b1_0, W2_0, b2_0), (W1_1, b1_1, W2_1, b2_1),
              (W1_2, b1_2, W2_2, b2_2)]
    bns = [(gamma_0, beta_0), (gamma_1, beta_1)]

    for l, (W1, b1, W2, b2) in enumerate(layers):
        parts = _seg_sum(h, idxp)
        if l < 2:
            u, st = _conv_stats(h, parts, W1, b1.reshape(1, H), W2,
                                b2.reshape(1, H))
            g, bb = bns[l]
            h = _bn(u, st, g.reshape(1, H), bb.reshape(1, H))
        else:
            out = _last(h, parts, W1, b1.reshape(1, H), W2, b2.reshape(1, H),
                        Wp1, bp1.reshape(1, H), Wp2, bp2.reshape(1, OUT))
    return out.reshape(1, -1)

# --- scband reference (transcript-rebuilt; emitter-appended) ---
"""Pipeline reference for scband-gin-23536420782703 (READ-ONLY COPY).

The authoritative reference and input builder live on the scoring server;
editing this copy changes nothing except your own understanding.
"""

import jax, jax.numpy as jnp
import numpy as np

N = 10000
E = 320000
F_IN = 128
H = 128
OUT = 8

def _leaky(z):
    return jnp.where(z >= 0, z, 0.01 * z)

def setup_inputs(seed: int = 0):
    key = jax.random.key(seed)
    ks = jax.random.split(key, 32)
    s = 0.05
    inp = {}
    inp["x"] = jax.random.normal(ks[0], (F_IN, N), dtype=jnp.float32)
    inp["edge_index"] = jax.random.randint(ks[1], (2, E), 0, N, dtype=jnp.int32)
    inp["W_pre"] = jax.random.normal(ks[2], (F_IN, H), dtype=jnp.float32) * s
    inp["b_pre"] = jnp.zeros((H,), dtype=jnp.float32)
    for l in range(3):
        inp[f"W1_{l}"] = jax.random.normal(ks[3 + 4 * l], (H, H), dtype=jnp.float32) * s
        inp[f"b1_{l}"] = jnp.zeros((H,), dtype=jnp.float32)
        inp[f"W2_{l}"] = jax.random.normal(ks[4 + 4 * l], (H, H), dtype=jnp.float32) * s
        inp[f"b2_{l}"] = jnp.zeros((H,), dtype=jnp.float32)
    for l in range(2):
        inp[f"gamma_{l}"] = jnp.ones((H,), dtype=jnp.float32)
        inp[f"beta_{l}"] = jnp.zeros((H,), dtype=jnp.float32)
    inp["Wp1"] = jax.random.normal(ks[20], (H, H), dtype=jnp.float32) * s
    inp["bp1"] = jnp.zeros((H,), dtype=jnp.float32)
    inp["Wp2"] = jax.random.normal(ks[21], (H, OUT), dtype=jnp.float32) * s
    inp["bp2"] = jnp.zeros((OUT,), dtype=jnp.float32)
    return inp

def reference(x, edge_index, W_pre, b_pre, W1_0, b1_0, W2_0, b2_0, W1_1, b1_1, W2_1, b2_1, W1_2, b1_2, W2_2, b2_2, gamma_0, beta_0, gamma_1, beta_1, Wp1, bp1, Wp2, bp2):
    src = edge_index[0]
    dst = edge_index[1]
    n = x.shape[1]
    h = x.T @ W_pre + b_pre

    def conv(h, W1, b1, W2, b2):
        # GINConv with eps=0: nn((1+eps)*x + sum_{j in N(i)} x_j)
        agg = jax.ops.segment_sum(h[src], dst, num_segments=n)
        z = h + agg
        z = _leaky(z @ W1 + b1)
        return z @ W2 + b2

    def bn(h, g, b):
        # BatchNorm1d in training mode (batch statistics, biased variance)
        m = jnp.mean(h, axis=0)
        v = jnp.var(h, axis=0)
        return (h - m) / jnp.sqrt(v + 1e-5) * g + b

    h = bn(conv(h, W1_0, b1_0, W2_0, b2_0), gamma_0, beta_0)
    h = bn(conv(h, W1_1, b1_1, W2_1, b2_1), gamma_1, beta_1)
    h = conv(h, W1_2, b1_2, W2_2, b2_2)
    h = _leaky(h @ Wp1 + bp1)
    h = h @ Wp2 + bp2
    return h.reshape(1, -1)

if __name__ == "__main__":
    import jax
    _d = setup_inputs()
    print(jax.jit(kernel)(*tuple(_d.values())))

</pallas_src>

<mosaic_0001>
#map = affine_map<(d0, d1) -> (0, 0)>
#map1 = affine_map<(d0, d1) -> (0, 0, 0, 0, 0)>
#map2 = affine_map<(d0, d1) -> (0, 0, 0)>
module attributes {stable_mosaic.version = 14 : i64} {
  func.func @_seg_sum(%arg0: i32, %arg1: i32, %arg2: memref<10000x128xf32, #tpu.memory_space<hbm>>, %arg3: memref<32x40x2x2x128xi32, #tpu.memory_space<hbm>>, %arg4: memref<2x10112x128xf32, #tpu.memory_space<hbm>>, %arg5: memref<2x2x2x128xi32, #tpu.memory_space<vmem>>, %arg6: memref<2x128x128xf32, #tpu.memory_space<vmem>>, %arg7: memref<10112x128xf32, #tpu.memory_space<vmem_shared>>, %arg8: memref<!tpu.dma_semaphore, #tpu.memory_space<semaphore_mem>>, %arg9: memref<!tpu.dma_semaphore, #tpu.memory_space<semaphore_mem>>, %arg10: memref<!tpu.dma_semaphore, #tpu.memory_space<semaphore_mem>>) attributes {dimension_semantics = [#tpu.dimension_semantics<core_parallel>, #tpu.dimension_semantics<subcore_parallel>], iteration_bounds = array<i64: 2, 16>, scalar_prefetch = 0 : i64, scratch_operands = 6 : i64, tpu.core_type = #tpu.core_type<sc_vector_subcore>, window_params = [{transform_indices = #map}, {transform_indices = #map1}, {transform_indices = #map2}]} {
    %mul3A = arith.constant 16 : i32
    %mul3A_0 = arith.muli %arg0, %mul3A : i32
    %add3A = arith.addi %mul3A_0, %arg1 : i32
    %scan3A = arith.constant 0 : i32
    %scan3A_1 = arith.constant 0 : i32
    %scan3A_2 = arith.constant 1024 : i32
    %scan3A_3 = arith.addi %scan3A_1, %scan3A_2 : i32
    %scan3A_4 = arith.constant 1 : i32
    scf.for %scan3A_105 = %scan3A_1 to %scan3A_3 step %scan3A_4  : i32 {
      %broadcast_in_dim3A = arith.constant 0.000000e+00 : f32
      %broadcast_in_dim3A_106 = vector.broadcast %broadcast_in_dim3A : f32 to vector<16xf32>
      %jit3A = arith.constant 8 : i32
      %div3A = arith.divsi %scan3A_105, %jit3A : i32
      %sign3A = arith.constant 0 : i32
      %sign3A_107 = arith.cmpi sgt, %scan3A_105, %sign3A : i32
      %sign3A_108 = arith.extui %sign3A_107 : i1 to i32
      %sign3A_109 = arith.constant 0 : i32
      %sign3A_110 = arith.cmpi slt, %scan3A_105, %sign3A_109 : i32
      %sign3A_111 = arith.extui %sign3A_110 : i1 to i32
      %sign3A_112 = arith.subi %sign3A_108, %sign3A_111 : i32
      %sign3A_113 = arith.constant 0 : i32
      %sign3A_114 = arith.cmpi sgt, %jit3A, %sign3A_113 : i32
      %sign3A_115 = arith.extui %sign3A_114 : i1 to i32
      %sign3A_116 = arith.constant 0 : i32
      %sign3A_117 = arith.cmpi slt, %jit3A, %sign3A_116 : i32
      %sign3A_118 = arith.extui %sign3A_117 : i1 to i32
      %sign3A_119 = arith.subi %sign3A_115, %sign3A_118 : i32
      %ne3A = arith.cmpi ne, %sign3A_112, %sign3A_119 : i32
      %rem3A = arith.remsi %scan3A_105, %jit3A : i32
      %ne3A_120 = arith.constant 0 : i32
      %ne3A_121 = arith.cmpi ne, %rem3A, %ne3A_120 : i32
      %and3A = arith.andi %ne3A, %ne3A_121 : i1
      %sub3A = arith.constant 1 : i32
      %sub3A_122 = arith.subi %div3A, %sub3A : i32
      %select_n3A = arith.select %and3A, %sub3A_122, %div3A : i32
      %jit3A_123 = arith.constant 8 : i32
      %eq3A = arith.constant 0 : i32
      %eq3A_124 = arith.cmpi eq, %jit3A_123, %eq3A : i32
      %jit3A_125 = arith.constant 1 : i32
      %select_n3A_126 = arith.select %eq3A_124, %jit3A_125, %jit3A_123 : i32
      %rem3A_127 = arith.remsi %scan3A_105, %select_n3A_126 : i32
      %ne3A_128 = arith.constant 0 : i32
      %ne3A_129 = arith.cmpi ne, %rem3A_127, %ne3A_128 : i32
      %lt3A = arith.constant 0 : i32
      %lt3A_130 = arith.cmpi slt, %rem3A_127, %lt3A : i32
      %lt3A_131 = arith.constant 0 : i32
      %lt3A_132 = arith.cmpi slt, %select_n3A_126, %lt3A_131 : i32
      %ne3A_133 = arith.xori %lt3A_130, %lt3A_132 : i1
      %and3A_134 = arith.andi %ne3A_133, %ne3A_129 : i1
      %add3A_135 = arith.addi %rem3A_127, %select_n3A_126 : i32
      %select_n3A_136 = arith.select %and3A_134, %add3A_135, %rem3A_127 : i32
      %mul3A_137 = arith.constant 16 : i32
      %mul3A_138 = arith.muli %select_n3A_136, %mul3A_137 : i32
      %swap3A = arith.constant 0 : i32
      %swap3A_139 = arith.index_cast %swap3A : i32 to index
      %swap3A_140 = arith.index_cast %select_n3A : i32 to index
      %swap3A_141 = arith.index_cast %mul3A_138 : i32 to index
      %swap3A_142 = tpu.vector_load %arg6[%swap3A_139, %swap3A_140, %swap3A_141] {strides = array<i32>} : memref<2x128x128xf32, #tpu.memory_space<vmem>>, vector<1x1x16xf32>,
      %swap3A_143 = vector.shape_cast %swap3A_142 : vector<1x1x16xf32> to vector<16xf32>
      %swap3A_144 = vector.shape_cast %broadcast_in_dim3A_106 : vector<16xf32> to vector<1x1x16xf32>
      tpu.vector_store %arg6[%swap3A_139, %swap3A_140, %swap3A_141], %swap3A_144 {strides = array<i32>} : memref<2x128x128xf32, #tpu.memory_space<vmem>>, vector<1x1x16xf32>,
    }
    %scan3A_5 = arith.constant 1024 : i32
    %mul3A_6 = arith.constant 632 : i32
    %mul3A_7 = arith.muli %arg1, %mul3A_6 : i32
    %add3A_8 = arith.constant 0 : i32
    %add3A_9 = arith.addi %mul3A_7, %add3A_8 : i32
    %run_scoped3A = arith.constant 0 : i32
    "tpu.region"() ({
      %run_scoped3A_105 = tpu.sem_alloc : memref<!tpu.dma_semaphore, #tpu.memory_space<semaphore_mem>>
      %dma_start3A_106 = arith.constant 0 : i32
      %dma_start3A_107 = arith.constant 0 : i32
      %dma_start3A_108 = tpu.memref_slice %arg6[%run_scoped3A, %dma_start3A_106, %dma_start3A_107] : memref<2x128x128xf32, #tpu.memory_space<vmem>> -> memref<1x128x128xf32, #tpu.memory_space<vmem>>
      %dma_start3A_109 = tpu.memref_squeeze %dma_start3A_108 : memref<1x128x128xf32, #tpu.memory_space<vmem>> -> memref<128x128xf32, #tpu.memory_space<vmem>>
      %dma_start3A_110 = arith.constant 0 : i32
      %dma_start3A_111 = tpu.memref_slice %arg7[%add3A_9, %dma_start3A_110] : memref<10112x128xf32, #tpu.memory_space<vmem_shared>> -> memref<128x128xf32, #tpu.memory_space<vmem_shared>>
      %dma_start3A_112 = arith.constant 0 : i32
      %dma_start3A_113 = tpu.memref_slice %arg7[%add3A_9, %dma_start3A_112] : memref<10112x128xf32, #tpu.memory_space<vmem_shared>> -> memref<128x128xf32, #tpu.memory_space<vmem_shared>>
      %dma_start3A_114 = arith.constant 0 : i32
      %dma_start3A_115 = arith.constant 0 : i32
      %dma_start3A_116 = tpu.memref_slice %arg6[%run_scoped3A, %dma_start3A_114, %dma_start3A_115] : memref<2x128x128xf32, #tpu.memory_space<vmem>> -> memref<1x128x128xf32, #tpu.memory_space<vmem>>
      %dma_start3A_117 = tpu.memref_squeeze %dma_start3A_116 : memref<1x128x128xf32, #tpu.memory_space<vmem>> -> memref<128x128xf32, #tpu.memory_space<vmem>>
      tpu.enqueue_dma source(%dma_start3A_117 : memref<128x128xf32, #tpu.memory_space<vmem>>) target(%dma_start3A_113 : memref<128x128xf32, #tpu.memory_space<vmem_shared>>) target_semaphore(%run_scoped3A_105 : memref<!tpu.dma_semaphore, #tpu.memory_space<semaphore_mem>>)
      %dma_wait3A_118 = arith.constant 0 : i32
      %dma_wait3A_119 = arith.constant 0 : i32
      %dma_wait3A_120 = tpu.memref_slice %arg6[%run_scoped3A, %dma_wait3A_118, %dma_wait3A_119] : memref<2x128x128xf32, #tpu.memory_space<vmem>> -> memref<1x128x128xf32, #tpu.memory_space<vmem>>
      %dma_wait3A_121 = tpu.memref_squeeze %dma_wait3A_120 : memref<1x128x128xf32, #tpu.memory_space<vmem>> -> memref<128x128xf32, #tpu.memory_space<vmem>>
      %dma_wait3A_122 = arith.constant 0 : i32
      %dma_wait3A_123 = tpu.memref_slice %arg7[%add3A_9, %dma_wait3A_122] : memref<10112x128xf32, #tpu.memory_space<vmem_shared>> -> memref<128x128xf32, #tpu.memory_space<vmem_shared>>
      %dma_wait3A_124 = arith.constant 0 : i32
      %dma_wait3A_125 = tpu.memref_slice %arg7[%add3A_9, %dma_wait3A_124] : memref<10112x128xf32, #tpu.memory_space<vmem_shared>> -> memref<128x128xf32, #tpu.memory_space<vmem_shared>>
      %dma_wait3A_126 = arith.constant 0 : i32
      %dma_wait3A_127 = arith.constant 0 : i32
      %dma_wait3A_128 = tpu.memref_slice %arg6[%run_scoped3A, %dma_wait3A_126, %dma_wait3A_127] : memref<2x128x128xf32, #tpu.memory_space<vmem>> -> memref<1x128x128xf32, #tpu.memory_space<vmem>>
      %dma_wait3A_129 = tpu.memref_squeeze %dma_wait3A_128 : memref<1x128x128xf32, #tpu.memory_space<vmem>> -> memref<128x128xf32, #tpu.memory_space<vmem>>
      tpu.wait_dma2 semaphore(%run_scoped3A_105 : memref<!tpu.dma_semaphore, #tpu.memory_space<semaphore_mem>>) src(%dma_wait3A_129 : memref<128x128xf32, #tpu.memory_space<vmem>>) dst(%dma_wait3A_125 : memref<128x128xf32, #tpu.memory_space<vmem_shared>>)
      tpu.yield
    }) : () -> ()
    %mul3A_10 = arith.constant 632 : i32
    %mul3A_11 = arith.muli %arg1, %mul3A_10 : i32
    %add3A_12 = arith.constant 128 : i32
    %add3A_13 = arith.addi %mul3A_11, %add3A_12 : i32
    %run_scoped3A_14 = arith.constant 0 : i32
    "tpu.region"() ({
      %run_scoped3A_105 = tpu.sem_alloc : memref<!tpu.dma_semaphore, #tpu.memory_space<semaphore_mem>>
      %dma_start3A_106 = arith.constant 0 : i32
      %dma_start3A_107 = arith.constant 0 : i32
      %dma_start3A_108 = tpu.memref_slice %arg6[%run_scoped3A_14, %dma_start3A_106, %dma_start3A_107] : memref<2x128x128xf32, #tpu.memory_space<vmem>> -> memref<1x128x128xf32, #tpu.memory_space<vmem>>
      %dma_start3A_109 = tpu.memref_squeeze %dma_start3A_108 : memref<1x128x128xf32, #tpu.memory_space<vmem>> -> memref<128x128xf32, #tpu.memory_space<vmem>>
      %dma_start3A_110 = arith.constant 0 : i32
      %dma_start3A_111 = tpu.memref_slice %arg7[%add3A_13, %dma_start3A_110] : memref<10112x128xf32, #tpu.memory_space<vmem_shared>> -> memref<128x128xf32, #tpu.memory_space<vmem_shared>>
      %dma_start3A_112 = arith.constant 0 : i32
      %dma_start3A_113 = tpu.memref_slice %arg7[%add3A_13, %dma_start3A_112] : memref<10112x128xf32, #tpu.memory_space<vmem_shared>> -> memref<128x128xf32, #tpu.memory_space<vmem_shared>>
      %dma_start3A_114 = arith.constant 0 : i32
      %dma_start3A_115 = arith.constant 0 : i32
      %dma_start3A_116 = tpu.memref_slice %arg6[%run_scoped3A_14, %dma_start3A_114, %dma_start3A_115] : memref<2x128x128xf32, #tpu.memory_space<vmem>> -> memref<1x128x128xf32, #tpu.memory_space<vmem>>
      %dma_start3A_117 = tpu.memref_squeeze %dma_start3A_116 : memref<1x128x128xf32, #tpu.memory_space<vmem>> -> memref<128x128xf32, #tpu.memory_space<vmem>>
      tpu.enqueue_dma source(%dma_start3A_117 : memref<128x128xf32, #tpu.memory_space<vmem>>) target(%dma_start3A_113 : memref<128x128xf32, #tpu.memory_space<vmem_shared>>) target_semaphore(%run_scoped3A_105 : memref<!tpu.dma_semaphore, #tpu.memory_space<semaphore_mem>>)
      %dma_wait3A_118 = arith.constant 0 : i32
      %dma_wait3A_119 = arith.constant 0 : i32
      %dma_wait3A_120 = tpu.memref_slice %arg6[%run_scoped3A_14, %dma_wait3A_118, %dma_wait3A_119] : memref<2x128x128xf32, #tpu.memory_space<vmem>> -> memref<1x128x128xf32, #tpu.memory_space<vmem>>
      %dma_wait3A_121 = tpu.memref_squeeze %dma_wait3A_120 : memref<1x128x128xf32, #tpu.memory_space<vmem>> -> memref<128x128xf32, #tpu.memory_space<vmem>>
      %dma_wait3A_122 = arith.constant 0 : i32
      %dma_wait3A_123 = tpu.memref_slice %arg7[%add3A_13, %dma_wait3A_122] : memref<10112x128xf32, #tpu.memory_space<vmem_shared>> -> memref<128x128xf32, #tpu.memory_space<vmem_shared>>
      %dma_wait3A_124 = arith.constant 0 : i32
      %dma_wait3A_125 = tpu.memref_slice %arg7[%add3A_13, %dma_wait3A_124] : memref<10112x128xf32, #tpu.memory_space<vmem_shared>> -> memref<128x128xf32, #tpu.memory_space<vmem_shared>>
      %dma_wait3A_126 = arith.constant 0 : i32
      %dma_wait3A_127 = arith.constant 0 : i32
      %dma_wait3A_128 = tpu.memref_slice %arg6[%run_scoped3A_14, %dma_wait3A_126, %dma_wait3A_127] : memref<2x128x128xf32, #tpu.memory_space<vmem>> -> memref<1x128x128xf32, #tpu.memory_space<vmem>>
      %dma_wait3A_129 = tpu.memref_squeeze %dma_wait3A_128 : memref<1x128x128xf32, #tpu.memory_space<vmem>> -> memref<128x128xf32, #tpu.memory_space<vmem>>
      tpu.wait_dma2 semaphore(%run_scoped3A_105 : memref<!tpu.dma_semaphore, #tpu.memory_space<semaphore_mem>>) src(%dma_wait3A_129 : memref<128x128xf32, #tpu.memory_space<vmem>>) dst(%dma_wait3A_125 : memref<128x128xf32, #tpu.memory_space<vmem_shared>>)
      tpu.yield
    }) : () -> ()
    %mul3A_15 = arith.constant 632 : i32
    %mul3A_16 = arith.muli %arg1, %mul3A_15 : i32
    %add3A_17 = arith.constant 256 : i32
    %add3A_18 = arith.addi %mul3A_16, %add3A_17 : i32
    %run_scoped3A_19 = arith.constant 0 : i32
    "tpu.region"() ({
      %run_scoped3A_105 = tpu.sem_alloc : memref<!tpu.dma_semaphore, #tpu.memory_space<semaphore_mem>>
      %dma_start3A_106 = arith.constant 0 : i32
      %dma_start3A_107 = arith.constant 0 : i32
      %dma_start3A_108 = tpu.memref_slice %arg6[%run_scoped3A_19, %dma_start3A_106, %dma_start3A_107] : memref<2x128x128xf32, #tpu.memory_space<vmem>> -> memref<1x128x128xf32, #tpu.memory_space<vmem>>
      %dma_start3A_109 = tpu.memref_squeeze %dma_start3A_108 : memref<1x128x128xf32, #tpu.memory_space<vmem>> -> memref<128x128xf32, #tpu.memory_space<vmem>>
      %dma_start3A_110 = arith.constant 0 : i32
      %dma_start3A_111 = tpu.memref_slice %arg7[%add3A_18, %dma_start3A_110] : memref<10112x128xf32, #tpu.memory_space<vmem_shared>> -> memref<128x128xf32, #tpu.memory_space<vmem_shared>>
      %dma_start3A_112 = arith.constant 0 : i32
      %dma_start3A_113 = tpu.memref_slice %arg7[%add3A_18, %dma_start3A_112] : memref<10112x128xf32, #tpu.memory_space<vmem_shared>> -> memref<128x128xf32, #tpu.memory_space<vmem_shared>>
      %dma_start3A_114 = arith.constant 0 : i32
      %dma_start3A_115 = arith.constant 0 : i32
      %dma_start3A_116 = tpu.memref_slice %arg6[%run_scoped3A_19, %dma_start3A_114, %dma_start3A_115] : memref<2x128x128xf32, #tpu.memory_space<vmem>> -> memref<1x128x128xf32, #tpu.memory_space<vmem>>
      %dma_start3A_117 = tpu.memref_squeeze %dma_start3A_116 : memref<1x128x128xf32, #tpu.memory_space<vmem>> -> memref<128x128xf32, #tpu.memory_space<vmem>>
      tpu.enqueue_dma source(%dma_start3A_117 : memref<128x128xf32, #tpu.memory_space<vmem>>) target(%dma_start3A_113 : memref<128x128xf32, #tpu.memory_space<vmem_shared>>) target_semaphore(%run_scoped3A_105 : memref<!tpu.dma_semaphore, #tpu.memory_space<semaphore_mem>>)
      %dma_wait3A_118 = arith.constant 0 : i32
      %dma_wait3A_119 = arith.constant 0 : i32
      %dma_wait3A_120 = tpu.memref_slice %arg6[%run_scoped3A_19, %dma_wait3A_118, %dma_wait3A_119] : memref<2x128x128xf32, #tpu.memory_space<vmem>> -> memref<1x128x128xf32, #tpu.memory_space<vmem>>
      %dma_wait3A_121 = tpu.memref_squeeze %dma_wait3A_120 : memref<1x128x128xf32, #tpu.memory_space<vmem>> -> memref<128x128xf32, #tpu.memory_space<vmem>>
      %dma_wait3A_122 = arith.constant 0 : i32
      %dma_wait3A_123 = tpu.memref_slice %arg7[%add3A_18, %dma_wait3A_122] : memref<10112x128xf32, #tpu.memory_space<vmem_shared>> -> memref<128x128xf32, #tpu.memory_space<vmem_shared>>
      %dma_wait3A_124 = arith.constant 0 : i32
      %dma_wait3A_125 = tpu.memref_slice %arg7[%add3A_18, %dma_wait3A_124] : memref<10112x128xf32, #tpu.memory_space<vmem_shared>> -> memref<128x128xf32, #tpu.memory_space<vmem_shared>>
      %dma_wait3A_126 = arith.constant 0 : i32
      %dma_wait3A_127 = arith.constant 0 : i32
      %dma_wait3A_128 = tpu.memref_slice %arg6[%run_scoped3A_19, %dma_wait3A_126, %dma_wait3A_127] : memref<2x128x128xf32, #tpu.memory_space<vmem>> -> memref<1x128x128xf32, #tpu.memory_space<vmem>>
      %dma_wait3A_129 = tpu.memref_squeeze %dma_wait3A_128 : memref<1x128x128xf32, #tpu.memory_space<vmem>> -> memref<128x128xf32, #tpu.memory_space<vmem>>
      tpu.wait_dma2 semaphore(%run_scoped3A_105 : memref<!tpu.dma_semaphore, #tpu.memory_space<semaphore_mem>>) src(%dma_wait3A_129 : memref<128x128xf32, #tpu.memory_space<vmem>>) dst(%dma_wait3A_125 : memref<128x128xf32, #tpu.memory_space<vmem_shared>>)
      tpu.yield
    }) : () -> ()
    %mul3A_20 = arith.constant 632 : i32
    %mul3A_21 = arith.muli %arg1, %mul3A_20 : i32
    %add3A_22 = arith.constant 384 : i32
    %add3A_23 = arith.addi %mul3A_21, %add3A_22 : i32
    %run_scoped3A_24 = arith.constant 0 : i32
    "tpu.region"() ({
      %run_scoped3A_105 = tpu.sem_alloc : memref<!tpu.dma_semaphore, #tpu.memory_space<semaphore_mem>>
      %dma_start3A_106 = arith.constant 0 : i32
      %dma_start3A_107 = arith.constant 0 : i32
      %dma_start3A_108 = tpu.memref_slice %arg6[%run_scoped3A_24, %dma_start3A_106, %dma_start3A_107] : memref<2x128x128xf32, #tpu.memory_space<vmem>> -> memref<1x128x128xf32, #tpu.memory_space<vmem>>
      %dma_start3A_109 = tpu.memref_squeeze %dma_start3A_108 : memref<1x128x128xf32, #tpu.memory_space<vmem>> -> memref<128x128xf32, #tpu.memory_space<vmem>>
      %dma_start3A_110 = arith.constant 0 : i32
      %dma_start3A_111 = tpu.memref_slice %arg7[%add3A_23, %dma_start3A_110] : memref<10112x128xf32, #tpu.memory_space<vmem_shared>> -> memref<128x128xf32, #tpu.memory_space<vmem_shared>>
      %dma_start3A_112 = arith.constant 0 : i32
      %dma_start3A_113 = tpu.memref_slice %arg7[%add3A_23, %dma_start3A_112] : memref<10112x128xf32, #tpu.memory_space<vmem_shared>> -> memref<128x128xf32, #tpu.memory_space<vmem_shared>>
      %dma_start3A_114 = arith.constant 0 : i32
      %dma_start3A_115 = arith.constant 0 : i32
      %dma_start3A_116 = tpu.memref_slice %arg6[%run_scoped3A_24, %dma_start3A_114, %dma_start3A_115] : memref<2x128x128xf32, #tpu.memory_space<vmem>> -> memref<1x128x128xf32, #tpu.memory_space<vmem>>
      %dma_start3A_117 = tpu.memref_squeeze %dma_start3A_116 : memref<1x128x128xf32, #tpu.memory_space<vmem>> -> memref<128x128xf32, #tpu.memory_space<vmem>>
      tpu.enqueue_dma source(%dma_start3A_117 : memref<128x128xf32, #tpu.memory_space<vmem>>) target(%dma_start3A_113 : memref<128x128xf32, #tpu.memory_space<vmem_shared>>) target_semaphore(%run_scoped3A_105 : memref<!tpu.dma_semaphore, #tpu.memory_space<semaphore_mem>>)
      %dma_wait3A_118 = arith.constant 0 : i32
      %dma_wait3A_119 = arith.constant 0 : i32
      %dma_wait3A_120 = tpu.memref_slice %arg6[%run_scoped3A_24, %dma_wait3A_118, %dma_wait3A_119] : memref<2x128x128xf32, #tpu.memory_space<vmem>> -> memref<1x128x128xf32, #tpu.memory_space<vmem>>
      %dma_wait3A_121 = tpu.memref_squeeze %dma_wait3A_120 : memref<1x128x128xf32, #tpu.memory_space<vmem>> -> memref<128x128xf32, #tpu.memory_space<vmem>>
      %dma_wait3A_122 = arith.constant 0 : i32
      %dma_wait3A_123 = tpu.memref_slice %arg7[%add3A_23, %dma_wait3A_122] : memref<10112x128xf32, #tpu.memory_space<vmem_shared>> -> memref<128x128xf32, #tpu.memory_space<vmem_shared>>
      %dma_wait3A_124 = arith.constant 0 : i32
      %dma_wait3A_125 = tpu.memref_slice %arg7[%add3A_23, %dma_wait3A_124] : memref<10112x128xf32, #tpu.memory_space<vmem_shared>> -> memref<128x128xf32, #tpu.memory_space<vmem_shared>>
      %dma_wait3A_126 = arith.constant 0 : i32
      %dma_wait3A_127 = arith.constant 0 : i32
      %dma_wait3A_128 = tpu.memref_slice %arg6[%run_scoped3A_24, %dma_wait3A_126, %dma_wait3A_127] : memref<2x128x128xf32, #tpu.memory_space<vmem>> -> memref<1x128x128xf32, #tpu.memory_space<vmem>>
      %dma_wait3A_129 = tpu.memref_squeeze %dma_wait3A_128 : memref<1x128x128xf32, #tpu.memory_space<vmem>> -> memref<128x128xf32, #tpu.memory_space<vmem>>
      tpu.wait_dma2 semaphore(%run_scoped3A_105 : memref<!tpu.dma_semaphore, #tpu.memory_space<semaphore_mem>>) src(%dma_wait3A_129 : memref<128x128xf32, #tpu.memory_space<vmem>>) dst(%dma_wait3A_125 : memref<128x128xf32, #tpu.memory_space<vmem_shared>>)
      tpu.yield
    }) : () -> ()
    %mul3A_25 = arith.constant 632 : i32
    %mul3A_26 = arith.muli %arg1, %mul3A_25 : i32
    %add3A_27 = arith.constant 512 : i32
    %add3A_28 = arith.addi %mul3A_26, %add3A_27 : i32
    %run_scoped3A_29 = arith.constant 0 : i32
    "tpu.region"() ({
      %run_scoped3A_105 = tpu.sem_alloc : memref<!tpu.dma_semaphore, #tpu.memory_space<semaphore_mem>>
      %dma_start3A_106 = arith.constant 0 : i32
      %dma_start3A_107 = arith.constant 0 : i32
      %dma_start3A_108 = tpu.memref_slice %arg6[%run_scoped3A_29, %dma_start3A_106, %dma_start3A_107] : memref<2x128x128xf32, #tpu.memory_space<vmem>> -> memref<1x120x128xf32, #tpu.memory_space<vmem>>
      %dma_start3A_109 = tpu.memref_squeeze %dma_start3A_108 : memref<1x120x128xf32, #tpu.memory_space<vmem>> -> memref<120x128xf32, #tpu.memory_space<vmem>>
      %dma_start3A_110 = arith.constant 0 : i32
      %dma_start3A_111 = tpu.memref_slice %arg7[%add3A_28, %dma_start3A_110] : memref<10112x128xf32, #tpu.memory_space<vmem_shared>> -> memref<120x128xf32, #tpu.memory_space<vmem_shared>>
      %dma_start3A_112 = arith.constant 0 : i32
      %dma_start3A_113 = tpu.memref_slice %arg7[%add3A_28, %dma_start3A_112] : memref<10112x128xf32, #tpu.memory_space<vmem_shared>> -> memref<120x128xf32, #tpu.memory_space<vmem_shared>>
      %dma_start3A_114 = arith.constant 0 : i32
      %dma_start3A_115 = arith.constant 0 : i32
      %dma_start3A_116 = tpu.memref_slice %arg6[%run_scoped3A_29, %dma_start3A_114, %dma_start3A_115] : memref<2x128x128xf32, #tpu.memory_space<vmem>> -> memref<1x120x128xf32, #tpu.memory_space<vmem>>
      %dma_start3A_117 = tpu.memref_squeeze %dma_start3A_116 : memref<1x120x128xf32, #tpu.memory_space<vmem>> -> memref<120x128xf32, #tpu.memory_space<vmem>>
      tpu.enqueue_dma source(%dma_start3A_117 : memref<120x128xf32, #tpu.memory_space<vmem>>) target(%dma_start3A_113 : memref<120x128xf32, #tpu.memory_space<vmem_shared>>) target_semaphore(%run_scoped3A_105 : memref<!tpu.dma_semaphore, #tpu.memory_space<semaphore_mem>>)
      %dma_wait3A_118 = arith.constant 0 : i32
      %dma_wait3A_119 = arith.constant 0 : i32
      %dma_wait3A_120 = tpu.memref_slice %arg6[%run_scoped3A_29, %dma_wait3A_118, %dma_wait3A_119] : memref<2x128x128xf32, #tpu.memory_space<vmem>> -> memref<1x120x128xf32, #tpu.memory_space<vmem>>
      %dma_wait3A_121 = tpu.memref_squeeze %dma_wait3A_120 : memref<1x120x128xf32, #tpu.memory_space<vmem>> -> memref<120x128xf32, #tpu.memory_space<vmem>>
      %dma_wait3A_122 = arith.constant 0 : i32
      %dma_wait3A_123 = tpu.memref_slice %arg7[%add3A_28, %dma_wait3A_122] : memref<10112x128xf32, #tpu.memory_space<vmem_shared>> -> memref<120x128xf32, #tpu.memory_space<vmem_shared>>
      %dma_wait3A_124 = arith.constant 0 : i32
      %dma_wait3A_125 = tpu.memref_slice %arg7[%add3A_28, %dma_wait3A_124] : memref<10112x128xf32, #tpu.memory_space<vmem_shared>> -> memref<120x128xf32, #tpu.memory_space<vmem_shared>>
      %dma_wait3A_126 = arith.constant 0 : i32
      %dma_wait3A_127 = arith.constant 0 : i32
      %dma_wait3A_128 = tpu.memref_slice %arg6[%run_scoped3A_29, %dma_wait3A_126, %dma_wait3A_127] : memref<2x128x128xf32, #tpu.memory_space<vmem>> -> memref<1x120x128xf32, #tpu.memory_space<vmem>>
      %dma_wait3A_129 = tpu.memref_squeeze %dma_wait3A_128 : memref<1x120x128xf32, #tpu.memory_space<vmem>> -> memref<120x128xf32, #tpu.memory_space<vmem>>
      tpu.wait_dma2 semaphore(%run_scoped3A_105 : memref<!tpu.dma_semaphore, #tpu.memory_space<semaphore_mem>>) src(%dma_wait3A_129 : memref<120x128xf32, #tpu.memory_space<vmem>>) dst(%dma_wait3A_125 : memref<120x128xf32, #tpu.memory_space<vmem_shared>>)
      tpu.yield
    }) : () -> ()
    %barrier3A = arith.constant 0 : index
    tpu.barrier barrier_id(%barrier3A)
    %run_scoped3A_30 = arith.constant 0 : i32
    %run_scoped3A_31 = arith.constant 0 : i32
    "tpu.region"() ({
      %run_scoped3A_105 = tpu.sem_alloc : memref<!tpu.dma_semaphore, #tpu.memory_space<semaphore_mem>>
      %dma_start3A_106 = arith.constant 0 : i32
      %dma_start3A_107 = arith.constant 0 : i32
      %dma_start3A_108 = arith.constant 0 : i32
      %dma_start3A_109 = tpu.memref_slice %arg5[%run_scoped3A_31, %dma_start3A_106, %dma_start3A_107, %dma_start3A_108] : memref<2x2x2x128xi32, #tpu.memory_space<vmem>> -> memref<1x2x2x128xi32, #tpu.memory_space<vmem>>
      %dma_start3A_110 = tpu.memref_squeeze %dma_start3A_109 : memref<1x2x2x128xi32, #tpu.memory_space<vmem>> -> memref<2x2x128xi32, #tpu.memory_space<vmem>>
      %dma_start3A_111 = arith.constant 0 : i32
      %dma_start3A_112 = arith.constant 0 : i32
      %dma_start3A_113 = arith.constant 0 : i32
      %dma_start3A_114 = tpu.memref_slice %arg3[%add3A, %run_scoped3A_30, %dma_start3A_111, %dma_start3A_112, %dma_start3A_113] : memref<32x40x2x2x128xi32, #tpu.memory_space<hbm>> -> memref<1x1x2x2x128xi32, #tpu.memory_space<hbm>>
      %dma_start3A_115 = tpu.memref_squeeze %dma_start3A_114 : memref<1x1x2x2x128xi32, #tpu.memory_space<hbm>> -> memref<2x2x128xi32, #tpu.memory_space<hbm>>
      %dma_start3A_116 = arith.constant 0 : i32
      %dma_start3A_117 = arith.constant 0 : i32
      %dma_start3A_118 = arith.constant 0 : i32
      %dma_start3A_119 = tpu.memref_slice %arg5[%run_scoped3A_31, %dma_start3A_116, %dma_start3A_117, %dma_start3A_118] : memref<2x2x2x128xi32, #tpu.memory_space<vmem>> -> memref<1x2x2x128xi32, #tpu.memory_space<vmem>>
      %dma_start3A_120 = tpu.memref_squeeze %dma_start3A_119 : memref<1x2x2x128xi32, #tpu.memory_space<vmem>> -> memref<2x2x128xi32, #tpu.memory_space<vmem>>
      %dma_start3A_121 = arith.constant 0 : i32
      %dma_start3A_122 = arith.constant 0 : i32
      %dma_start3A_123 = arith.constant 0 : i32
      %dma_start3A_124 = tpu.memref_slice %arg3[%add3A, %run_scoped3A_30, %dma_start3A_121, %dma_start3A_122, %dma_start3A_123] : memref<32x40x2x2x128xi32, #tpu.memory_space<hbm>> -> memref<1x1x2x2x128xi32, #tpu.memory_space<hbm>>
      %dma_start3A_125 = tpu.memref_squeeze %dma_start3A_124 : memref<1x1x2x2x128xi32, #tpu.memory_space<hbm>> -> memref<2x2x128xi32, #tpu.memory_space<hbm>>
      tpu.enqueue_dma source(%dma_start3A_125 : memref<2x2x128xi32, #tpu.memory_space<hbm>>) target(%dma_start3A_120 : memref<2x2x128xi32, #tpu.memory_space<vmem>>) target_semaphore(%run_scoped3A_105 : memref<!tpu.dma_semaphore, #tpu.memory_space<semaphore_mem>>)
      %dma_wait3A_126 = arith.constant 0 : i32
      %dma_wait3A_127 = arith.constant 0 : i32
      %dma_wait3A_128 = arith.constant 0 : i32
      %dma_wait3A_129 = tpu.memref_slice %arg5[%run_scoped3A_31, %dma_wait3A_126, %dma_wait3A_127, %dma_wait3A_128] : memref<2x2x2x128xi32, #tpu.memory_space<vmem>> -> memref<1x2x2x128xi32, #tpu.memory_space<vmem>>
      %dma_wait3A_130 = tpu.memref_squeeze %dma_wait3A_129 : memref<1x2x2x128xi32, #tpu.memory_space<vmem>> -> memref<2x2x128xi32, #tpu.memory_space<vmem>>
      %dma_wait3A_131 = arith.constant 0 : i32
      %dma_wait3A_132 = arith.constant 0 : i32
      %dma_wait3A_133 = arith.constant 0 : i32
      %dma_wait3A_134 = tpu.memref_slice %arg3[%add3A, %run_scoped3A_30, %dma_wait3A_131, %dma_wait3A_132, %dma_wait3A_133] : memref<32x40x2x2x128xi32, #tpu.memory_space<hbm>> -> memref<1x1x2x2x128xi32, #tpu.memory_space<hbm>>
      %dma_wait3A_135 = tpu.memref_squeeze %dma_wait3A_134 : memref<1x1x2x2x128xi32, #tpu.memory_space<hbm>> -> memref<2x2x128xi32, #tpu.memory_space<hbm>>
      %dma_wait3A_136 = arith.constant 0 : i32
      %dma_wait3A_137 = arith.constant 0 : i32
      %dma_wait3A_138 = arith.constant 0 : i32
      %dma_wait3A_139 = tpu.memref_slice %arg5[%run_scoped3A_31, %dma_wait3A_136, %dma_wait3A_137, %dma_wait3A_138] : memref<2x2x2x128xi32, #tpu.memory_space<vmem>> -> memref<1x2x2x128xi32, #tpu.memory_space<vmem>>
      %dma_wait3A_140 = tpu.memref_squeeze %dma_wait3A_139 : memref<1x2x2x128xi32, #tpu.memory_space<vmem>> -> memref<2x2x128xi32, #tpu.memory_space<vmem>>
      %dma_wait3A_141 = arith.constant 0 : i32
      %dma_wait3A_142 = arith.constant 0 : i32
      %dma_wait3A_143 = arith.constant 0 : i32
      %dma_wait3A_144 = tpu.memref_slice %arg3[%add3A, %run_scoped3A_30, %dma_wait3A_141, %dma_wait3A_142, %dma_wait3A_143] : memref<32x40x2x2x128xi32, #tpu.memory_space<hbm>> -> memref<1x1x2x2x128xi32, #tpu.memory_space<hbm>>
      %dma_wait3A_145 = tpu.memref_squeeze %dma_wait3A_144 : memref<1x1x2x2x128xi32, #tpu.memory_space<hbm>> -> memref<2x2x128xi32, #tpu.memory_space<hbm>>
      tpu.wait_dma2 semaphore(%run_scoped3A_105 : memref<!tpu.dma_semaphore, #tpu.memory_space<semaphore_mem>>) src(%dma_wait3A_145 : memref<2x2x128xi32, #tpu.memory_space<hbm>>) dst(%dma_wait3A_140 : memref<2x2x128xi32, #tpu.memory_space<vmem>>)
      tpu.yield
    }) : () -> ()
    %dma_start3A = arith.constant 0 : i32
    %dma_start3A_32 = arith.constant 0 : i32
    %dma_start3A_33 = arith.constant 0 : i32
    %dma_start3A_34 = arith.constant 0 : i32
    %dma_start3A_35 = arith.constant 0 : i32
    %dma_start3A_36 = arith.constant 0 : i32
    %dma_start3A_37 = tpu.memref_slice %arg6[%dma_start3A_34, %dma_start3A_35, %dma_start3A_36] : memref<2x128x128xf32, #tpu.memory_space<vmem>> -> memref<1x128x128xf32, #tpu.memory_space<vmem>>
    %dma_start3A_38 = tpu.memref_squeeze %dma_start3A_37 : memref<1x128x128xf32, #tpu.memory_space<vmem>> -> memref<128x128xf32, #tpu.memory_space<vmem>>
    %dma_start3A_39 = arith.constant 0 : i32
    %dma_start3A_40 = tpu.memref_slice %arg5[%dma_start3A, %dma_start3A_32, %dma_start3A_33, %dma_start3A_39] : memref<2x2x2x128xi32, #tpu.memory_space<vmem>> -> memref<1x1x1x128xi32, #tpu.memory_space<vmem>>
    %dma_start3A_41 = tpu.memref_squeeze %dma_start3A_40 : memref<1x1x1x128xi32, #tpu.memory_space<vmem>> -> memref<128xi32, #tpu.memory_space<vmem>>
    %dma_start3A_42 = arith.constant 0 : i32
    %dma_start3A_43 = arith.constant 0 : i32
    %dma_start3A_44 = tpu.memref_slice %arg2[%dma_start3A_42, %dma_start3A_43] : memref<10000x128xf32, #tpu.memory_space<hbm>> -> memref<10000x128xf32, #tpu.memory_space<hbm>>
    tpu.enqueue_indirect_dma source(%dma_start3A_44 : memref<10000x128xf32, #tpu.memory_space<hbm>>) target(%dma_start3A_38 : memref<128x128xf32, #tpu.memory_space<vmem>>) offsets(%dma_start3A_41 : memref<128xi32, #tpu.memory_space<vmem>>) semaphore(%arg8 : memref<!tpu.dma_semaphore, #tpu.memory_space<semaphore_mem>>)
    %scan3A_45 = arith.constant 0 : i32
    %scan3A_46 = arith.constant 0 : i32
    %scan3A_47 = arith.constant 39 : i32
    %scan3A_48 = arith.addi %scan3A_46, %scan3A_47 : i32
    %scan3A_49 = arith.constant 1 : i32
    scf.for %scan3A_105 = %scan3A_46 to %scan3A_48 step %scan3A_49  : i32 {
      %rem3A = arith.constant 2 : i32
      %rem3A_106 = arith.remsi %scan3A_105, %rem3A : i32
      %sub3A = arith.constant 1 : i32
      %sub3A_107 = arith.subi %sub3A, %rem3A_106 : i32
      %add3A_108 = arith.constant 1 : i32
      %add3A_109 = arith.addi %scan3A_105, %add3A_108 : i32
      %dma_start3A_110 = arith.constant 0 : i32
      %dma_start3A_111 = arith.constant 0 : i32
      %dma_start3A_112 = arith.constant 0 : i32
      %dma_start3A_113 = tpu.memref_slice %arg5[%sub3A_107, %dma_start3A_110, %dma_start3A_111, %dma_start3A_112] : memref<2x2x2x128xi32, #tpu.memory_space<vmem>> -> memref<1x2x2x128xi32, #tpu.memory_space<vmem>>
      %dma_start3A_114 = tpu.memref_squeeze %dma_start3A_113 : memref<1x2x2x128xi32, #tpu.memory_space<vmem>> -> memref<2x2x128xi32, #tpu.memory_space<vmem>>
      %dma_start3A_115 = arith.constant 0 : i32
      %dma_start3A_116 = arith.constant 0 : i32
      %dma_start3A_117 = arith.constant 0 : i32
      %dma_start3A_118 = tpu.memref_slice %arg3[%add3A, %add3A_109, %dma_start3A_115, %dma_start3A_116, %dma_start3A_117] : memref<32x40x2x2x128xi32, #tpu.memory_space<hbm>> -> memref<1x1x2x2x128xi32, #tpu.memory_space<hbm>>
      %dma_start3A_119 = tpu.memref_squeeze %dma_start3A_118 : memref<1x1x2x2x128xi32, #tpu.memory_space<hbm>> -> memref<2x2x128xi32, #tpu.memory_space<hbm>>
      %dma_start3A_120 = arith.constant 0 : i32
      %dma_start3A_121 = arith.constant 0 : i32
      %dma_start3A_122 = arith.constant 0 : i32
      %dma_start3A_123 = tpu.memref_slice %arg5[%sub3A_107, %dma_start3A_120, %dma_start3A_121, %dma_start3A_122] : memref<2x2x2x128xi32, #tpu.memory_space<vmem>> -> memref<1x2x2x128xi32, #tpu.memory_space<vmem>>
      %dma_start3A_124 = tpu.memref_squeeze %dma_start3A_123 : memref<1x2x2x128xi32, #tpu.memory_space<vmem>> -> memref<2x2x128xi32, #tpu.memory_space<vmem>>
      %dma_start3A_125 = arith.constant 0 : i32
      %dma_start3A_126 = arith.constant 0 : i32
      %dma_start3A_127 = arith.constant 0 : i32
      %dma_start3A_128 = tpu.memref_slice %arg3[%add3A, %add3A_109, %dma_start3A_125, %dma_start3A_126, %dma_start3A_127] : memref<32x40x2x2x128xi32, #tpu.memory_space<hbm>> -> memref<1x1x2x2x128xi32, #tpu.memory_space<hbm>>
      %dma_start3A_129 = tpu.memref_squeeze %dma_start3A_128 : memref<1x1x2x2x128xi32, #tpu.memory_space<hbm>> -> memref<2x2x128xi32, #tpu.memory_space<hbm>>
      tpu.enqueue_dma source(%dma_start3A_129 : memref<2x2x128xi32, #tpu.memory_space<hbm>>) target(%dma_start3A_124 : memref<2x2x128xi32, #tpu.memory_space<vmem>>) target_semaphore(%arg10 : memref<!tpu.dma_semaphore, #tpu.memory_space<semaphore_mem>>)
      %dma_start3A_130 = arith.constant 1 : i32
      %dma_start3A_131 = arith.constant 0 : i32
      %dma_start3A_132 = arith.constant 1 : i32
      %dma_start3A_133 = arith.constant 0 : i32
      %dma_start3A_134 = arith.constant 0 : i32
      %dma_start3A_135 = tpu.memref_slice %arg6[%dma_start3A_132, %dma_start3A_133, %dma_start3A_134] : memref<2x128x128xf32, #tpu.memory_space<vmem>> -> memref<1x128x128xf32, #tpu.memory_space<vmem>>
      %dma_start3A_136 = tpu.memref_squeeze %dma_start3A_135 : memref<1x128x128xf32, #tpu.memory_space<vmem>> -> memref<128x128xf32, #tpu.memory_space<vmem>>
      %dma_start3A_137 = arith.constant 0 : i32
      %dma_start3A_138 = tpu.memref_slice %arg5[%rem3A_106, %dma_start3A_130, %dma_start3A_131, %dma_start3A_137] : memref<2x2x2x128xi32, #tpu.memory_space<vmem>> -> memref<1x1x1x128xi32, #tpu.memory_space<vmem>>
      %dma_start3A_139 = tpu.memref_squeeze %dma_start3A_138 : memref<1x1x1x128xi32, #tpu.memory_space<vmem>> -> memref<128xi32, #tpu.memory_space<vmem>>
      %dma_start3A_140 = arith.constant 0 : i32
      %dma_start3A_141 = arith.constant 0 : i32
      %dma_start3A_142 = tpu.memref_slice %arg2[%dma_start3A_140, %dma_start3A_141] : memref<10000x128xf32, #tpu.memory_space<hbm>> -> memref<10000x128xf32, #tpu.memory_space<hbm>>
      tpu.enqueue_indirect_dma source(%dma_start3A_142 : memref<10000x128xf32, #tpu.memory_space<hbm>>) target(%dma_start3A_136 : memref<128x128xf32, #tpu.memory_space<vmem>>) offsets(%dma_start3A_139 : memref<128xi32, #tpu.memory_space<vmem>>) semaphore(%arg9 : memref<!tpu.dma_semaphore, #tpu.memory_space<semaphore_mem>>)
      %dma_wait3A_143 = arith.constant 0 : i32
      %dma_wait3A_144 = arith.constant 0 : i32
      %dma_wait3A_145 = arith.constant 0 : i32
      %dma_wait3A_146 = arith.constant 0 : i32
      %dma_wait3A_147 = arith.constant 0 : i32
      %dma_wait3A_148 = tpu.memref_slice %arg6[%dma_wait3A_145, %dma_wait3A_146, %dma_wait3A_147] : memref<2x128x128xf32, #tpu.memory_space<vmem>> -> memref<1x128x128xf32, #tpu.memory_space<vmem>>
      %dma_wait3A_149 = tpu.memref_squeeze %dma_wait3A_148 : memref<1x128x128xf32, #tpu.memory_space<vmem>> -> memref<128x128xf32, #tpu.memory_space<vmem>>
      %dma_wait3A_150 = arith.constant 0 : i32
      %dma_wait3A_151 = tpu.memref_slice %arg5[%rem3A_106, %dma_wait3A_143, %dma_wait3A_144, %dma_wait3A_150] : memref<2x2x2x128xi32, #tpu.memory_space<vmem>> -> memref<1x1x1x128xi32, #tpu.memory_space<vmem>>
      %dma_wait3A_152 = tpu.memref_squeeze %dma_wait3A_151 : memref<1x1x1x128xi32, #tpu.memory_space<vmem>> -> memref<128xi32, #tpu.memory_space<vmem>>
      %dma_wait3A_153 = arith.constant 0 : i32
      %dma_wait3A_154 = arith.constant 0 : i32
      %dma_wait3A_155 = tpu.memref_slice %arg2[%dma_wait3A_153, %dma_wait3A_154] : memref<10000x128xf32, #tpu.memory_space<hbm>> -> memref<10000x128xf32, #tpu.memory_space<hbm>>
      tpu.wait_indirect_dma semaphore(%arg8 : memref<!tpu.dma_semaphore, #tpu.memory_space<semaphore_mem>>) src(%dma_wait3A_155 : memref<10000x128xf32, #tpu.memory_space<hbm>>) dst(%dma_wait3A_149 : memref<128x128xf32, #tpu.memory_space<vmem>>)
      %run_scoped3A_156 = arith.constant 0 : i32
      %run_scoped3A_157 = arith.constant 0 : i32
      %run_scoped3A_158 = arith.constant 1 : i32
      "tpu.region"() ({
        %run_scoped3A_208 = tpu.sem_alloc : memref<!tpu.dma_semaphore, #tpu.memory_space<semaphore_mem>>
        %dma_start3A_209 = arith.constant 0 : i32
        %dma_start3A_210 = arith.constant 0 : i32
        %dma_start3A_211 = tpu.memref_slice %arg6[%run_scoped3A_156, %dma_start3A_209, %dma_start3A_210] : memref<2x128x128xf32, #tpu.memory_space<vmem>> -> memref<1x128x128xf32, #tpu.memory_space<vmem>>
        %dma_start3A_212 = tpu.memref_squeeze %dma_start3A_211 : memref<1x128x128xf32, #tpu.memory_space<vmem>> -> memref<128x128xf32, #tpu.memory_space<vmem>>
        %dma_start3A_213 = arith.constant 0 : i32
        %dma_start3A_214 = tpu.memref_slice %arg5[%rem3A_106, %run_scoped3A_157, %run_scoped3A_158, %dma_start3A_213] : memref<2x2x2x128xi32, #tpu.memory_space<vmem>> -> memref<1x1x1x128xi32, #tpu.memory_space<vmem>>
        %dma_start3A_215 = tpu.memref_squeeze %dma_start3A_214 : memref<1x1x1x128xi32, #tpu.memory_space<vmem>> -> memref<128xi32, #tpu.memory_space<vmem>>
        %dma_start3A_216 = arith.constant 0 : i32
        %dma_start3A_217 = arith.constant 0 : i32
        %dma_start3A_218 = tpu.memref_slice %arg7[%dma_start3A_216, %dma_start3A_217] : memref<10112x128xf32, #tpu.memory_space<vmem_shared>> -> memref<10112x128xf32, #tpu.memory_space<vmem_shared>>
        tpu.enqueue_indirect_dma source(%dma_start3A_212 : memref<128x128xf32, #tpu.memory_space<vmem>>) target(%dma_start3A_218 : memref<10112x128xf32, #tpu.memory_space<vmem_shared>>) offsets(%dma_start3A_215 : memref<128xi32, #tpu.memory_space<vmem>>) semaphore(%run_scoped3A_208 : memref<!tpu.dma_semaphore, #tpu.memory_space<semaphore_mem>>) {add = true}
        %dma_wait3A_219 = arith.constant 0 : i32
        %dma_wait3A_220 = arith.constant 0 : i32
        %dma_wait3A_221 = tpu.memref_slice %arg6[%run_scoped3A_156, %dma_wait3A_219, %dma_wait3A_220] : memref<2x128x128xf32, #tpu.memory_space<vmem>> -> memref<1x128x128xf32, #tpu.memory_space<vmem>>
        %dma_wait3A_222 = tpu.memref_squeeze %dma_wait3A_221 : memref<1x128x128xf32, #tpu.memory_space<vmem>> -> memref<128x128xf32, #tpu.memory_space<vmem>>
        %dma_wait3A_223 = arith.constant 0 : i32
        %dma_wait3A_224 = tpu.memref_slice %arg5[%rem3A_106, %run_scoped3A_157, %run_scoped3A_158, %dma_wait3A_223] : memref<2x2x2x128xi32, #tpu.memory_space<vmem>> -> memref<1x1x1x128xi32, #tpu.memory_space<vmem>>
        %dma_wait3A_225 = tpu.memref_squeeze %dma_wait3A_224 : memref<1x1x1x128xi32, #tpu.memory_space<vmem>> -> memref<128xi32, #tpu.memory_space<vmem>>
        %dma_wait3A_226 = arith.constant 0 : i32
        %dma_wait3A_227 = arith.constant 0 : i32
        %dma_wait3A_228 = tpu.memref_slice %arg7[%dma_wait3A_226, %dma_wait3A_227] : memref<10112x128xf32, #tpu.memory_space<vmem_shared>> -> memref<10112x128xf32, #tpu.memory_space<vmem_shared>>
        tpu.wait_indirect_dma semaphore(%run_scoped3A_208 : memref<!tpu.dma_semaphore, #tpu.memory_space<semaphore_mem>>) src(%dma_wait3A_222 : memref<128x128xf32, #tpu.memory_space<vmem>>) dst(%dma_wait3A_228 : memref<10112x128xf32, #tpu.memory_space<vmem_shared>>)
        tpu.yield
      }) : () -> ()
      %dma_wait3A_159 = arith.constant 0 : i32
      %dma_wait3A_160 = arith.constant 0 : i32
      %dma_wait3A_161 = arith.constant 0 : i32
      %dma_wait3A_162 = tpu.memref_slice %arg5[%sub3A_107, %dma_wait3A_159, %dma_wait3A_160, %dma_wait3A_161] : memref<2x2x2x128xi32, #tpu.memory_space<vmem>> -> memref<1x2x2x128xi32, #tpu.memory_space<vmem>>
      %dma_wait3A_163 = tpu.memref_squeeze %dma_wait3A_162 : memref<1x2x2x128xi32, #tpu.memory_space<vmem>> -> memref<2x2x128xi32, #tpu.memory_space<vmem>>
      %dma_wait3A_164 = arith.constant 0 : i32
      %dma_wait3A_165 = arith.constant 0 : i32
      %dma_wait3A_166 = arith.constant 0 : i32
      %dma_wait3A_167 = tpu.memref_slice %arg3[%add3A, %add3A_109, %dma_wait3A_164, %dma_wait3A_165, %dma_wait3A_166] : memref<32x40x2x2x128xi32, #tpu.memory_space<hbm>> -> memref<1x1x2x2x128xi32, #tpu.memory_space<hbm>>
      %dma_wait3A_168 = tpu.memref_squeeze %dma_wait3A_167 : memref<1x1x2x2x128xi32, #tpu.memory_space<hbm>> -> memref<2x2x128xi32, #tpu.memory_space<hbm>>
      %dma_wait3A_169 = arith.constant 0 : i32
      %dma_wait3A_170 = arith.constant 0 : i32
      %dma_wait3A_171 = arith.constant 0 : i32
      %dma_wait3A_172 = tpu.memref_slice %arg5[%sub3A_107, %dma_wait3A_169, %dma_wait3A_170, %dma_wait3A_171] : memref<2x2x2x128xi32, #tpu.memory_space<vmem>> -> memref<1x2x2x128xi32, #tpu.memory_space<vmem>>
      %dma_wait3A_173 = tpu.memref_squeeze %dma_wait3A_172 : memref<1x2x2x128xi32, #tpu.memory_space<vmem>> -> memref<2x2x128xi32, #tpu.memory_space<vmem>>
      %dma_wait3A_174 = arith.constant 0 : i32
      %dma_wait3A_175 = arith.constant 0 : i32
      %dma_wait3A_176 = arith.constant 0 : i32
      %dma_wait3A_177 = tpu.memref_slice %arg3[%add3A, %add3A_109, %dma_wait3A_174, %dma_wait3A_175, %dma_wait3A_176] : memref<32x40x2x2x128xi32, #tpu.memory_space<hbm>> -> memref<1x1x2x2x128xi32, #tpu.memory_space<hbm>>
      %dma_wait3A_178 = tpu.memref_squeeze %dma_wait3A_177 : memref<1x1x2x2x128xi32, #tpu.memory_space<hbm>> -> memref<2x2x128xi32, #tpu.memory_space<hbm>>
      tpu.wait_dma2 semaphore(%arg10 : memref<!tpu.dma_semaphore, #tpu.memory_space<semaphore_mem>>) src(%dma_wait3A_178 : memref<2x2x128xi32, #tpu.memory_space<hbm>>) dst(%dma_wait3A_173 : memref<2x2x128xi32, #tpu.memory_space<vmem>>)
      %dma_start3A_179 = arith.constant 0 : i32
      %dma_start3A_180 = arith.constant 0 : i32
      %dma_start3A_181 = arith.constant 0 : i32
      %dma_start3A_182 = arith.constant 0 : i32
      %dma_start3A_183 = arith.constant 0 : i32
      %dma_start3A_184 = tpu.memref_slice %arg6[%dma_start3A_181, %dma_start3A_182, %dma_start3A_183] : memref<2x128x128xf32, #tpu.memory_space<vmem>> -> memref<1x128x128xf32, #tpu.memory_space<vmem>>
      %dma_start3A_185 = tpu.memref_squeeze %dma_start3A_184 : memref<1x128x128xf32, #tpu.memory_space<vmem>> -> memref<128x128xf32, #tpu.memory_space<vmem>>
      %dma_start3A_186 = arith.constant 0 : i32
      %dma_start3A_187 = tpu.memref_slice %arg5[%sub3A_107, %dma_start3A_179, %dma_start3A_180, %dma_start3A_186] : memref<2x2x2x128xi32, #tpu.memory_space<vmem>> -> memref<1x1x1x128xi32, #tpu.memory_space<vmem>>
      %dma_start3A_188 = tpu.memref_squeeze %dma_start3A_187 : memref<1x1x1x128xi32, #tpu.memory_space<vmem>> -> memref<128xi32, #tpu.memory_space<vmem>>
      %dma_start3A_189 = arith.constant 0 : i32
      %dma_start3A_190 = arith.constant 0 : i32
      %dma_start3A_191 = tpu.memref_slice %arg2[%dma_start3A_189, %dma_start3A_190] : memref<10000x128xf32, #tpu.memory_space<hbm>> -> memref<10000x128xf32, #tpu.memory_space<hbm>>
      tpu.enqueue_indirect_dma source(%dma_start3A_191 : memref<10000x128xf32, #tpu.memory_space<hbm>>) target(%dma_start3A_185 : memref<128x128xf32, #tpu.memory_space<vmem>>) offsets(%dma_start3A_188 : memref<128xi32, #tpu.memory_space<vmem>>) semaphore(%arg8 : memref<!tpu.dma_semaphore, #tpu.memory_space<semaphore_mem>>)
      %dma_wait3A_192 = arith.constant 1 : i32
      %dma_wait3A_193 = arith.constant 0 : i32
      %dma_wait3A_194 = arith.constant 1 : i32
      %dma_wait3A_195 = arith.constant 0 : i32
      %dma_wait3A_196 = arith.constant 0 : i32
      %dma_wait3A_197 = tpu.memref_slice %arg6[%dma_wait3A_194, %dma_wait3A_195, %dma_wait3A_196] : memref<2x128x128xf32, #tpu.memory_space<vmem>> -> memref<1x128x128xf32, #tpu.memory_space<vmem>>
      %dma_wait3A_198 = tpu.memref_squeeze %dma_wait3A_197 : memref<1x128x128xf32, #tpu.memory_space<vmem>> -> memref<128x128xf32, #tpu.memory_space<vmem>>
      %dma_wait3A_199 = arith.constant 0 : i32
      %dma_wait3A_200 = tpu.memref_slice %arg5[%rem3A_106, %dma_wait3A_192, %dma_wait3A_193, %dma_wait3A_199] : memref<2x2x2x128xi32, #tpu.memory_space<vmem>> -> memref<1x1x1x128xi32, #tpu.memory_space<vmem>>
      %dma_wait3A_201 = tpu.memref_squeeze %dma_wait3A_200 : memref<1x1x1x128xi32, #tpu.memory_space<vmem>> -> memref<128xi32, #tpu.memory_space<vmem>>
      %dma_wait3A_202 = arith.constant 0 : i32
      %dma_wait3A_203 = arith.constant 0 : i32
      %dma_wait3A_204 = tpu.memref_slice %arg2[%dma_wait3A_202, %dma_wait3A_203] : memref<10000x128xf32, #tpu.memory_space<hbm>> -> memref<10000x128xf32, #tpu.memory_space<hbm>>
      tpu.wait_indirect_dma semaphore(%arg9 : memref<!tpu.dma_semaphore, #tpu.memory_space<semaphore_mem>>) src(%dma_wait3A_204 : memref<10000x128xf32, #tpu.memory_space<hbm>>) dst(%dma_wait3A_198 : memref<128x128xf32, #tpu.memory_space<vmem>>)
      %run_scoped3A_205 = arith.constant 1 : i32
      %run_scoped3A_206 = arith.constant 1 : i32
      %run_scoped3A_207 = arith.constant 1 : i32
      "tpu.region"() ({
        %run_scoped3A_208 = tpu.sem_alloc : memref<!tpu.dma_semaphore, #tpu.memory_space<semaphore_mem>>
        %dma_start3A_209 = arith.constant 0 : i32
        %dma_start3A_210 = arith.constant 0 : i32
        %dma_start3A_211 = tpu.memref_slice %arg6[%run_scoped3A_205, %dma_start3A_209, %dma_start3A_210] : memref<2x128x128xf32, #tpu.memory_space<vmem>> -> memref<1x128x128xf32, #tpu.memory_space<vmem>>
        %dma_start3A_212 = tpu.memref_squeeze %dma_start3A_211 : memref<1x128x128xf32, #tpu.memory_space<vmem>> -> memref<128x128xf32, #tpu.memory_space<vmem>>
        %dma_start3A_213 = arith.constant 0 : i32
        %dma_start3A_214 = tpu.memref_slice %arg5[%rem3A_106, %run_scoped3A_206, %run_scoped3A_207, %dma_start3A_213] : memref<2x2x2x128xi32, #tpu.memory_space<vmem>> -> memref<1x1x1x128xi32, #tpu.memory_space<vmem>>
        %dma_start3A_215 = tpu.memref_squeeze %dma_start3A_214 : memref<1x1x1x128xi32, #tpu.memory_space<vmem>> -> memref<128xi32, #tpu.memory_space<vmem>>
        %dma_start3A_216 = arith.constant 0 : i32
        %dma_start3A_217 = arith.constant 0 : i32
        %dma_start3A_218 = tpu.memref_slice %arg7[%dma_start3A_216, %dma_start3A_217] : memref<10112x128xf32, #tpu.memory_space<vmem_shared>> -> memref<10112x128xf32, #tpu.memory_space<vmem_shared>>
        tpu.enqueue_indirect_dma source(%dma_start3A_212 : memref<128x128xf32, #tpu.memory_space<vmem>>) target(%dma_start3A_218 : memref<10112x128xf32, #tpu.memory_space<vmem_shared>>) offsets(%dma_start3A_215 : memref<128xi32, #tpu.memory_space<vmem>>) semaphore(%run_scoped3A_208 : memref<!tpu.dma_semaphore, #tpu.memory_space<semaphore_mem>>) {add = true}
        %dma_wait3A_219 = arith.constant 0 : i32
        %dma_wait3A_220 = arith.constant 0 : i32
        %dma_wait3A_221 = tpu.memref_slice %arg6[%run_scoped3A_205, %dma_wait3A_219, %dma_wait3A_220] : memref<2x128x128xf32, #tpu.memory_space<vmem>> -> memref<1x128x128xf32, #tpu.memory_space<vmem>>
        %dma_wait3A_222 = tpu.memref_squeeze %dma_wait3A_221 : memref<1x128x128xf32, #tpu.memory_space<vmem>> -> memref<128x128xf32, #tpu.memory_space<vmem>>
        %dma_wait3A_223 = arith.constant 0 : i32
        %dma_wait3A_224 = tpu.memref_slice %arg5[%rem3A_106, %run_scoped3A_206, %run_scoped3A_207, %dma_wait3A_223] : memref<2x2x2x128xi32, #tpu.memory_space<vmem>> -> memref<1x1x1x128xi32, #tpu.memory_space<vmem>>
        %dma_wait3A_225 = tpu.memref_squeeze %dma_wait3A_224 : memref<1x1x1x128xi32, #tpu.memory_space<vmem>> -> memref<128xi32, #tpu.memory_space<vmem>>
        %dma_wait3A_226 = arith.constant 0 : i32
        %dma_wait3A_227 = arith.constant 0 : i32
        %dma_wait3A_228 = tpu.memref_slice %arg7[%dma_wait3A_226, %dma_wait3A_227] : memref<10112x128xf32, #tpu.memory_space<vmem_shared>> -> memref<10112x128xf32, #tpu.memory_space<vmem_shared>>
        tpu.wait_indirect_dma semaphore(%run_scoped3A_208 : memref<!tpu.dma_semaphore, #tpu.memory_space<semaphore_mem>>) src(%dma_wait3A_222 : memref<128x128xf32, #tpu.memory_space<vmem>>) dst(%dma_wait3A_228 : memref<10112x128xf32, #tpu.memory_space<vmem_shared>>)
        tpu.yield
      }) : () -> ()
    }
    %scan3A_50 = arith.constant 39 : i32
    %dma_start3A_51 = arith.constant 1 : i32
    %dma_start3A_52 = arith.constant 1 : i32
    %dma_start3A_53 = arith.constant 0 : i32
    %dma_start3A_54 = arith.constant 1 : i32
    %dma_start3A_55 = arith.constant 0 : i32
    %dma_start3A_56 = arith.constant 0 : i32
    %dma_start3A_57 = tpu.memref_slice %arg6[%dma_start3A_54, %dma_start3A_55, %dma_start3A_56] : memref<2x128x128xf32, #tpu.memory_space<vmem>> -> memref<1x128x128xf32, #tpu.memory_space<vmem>>
    %dma_start3A_58 = tpu.memref_squeeze %dma_start3A_57 : memref<1x128x128xf32, #tpu.memory_space<vmem>> -> memref<128x128xf32, #tpu.memory_space<vmem>>
    %dma_start3A_59 = arith.constant 0 : i32
    %dma_start3A_60 = tpu.memref_slice %arg5[%dma_start3A_51, %dma_start3A_52, %dma_start3A_53, %dma_start3A_59] : memref<2x2x2x128xi32, #tpu.memory_space<vmem>> -> memref<1x1x1x128xi32, #tpu.memory_space<vmem>>
    %dma_start3A_61 = tpu.memref_squeeze %dma_start3A_60 : memref<1x1x1x128xi32, #tpu.memory_space<vmem>> -> memref<128xi32, #tpu.memory_space<vmem>>
    %dma_start3A_62 = arith.constant 0 : i32
    %dma_start3A_63 = arith.constant 0 : i32
    %dma_start3A_64 = tpu.memref_slice %arg2[%dma_start3A_62, %dma_start3A_63] : memref<10000x128xf32, #tpu.memory_space<hbm>> -> memref<10000x128xf32, #tpu.memory_space<hbm>>
    tpu.enqueue_indirect_dma source(%dma_start3A_64 : memref<10000x128xf32, #tpu.memory_space<hbm>>) target(%dma_start3A_58 : memref<128x128xf32, #tpu.memory_space<vmem>>) offsets(%dma_start3A_61 : memref<128xi32, #tpu.memory_space<vmem>>) semaphore(%arg9 : memref<!tpu.dma_semaphore, #tpu.memory_space<semaphore_mem>>)
    %dma_wait3A = arith.constant 1 : i32
    %dma_wait3A_65 = arith.constant 0 : i32
    %dma_wait3A_66 = arith.constant 0 : i32
    %dma_wait3A_67 = arith.constant 0 : i32
    %dma_wait3A_68 = arith.constant 0 : i32
    %dma_wait3A_69 = arith.constant 0 : i32
    %dma_wait3A_70 = tpu.memref_slice %arg6[%dma_wait3A_67, %dma_wait3A_68, %dma_wait3A_69] : memref<2x128x128xf32, #tpu.memory_space<vmem>> -> memref<1x128x128xf32, #tpu.memory_space<vmem>>
    %dma_wait3A_71 = tpu.memref_squeeze %dma_wait3A_70 : memref<1x128x128xf32, #tpu.memory_space<vmem>> -> memref<128x128xf32, #tpu.memory_space<vmem>>
    %dma_wait3A_72 = arith.constant 0 : i32
    %dma_wait3A_73 = tpu.memref_slice %arg5[%dma_wait3A, %dma_wait3A_65, %dma_wait3A_66, %dma_wait3A_72] : memref<2x2x2x128xi32, #tpu.memory_space<vmem>> -> memref<1x1x1x128xi32, #tpu.memory_space<vmem>>
    %dma_wait3A_74 = tpu.memref_squeeze %dma_wait3A_73 : memref<1x1x1x128xi32, #tpu.memory_space<vmem>> -> memref<128xi32, #tpu.memory_space<vmem>>
    %dma_wait3A_75 = arith.constant 0 : i32
    %dma_wait3A_76 = arith.constant 0 : i32
    %dma_wait3A_77 = tpu.memref_slice %arg2[%dma_wait3A_75, %dma_wait3A_76] : memref<10000x128xf32, #tpu.memory_space<hbm>> -> memref<10000x128xf32, #tpu.memory_space<hbm>>
    tpu.wait_indirect_dma semaphore(%arg8 : memref<!tpu.dma_semaphore, #tpu.memory_space<semaphore_mem>>) src(%dma_wait3A_77 : memref<10000x128xf32, #tpu.memory_space<hbm>>) dst(%dma_wait3A_71 : memref<128x128xf32, #tpu.memory_space<vmem>>)
    %run_scoped3A_78 = arith.constant 0 : i32
    %run_scoped3A_79 = arith.constant 1 : i32
    %run_scoped3A_80 = arith.constant 0 : i32
    %run_scoped3A_81 = arith.constant 1 : i32
    "tpu.region"() ({
      %run_scoped3A_105 = tpu.sem_alloc : memref<!tpu.dma_semaphore, #tpu.memory_space<semaphore_mem>>
      %dma_start3A_106 = arith.constant 0 : i32
      %dma_start3A_107 = arith.constant 0 : i32
      %dma_start3A_108 = tpu.memref_slice %arg6[%run_scoped3A_78, %dma_start3A_106, %dma_start3A_107] : memref<2x128x128xf32, #tpu.memory_space<vmem>> -> memref<1x128x128xf32, #tpu.memory_space<vmem>>
      %dma_start3A_109 = tpu.memref_squeeze %dma_start3A_108 : memref<1x128x128xf32, #tpu.memory_space<vmem>> -> memref<128x128xf32, #tpu.memory_space<vmem>>
      %dma_start3A_110 = arith.constant 0 : i32
      %dma_start3A_111 = tpu.memref_slice %arg5[%run_scoped3A_79, %run_scoped3A_80, %run_scoped3A_81, %dma_start3A_110] : memref<2x2x2x128xi32, #tpu.memory_space<vmem>> -> memref<1x1x1x128xi32, #tpu.memory_space<vmem>>
      %dma_start3A_112 = tpu.memref_squeeze %dma_start3A_111 : memref<1x1x1x128xi32, #tpu.memory_space<vmem>> -> memref<128xi32, #tpu.memory_space<vmem>>
      %dma_start3A_113 = arith.constant 0 : i32
      %dma_start3A_114 = arith.constant 0 : i32
      %dma_start3A_115 = tpu.memref_slice %arg7[%dma_start3A_113, %dma_start3A_114] : memref<10112x128xf32, #tpu.memory_space<vmem_shared>> -> memref<10112x128xf32, #tpu.memory_space<vmem_shared>>
      tpu.enqueue_indirect_dma source(%dma_start3A_109 : memref<128x128xf32, #tpu.memory_space<vmem>>) target(%dma_start3A_115 : memref<10112x128xf32, #tpu.memory_space<vmem_shared>>) offsets(%dma_start3A_112 : memref<128xi32, #tpu.memory_space<vmem>>) semaphore(%run_scoped3A_105 : memref<!tpu.dma_semaphore, #tpu.memory_space<semaphore_mem>>) {add = true}
      %dma_wait3A_116 = arith.constant 0 : i32
      %dma_wait3A_117 = arith.constant 0 : i32
      %dma_wait3A_118 = tpu.memref_slice %arg6[%run_scoped3A_78, %dma_wait3A_116, %dma_wait3A_117] : memref<2x128x128xf32, #tpu.memory_space<vmem>> -> memref<1x128x128xf32, #tpu.memory_space<vmem>>
      %dma_wait3A_119 = tpu.memref_squeeze %dma_wait3A_118 : memref<1x128x128xf32, #tpu.memory_space<vmem>> -> memref<128x128xf32, #tpu.memory_space<vmem>>
      %dma_wait3A_120 = arith.constant 0 : i32
      %dma_wait3A_121 = tpu.memref_slice %arg5[%run_scoped3A_79, %run_scoped3A_80, %run_scoped3A_81, %dma_wait3A_120] : memref<2x2x2x128xi32, #tpu.memory_space<vmem>> -> memref<1x1x1x128xi32, #tpu.memory_space<vmem>>
      %dma_wait3A_122 = tpu.memref_squeeze %dma_wait3A_121 : memref<1x1x1x128xi32, #tpu.memory_space<vmem>> -> memref<128xi32, #tpu.memory_space<vmem>>
      %dma_wait3A_123 = arith.constant 0 : i32
      %dma_wait3A_124 = arith.constant 0 : i32
      %dma_wait3A_125 = tpu.memref_slice %arg7[%dma_wait3A_123, %dma_wait3A_124] : memref<10112x128xf32, #tpu.memory_space<vmem_shared>> -> memref<10112x128xf32, #tpu.memory_space<vmem_shared>>
      tpu.wait_indirect_dma semaphore(%run_scoped3A_105 : memref<!tpu.dma_semaphore, #tpu.memory_space<semaphore_mem>>) src(%dma_wait3A_119 : memref<128x128xf32, #tpu.memory_space<vmem>>) dst(%dma_wait3A_125 : memref<10112x128xf32, #tpu.memory_space<vmem_shared>>)
      tpu.yield
    }) : () -> ()
    %dma_wait3A_82 = arith.constant 1 : i32
    %dma_wait3A_83 = arith.constant 1 : i32
    %dma_wait3A_84 = arith.constant 0 : i32
    %dma_wait3A_85 = arith.constant 1 : i32
    %dma_wait3A_86 = arith.constant 0 : i32
    %dma_wait3A_87 = arith.constant 0 : i32
    %dma_wait3A_88 = tpu.memref_slice %arg6[%dma_wait3A_85, %dma_wait3A_86, %dma_wait3A_87] : memref<2x128x128xf32, #tpu.memory_space<vmem>> -> memref<1x128x128xf32, #tpu.memory_space<vmem>>
    %dma_wait3A_89 = tpu.memref_squeeze %dma_wait3A_88 : memref<1x128x128xf32, #tpu.memory_space<vmem>> -> memref<128x128xf32, #tpu.memory_space<vmem>>
    %dma_wait3A_90 = arith.constant 0 : i32
    %dma_wait3A_91 = tpu.memref_slice %arg5[%dma_wait3A_82, %dma_wait3A_83, %dma_wait3A_84, %dma_wait3A_90] : memref<2x2x2x128xi32, #tpu.memory_space<vmem>> -> memref<1x1x1x128xi32, #tpu.memory_space<vmem>>
    %dma_wait3A_92 = tpu.memref_squeeze %dma_wait3A_91 : memref<1x1x1x128xi32, #tpu.memory_space<vmem>> -> memref<128xi32, #tpu.memory_space<vmem>>
    %dma_wait3A_93 = arith.constant 0 : i32
    %dma_wait3A_94 = arith.constant 0 : i32
    %dma_wait3A_95 = tpu.memref_slice %arg2[%dma_wait3A_93, %dma_wait3A_94] : memref<10000x128xf32, #tpu.memory_space<hbm>> -> memref<10000x128xf32, #tpu.memory_space<hbm>>
    tpu.wait_indirect_dma semaphore(%arg9 : memref<!tpu.dma_semaphore, #tpu.memory_space<semaphore_mem>>) src(%dma_wait3A_95 : memref<10000x128xf32, #tpu.memory_space<hbm>>) dst(%dma_wait3A_89 : memref<128x128xf32, #tpu.memory_space<vmem>>)
    %run_scoped3A_96 = arith.constant 1 : i32
    %run_scoped3A_97 = arith.constant 1 : i32
    %run_scoped3A_98 = arith.constant 1 : i32
    %run_scoped3A_99 = arith.constant 1 : i32
    "tpu.region"() ({
      %run_scoped3A_105 = tpu.sem_alloc : memref<!tpu.dma_semaphore, #tpu.memory_space<semaphore_mem>>
      %dma_start3A_106 = arith.constant 0 : i32
      %dma_start3A_107 = arith.constant 0 : i32
      %dma_start3A_108 = tpu.memref_slice %arg6[%run_scoped3A_96, %dma_start3A_106, %dma_start3A_107] : memref<2x128x128xf32, #tpu.memory_space<vmem>> -> memref<1x128x128xf32, #tpu.memory_space<vmem>>
      %dma_start3A_109 = tpu.memref_squeeze %dma_start3A_108 : memref<1x128x128xf32, #tpu.memory_space<vmem>> -> memref<128x128xf32, #tpu.memory_space<vmem>>
      %dma_start3A_110 = arith.constant 0 : i32
      %dma_start3A_111 = tpu.memref_slice %arg5[%run_scoped3A_97, %run_scoped3A_98, %run_scoped3A_99, %dma_start3A_110] : memref<2x2x2x128xi32, #tpu.memory_space<vmem>> -> memref<1x1x1x128xi32, #tpu.memory_space<vmem>>
      %dma_start3A_112 = tpu.memref_squeeze %dma_start3A_111 : memref<1x1x1x128xi32, #tpu.memory_space<vmem>> -> memref<128xi32, #tpu.memory_space<vmem>>
      %dma_start3A_113 = arith.constant 0 : i32
      %dma_start3A_114 = arith.constant 0 : i32
      %dma_start3A_115 = tpu.memref_slice %arg7[%dma_start3A_113, %dma_start3A_114] : memref<10112x128xf32, #tpu.memory_space<vmem_shared>> -> memref<10112x128xf32, #tpu.memory_space<vmem_shared>>
      tpu.enqueue_indirect_dma source(%dma_start3A_109 : memref<128x128xf32, #tpu.memory_space<vmem>>) target(%dma_start3A_115 : memref<10112x128xf32, #tpu.memory_space<vmem_shared>>) offsets(%dma_start3A_112 : memref<128xi32, #tpu.memory_space<vmem>>) semaphore(%run_scoped3A_105 : memref<!tpu.dma_semaphore, #tpu.memory_space<semaphore_mem>>) {add = true}
      %dma_wait3A_116 = arith.constant 0 : i32
      %dma_wait3A_117 = arith.constant 0 : i32
      %dma_wait3A_118 = tpu.memref_slice %arg6[%run_scoped3A_96, %dma_wait3A_116, %dma_wait3A_117] : memref<2x128x128xf32, #tpu.memory_space<vmem>> -> memref<1x128x128xf32, #tpu.memory_space<vmem>>
      %dma_wait3A_119 = tpu.memref_squeeze %dma_wait3A_118 : memref<1x128x128xf32, #tpu.memory_space<vmem>> -> memref<128x128xf32, #tpu.memory_space<vmem>>
      %dma_wait3A_120 = arith.constant 0 : i32
      %dma_wait3A_121 = tpu.memref_slice %arg5[%run_scoped3A_97, %run_scoped3A_98, %run_scoped3A_99, %dma_wait3A_120] : memref<2x2x2x128xi32, #tpu.memory_space<vmem>> -> memref<1x1x1x128xi32, #tpu.memory_space<vmem>>
      %dma_wait3A_122 = tpu.memref_squeeze %dma_wait3A_121 : memref<1x1x1x128xi32, #tpu.memory_space<vmem>> -> memref<128xi32, #tpu.memory_space<vmem>>
      %dma_wait3A_123 = arith.constant 0 : i32
      %dma_wait3A_124 = arith.constant 0 : i32
      %dma_wait3A_125 = tpu.memref_slice %arg7[%dma_wait3A_123, %dma_wait3A_124] : memref<10112x128xf32, #tpu.memory_space<vmem_shared>> -> memref<10112x128xf32, #tpu.memory_space<vmem_shared>>
      tpu.wait_indirect_dma semaphore(%run_scoped3A_105 : memref<!tpu.dma_semaphore, #tpu.memory_space<semaphore_mem>>) src(%dma_wait3A_119 : memref<128x128xf32, #tpu.memory_space<vmem>>) dst(%dma_wait3A_125 : memref<10112x128xf32, #tpu.memory_space<vmem_shared>>)
      tpu.yield
    }) : () -> ()
    %barrier3A_100 = arith.constant 0 : index
    tpu.barrier barrier_id(%barrier3A_100)
    %mul3A_101 = arith.constant 632 : i32
    %mul3A_102 = arith.muli %arg1, %mul3A_101 : i32
    %mul3A_103 = arith.constant 632 : i32
    %mul3A_104 = arith.muli %arg1, %mul3A_103 : i32
    "tpu.region"() ({
      %run_scoped3A_105 = tpu.sem_alloc : memref<!tpu.dma_semaphore, #tpu.memory_space<semaphore_mem>>
      %dma_start3A_106 = arith.constant 0 : i32
      %dma_start3A_107 = tpu.memref_slice %arg4[%arg0, %mul3A_104, %dma_start3A_106] : memref<2x10112x128xf32, #tpu.memory_space<hbm>> -> memref<1x632x128xf32, #tpu.memory_space<hbm>>
      %dma_start3A_108 = tpu.memref_squeeze %dma_start3A_107 : memref<1x632x128xf32, #tpu.memory_space<hbm>> -> memref<632x128xf32, #tpu.memory_space<hbm>>
      %dma_start3A_109 = arith.constant 0 : i32
      %dma_start3A_110 = tpu.memref_slice %arg7[%mul3A_102, %dma_start3A_109] : memref<10112x128xf32, #tpu.memory_space<vmem_shared>> -> memref<632x128xf32, #tpu.memory_space<vmem_shared>>
      tpu.enqueue_dma source(%dma_start3A_110 : memref<632x128xf32, #tpu.memory_space<vmem_shared>>) target(%dma_start3A_108 : memref<632x128xf32, #tpu.memory_space<hbm>>) target_semaphore(%run_scoped3A_105 : memref<!tpu.dma_semaphore, #tpu.memory_space<semaphore_mem>>)
      %dma_wait3A_111 = arith.constant 0 : i32
      %dma_wait3A_112 = tpu.memref_slice %arg4[%arg0, %mul3A_104, %dma_wait3A_111] : memref<2x10112x128xf32, #tpu.memory_space<hbm>> -> memref<1x632x128xf32, #tpu.memory_space<hbm>>
      %dma_wait3A_113 = tpu.memref_squeeze %dma_wait3A_112 : memref<1x632x128xf32, #tpu.memory_space<hbm>> -> memref<632x128xf32, #tpu.memory_space<hbm>>
      %dma_wait3A_114 = arith.constant 0 : i32
      %dma_wait3A_115 = tpu.memref_slice %arg7[%mul3A_102, %dma_wait3A_114] : memref<10112x128xf32, #tpu.memory_space<vmem_shared>> -> memref<632x128xf32, #tpu.memory_space<vmem_shared>>
      tpu.wait_dma2 semaphore(%run_scoped3A_105 : memref<!tpu.dma_semaphore, #tpu.memory_space<semaphore_mem>>) src(%dma_wait3A_115 : memref<632x128xf32, #tpu.memory_space<vmem_shared>>) dst(%dma_wait3A_113 : memref<632x128xf32, #tpu.memory_space<hbm>>)
      tpu.yield
    }) : () -> ()
    return
  }
}

#map = affine_map<(d0, d1) -> (0, 0)>
#map1 = affine_map<(d0, d1) -> (0, 0, 0, 0, 0)>
#map2 = affine_map<(d0, d1) -> (0, 0, 0)>
module attributes {stable_mosaic.version = 14 : i64} {
  func.func @_seg_sum(%arg0: i32, %arg1: i32, %arg2: memref<10000x128xf32, #tpu.memory_space<hbm>>, %arg3: memref<32x40x2x2x128xi32, #tpu.memory_space<hbm>>, %arg4: memref<2x10112x128xf32, #tpu.memory_space<hbm>>, %arg5: memref<2x2x2x128xi32, #tpu.memory_space<vmem>>, %arg6: memref<2x128x128xf32, #tpu.memory_space<vmem>>, %arg7: memref<10112x128xf32, #tpu.memory_space<vmem_shared>>, %arg8: memref<!tpu.dma_semaphore, #tpu.memory_space<semaphore_mem>>, %arg9: memref<!tpu.dma_semaphore, #tpu.memory_space<semaphore_mem>>, %arg10: memref<!tpu.dma_semaphore, #tpu.memory_space<semaphore_mem>>) attributes {dimension_semantics = [#tpu.dimension_semantics<core_parallel>, #tpu.dimension_semantics<subcore_parallel>], iteration_bounds = array<i64: 2, 16>, scalar_prefetch = 0 : i64, scratch_operands = 6 : i64, tpu.core_type = #tpu.core_type<sc_vector_subcore>, window_params = [{transform_indices = #map}, {transform_indices = #map1}, {transform_indices = #map2}]} {
    %mul3A = arith.constant 16 : i32
    %mul3A_0 = arith.muli %arg0, %mul3A : i32
    %add3A = arith.addi %mul3A_0, %arg1 : i32
    %scan3A = arith.constant 0 : i32
    %scan3A_1 = arith.constant 0 : i32
    %scan3A_2 = arith.constant 1024 : i32
    %scan3A_3 = arith.addi %scan3A_1, %scan3A_2 : i32
    %scan3A_4 = arith.constant 1 : i32
    scf.for %scan3A_105 = %scan3A_1 to %scan3A_3 step %scan3A_4  : i32 {
      %broadcast_in_dim3A = arith.constant 0.000000e+00 : f32
      %broadcast_in_dim3A_106 = vector.broadcast %broadcast_in_dim3A : f32 to vector<16xf32>
      %jit3A = arith.constant 8 : i32
      %div3A = arith.divsi %scan3A_105, %jit3A : i32
      %sign3A = arith.constant 0 : i32
      %sign3A_107 = arith.cmpi sgt, %scan3A_105, %sign3A : i32
      %sign3A_108 = arith.extui %sign3A_107 : i1 to i32
      %sign3A_109 = arith.constant 0 : i32
      %sign3A_110 = arith.cmpi slt, %scan3A_105, %sign3A_109 : i32
      %sign3A_111 = arith.extui %sign3A_110 : i1 to i32
      %sign3A_112 = arith.subi %sign3A_108, %sign3A_111 : i32
      %sign3A_113 = arith.constant 0 : i32
      %sign3A_114 = arith.cmpi sgt, %jit3A, %sign3A_113 : i32
      %sign3A_115 = arith.extui %sign3A_114 : i1 to i32
      %sign3A_116 = arith.constant 0 : i32
      %sign3A_117 = arith.cmpi slt, %jit3A, %sign3A_116 : i32
      %sign3A_118 = arith.extui %sign3A_117 : i1 to i32
      %sign3A_119 = arith.subi %sign3A_115, %sign3A_118 : i32
      %ne3A = arith.cmpi ne, %sign3A_112, %sign3A_119 : i32
      %rem3A = arith.remsi %scan3A_105, %jit3A : i32
      %ne3A_120 = arith.constant 0 : i32
      %ne3A_121 = arith.cmpi ne, %rem3A, %ne3A_120 : i32
      %and3A = arith.andi %ne3A, %ne3A_121 : i1
      %sub3A = arith.constant 1 : i32
      %sub3A_122 = arith.subi %div3A, %sub3A : i32
      %select_n3A = arith.select %and3A, %sub3A_122, %div3A : i32
      %jit3A_123 = arith.constant 8 : i32
      %eq3A = arith.constant 0 : i32
      %eq3A_124 = arith.cmpi eq, %jit3A_123, %eq3A : i32
      %jit3A_125 = arith.constant 1 : i32
      %select_n3A_126 = arith.select %eq3A_124, %jit3A_125, %jit3A_123 : i32
      %rem3A_127 = arith.remsi %scan3A_105, %select_n3A_126 : i32
      %ne3A_128 = arith.constant 0 : i32
      %ne3A_129 = arith.cmpi ne, %rem3A_127, %ne3A_128 : i32
      %lt3A = arith.constant 0 : i32
      %lt3A_130 = arith.cmpi slt, %rem3A_127, %lt3A : i32
      %lt3A_131 = arith.constant 0 : i32
      %lt3A_132 = arith.cmpi slt, %select_n3A_126, %lt3A_131 : i32
      %ne3A_133 = arith.xori %lt3A_130, %lt3A_132 : i1
      %and3A_134 = arith.andi %ne3A_133, %ne3A_129 : i1
      %add3A_135 = arith.addi %rem3A_127, %select_n3A_126 : i32
      %select_n3A_136 = arith.select %and3A_134, %add3A_135, %rem3A_127 : i32
      %mul3A_137 = arith.constant 16 : i32
      %mul3A_138 = arith.muli %select_n3A_136, %mul3A_137 : i32
      %swap3A = arith.constant 0 : i32
      %swap3A_139 = arith.index_cast %swap3A : i32 to index
      %swap3A_140 = arith.index_cast %select_n3A : i32 to index
      %swap3A_141 = arith.index_cast %mul3A_138 : i32 to index
      %swap3A_142 = tpu.vector_load %arg6[%swap3A_139, %swap3A_140, %swap3A_141] {strides = array<i32>} : memref<2x128x128xf32, #tpu.memory_space<vmem>>, vector<1x1x16xf32>,
      %swap3A_143 = vector.shape_cast %swap3A_142 : vector<1x1x16xf32> to vector<16xf32>
      %swap3A_144 = vector.shape_cast %broadcast_in_dim3A_106 : vector<16xf32> to vector<1x1x16xf32>
      tpu.vector_store %arg6[%swap3A_139, %swap3A_140, %swap3A_141], %swap3A_144 {strides = array<i32>} : memref<2x128x128xf32, #tpu.memory_space<vmem>>, vector<1x1x16xf32>,
    }
    %scan3A_5 = arith.constant 1024 : i32
    %mul3A_6 = arith.constant 632 : i32
    %mul3A_7 = arith.muli %arg1, %mul3A_6 : i32
    %add3A_8 = arith.constant 0 : i32
    %add3A_9 = arith.addi %mul3A_7, %add3A_8 : i32
    %run_scoped3A = arith.constant 0 : i32
    "tpu.region"() ({
      %run_scoped3A_105 = tpu.sem_alloc : memref<!tpu.dma_semaphore, #tpu.memory_space<semaphore_mem>>
      %dma_start3A_106 = arith.constant 0 : i32
      %dma_start3A_107 = arith.constant 0 : i32
      %dma_start3A_108 = tpu.memref_slice %arg6[%run_scoped3A, %dma_start3A_106, %dma_start3A_107] : memref<2x128x128xf32, #tpu.memory_space<vmem>> -> memref<1x128x128xf32, #tpu.memory_space<vmem>>
      %dma_start3A_109 = tpu.memref_squeeze %dma_start3A_108 : memref<1x128x128xf32, #tpu.memory_space<vmem>> -> memref<128x128xf32, #tpu.memory_space<vmem>>
      %dma_start3A_110 = arith.constant 0 : i32
      %dma_start3A_111 = tpu.memref_slice %arg7[%add3A_9, %dma_start3A_110] : memref<10112x128xf32, #tpu.memory_space<vmem_shared>> -> memref<128x128xf32, #tpu.memory_space<vmem_shared>>
      %dma_start3A_112 = arith.constant 0 : i32
      %dma_start3A_113 = tpu.memref_slice %arg7[%add3A_9, %dma_start3A_112] : memref<10112x128xf32, #tpu.memory_space<vmem_shared>> -> memref<128x128xf32, #tpu.memory_space<vmem_shared>>
      %dma_start3A_114 = arith.constant 0 : i32
      %dma_start3A_115 = arith.constant 0 : i32
      %dma_start3A_116 = tpu.memref_slice %arg6[%run_scoped3A, %dma_start3A_114, %dma_start3A_115] : memref<2x128x128xf32, #tpu.memory_space<vmem>> -> memref<1x128x128xf32, #tpu.memory_space<vmem>>
      %dma_start3A_117 = tpu.memref_squeeze %dma_start3A_116 : memref<1x128x128xf32, #tpu.memory_space<vmem>> -> memref<128x128xf32, #tpu.memory_space<vmem>>
      tpu.enqueue_dma source(%dma_start3A_117 : memref<128x128xf32, #tpu.memory_space<vmem>>) target(%dma_start3A_113 : memref<128x128xf32, #tpu.memory_space<vmem_shared>>) target_semaphore(%run_scoped3A_105 : memref<!tpu.dma_semaphore, #tpu.memory_space<semaphore_mem>>)
      %dma_wait3A_118 = arith.constant 0 : i32
      %dma_wait3A_119 = arith.constant 0 : i32
      %dma_wait3A_120 = tpu.memref_slice %arg6[%run_scoped3A, %dma_wait3A_118, %dma_wait3A_119] : memref<2x128x128xf32, #tpu.memory_space<vmem>> -> memref<1x128x128xf32, #tpu.memory_space<vmem>>
      %dma_wait3A_121 = tpu.memref_squeeze %dma_wait3A_120 : memref<1x128x128xf32, #tpu.memory_space<vmem>> -> memref<128x128xf32, #tpu.memory_space<vmem>>
      %dma_wait3A_122 = arith.constant 0 : i32
      %dma_wait3A_123 = tpu.memref_slice %arg7[%add3A_9, %dma_wait3A_122] : memref<10112x128xf32, #tpu.memory_space<vmem_shared>> -> memref<128x128xf32, #tpu.memory_space<vmem_shared>>
      %dma_wait3A_124 = arith.constant 0 : i32
      %dma_wait3A_125 = tpu.memref_slice %arg7[%add3A_9, %dma_wait3A_124] : memref<10112x128xf32, #tpu.memory_space<vmem_shared>> -> memref<128x128xf32, #tpu.memory_space<vmem_shared>>
      %dma_wait3A_126 = arith.constant 0 : i32
      %dma_wait3A_127 = arith.constant 0 : i32
      %dma_wait3A_128 = tpu.memref_slice %arg6[%run_scoped3A, %dma_wait3A_126, %dma_wait3A_127] : memref<2x128x128xf32, #tpu.memory_space<vmem>> -> memref<1x128x128xf32, #tpu.memory_space<vmem>>
      %dma_wait3A_129 = tpu.memref_squeeze %dma_wait3A_128 : memref<1x128x128xf32, #tpu.memory_space<vmem>> -> memref<128x128xf32, #tpu.memory_space<vmem>>
      tpu.wait_dma2 semaphore(%run_scoped3A_105 : memref<!tpu.dma_semaphore, #tpu.memory_space<semaphore_mem>>) src(%dma_wait3A_129 : memref<128x128xf32, #tpu.memory_space<vmem>>) dst(%dma_wait3A_125 : memref<128x128xf32, #tpu.memory_space<vmem_shared>>)
      tpu.yield
    }) : () -> ()
    %mul3A_10 = arith.constant 632 : i32
    %mul3A_11 = arith.muli %arg1, %mul3A_10 : i32
    %add3A_12 = arith.constant 128 : i32
    %add3A_13 = arith.addi %mul3A_11, %add3A_12 : i32
    %run_scoped3A_14 = arith.constant 0 : i32
    "tpu.region"() ({
      %run_scoped3A_105 = tpu.sem_alloc : memref<!tpu.dma_semaphore, #tpu.memory_space<semaphore_mem>>
      %dma_start3A_106 = arith.constant 0 : i32
      %dma_start3A_107 = arith.constant 0 : i32
      %dma_start3A_108 = tpu.memref_slice %arg6[%run_scoped3A_14, %dma_start3A_106, %dma_start3A_107] : memref<2x128x128xf32, #tpu.memory_space<vmem>> -> memref<1x128x128xf32, #tpu.memory_space<vmem>>
      %dma_start3A_109 = tpu.memref_squeeze %dma_start3A_108 : memref<1x128x128xf32, #tpu.memory_space<vmem>> -> memref<128x128xf32, #tpu.memory_space<vmem>>
      %dma_start3A_110 = arith.constant 0 : i32
      %dma_start3A_111 = tpu.memref_slice %arg7[%add3A_13, %dma_start3A_110] : memref<10112x128xf32, #tpu.memory_space<vmem_shared>> -> memref<128x128xf32, #tpu.memory_space<vmem_shared>>
      %dma_start3A_112 = arith.constant 0 : i32
      %dma_start3A_113 = tpu.memref_slice %arg7[%add3A_13, %dma_start3A_112] : memref<10112x128xf32, #tpu.memory_space<vmem_shared>> -> memref<128x128xf32, #tpu.memory_space<vmem_shared>>
      %dma_start3A_114 = arith.constant 0 : i32
      %dma_start3A_115 = arith.constant 0 : i32
      %dma_start3A_116 = tpu.memref_slice %arg6[%run_scoped3A_14, %dma_start3A_114, %dma_start3A_115] : memref<2x128x128xf32, #tpu.memory_space<vmem>> -> memref<1x128x128xf32, #tpu.memory_space<vmem>>
      %dma_start3A_117 = tpu.memref_squeeze %dma_start3A_116 : memref<1x128x128xf32, #tpu.memory_space<vmem>> -> memref<128x128xf32, #tpu.memory_space<vmem>>
      tpu.enqueue_dma source(%dma_start3A_117 : memref<128x128xf32, #tpu.memory_space<vmem>>) target(%dma_start3A_113 : memref<128x128xf32, #tpu.memory_space<vmem_shared>>) target_semaphore(%run_scoped3A_105 : memref<!tpu.dma_semaphore, #tpu.memory_space<semaphore_mem>>)
      %dma_wait3A_118 = arith.constant 0 : i32
      %dma_wait3A_119 = arith.constant 0 : i32
      %dma_wait3A_120 = tpu.memref_slice %arg6[%run_scoped3A_14, %dma_wait3A_118, %dma_wait3A_119] : memref<2x128x128xf32, #tpu.memory_space<vmem>> -> memref<1x128x128xf32, #tpu.memory_space<vmem>>
      %dma_wait3A_121 = tpu.memref_squeeze %dma_wait3A_120 : memref<1x128x128xf32, #tpu.memory_space<vmem>> -> memref<128x128xf32, #tpu.memory_space<vmem>>
      %dma_wait3A_122 = arith.constant 0 : i32
      %dma_wait3A_123 = tpu.memref_slice %arg7[%add3A_13, %dma_wait3A_122] : memref<10112x128xf32, #tpu.memory_space<vmem_shared>> -> memref<128x128xf32, #tpu.memory_space<vmem_shared>>
      %dma_wait3A_124 = arith.constant 0 : i32
      %dma_wait3A_125 = tpu.memref_slice %arg7[%add3A_13, %dma_wait3A_124] : memref<10112x128xf32, #tpu.memory_space<vmem_shared>> -> memref<128x128xf32, #tpu.memory_space<vmem_shared>>
      %dma_wait3A_126 = arith.constant 0 : i32
      %dma_wait3A_127 = arith.constant 0 : i32
      %dma_wait3A_128 = tpu.memref_slice %arg6[%run_scoped3A_14, %dma_wait3A_126, %dma_wait3A_127] : memref<2x128x128xf32, #tpu.memory_space<vmem>> -> memref<1x128x128xf32, #tpu.memory_space<vmem>>
      %dma_wait3A_129 = tpu.memref_squeeze %dma_wait3A_128 : memref<1x128x128xf32, #tpu.memory_space<vmem>> -> memref<128x128xf32, #tpu.memory_space<vmem>>
      tpu.wait_dma2 semaphore(%run_scoped3A_105 : memref<!tpu.dma_semaphore, #tpu.memory_space<semaphore_mem>>) src(%dma_wait3A_129 : memref<128x128xf32, #tpu.memory_space<vmem>>) dst(%dma_wait3A_125 : memref<128x128xf32, #tpu.memory_space<vmem_shared>>)
      tpu.yield
    }) : () -> ()
    %mul3A_15 = arith.constant 632 : i32
    %mul3A_16 = arith.muli %arg1, %mul3A_15 : i32
    %add3A_17 = arith.constant 256 : i32
    %add3A_18 = arith.addi %mul3A_16, %add3A_17 : i32
    %run_scoped3A_19 = arith.constant 0 : i32
    "tpu.region"() ({
      %run_scoped3A_105 = tpu.sem_alloc : memref<!tpu.dma_semaphore, #tpu.memory_space<semaphore_mem>>
      %dma_start3A_106 = arith.constant 0 : i32
      %dma_start3A_107 = arith.constant 0 : i32
      %dma_start3A_108 = tpu.memref_slice %arg6[%run_scoped3A_19, %dma_start3A_106, %dma_start3A_107] : memref<2x128x128xf32, #tpu.memory_space<vmem>> -> memref<1x128x128xf32, #tpu.memory_space<vmem>>
      %dma_start3A_109 = tpu.memref_squeeze %dma_start3A_108 : memref<1x128x128xf32, #tpu.memory_space<vmem>> -> memref<128x128xf32, #tpu.memory_space<vmem>>
      %dma_start3A_110 = arith.constant 0 : i32
      %dma_start3A_111 = tpu.memref_slice %arg7[%add3A_18, %dma_start3A_110] : memref<10112x128xf32, #tpu.memory_space<vmem_shared>> -> memref<128x128xf32, #tpu.memory_space<vmem_shared>>
      %dma_start3A_112 = arith.constant 0 : i32
      %dma_start3A_113 = tpu.memref_slice %arg7[%add3A_18, %dma_start3A_112] : memref<10112x128xf32, #tpu.memory_space<vmem_shared>> -> memref<128x128xf32, #tpu.memory_space<vmem_shared>>
      %dma_start3A_114 = arith.constant 0 : i32
      %dma_start3A_115 = arith.constant 0 : i32
      %dma_start3A_116 = tpu.memref_slice %arg6[%run_scoped3A_19, %dma_start3A_114, %dma_start3A_115] : memref<2x128x128xf32, #tpu.memory_space<vmem>> -> memref<1x128x128xf32, #tpu.memory_space<vmem>>
      %dma_start3A_117 = tpu.memref_squeeze %dma_start3A_116 : memref<1x128x128xf32, #tpu.memory_space<vmem>> -> memref<128x128xf32, #tpu.memory_space<vmem>>
      tpu.enqueue_dma source(%dma_start3A_117 : memref<128x128xf32, #tpu.memory_space<vmem>>) target(%dma_start3A_113 : memref<128x128xf32, #tpu.memory_space<vmem_shared>>) target_semaphore(%run_scoped3A_105 : memref<!tpu.dma_semaphore, #tpu.memory_space<semaphore_mem>>)
      %dma_wait3A_118 = arith.constant 0 : i32
      %dma_wait3A_119 = arith.constant 0 : i32
      %dma_wait3A_120 = tpu.memref_slice %arg6[%run_scoped3A_19, %dma_wait3A_118, %dma_wait3A_119] : memref<2x128x128xf32, #tpu.memory_space<vmem>> -> memref<1x128x128xf32, #tpu.memory_space<vmem>>
      %dma_wait3A_121 = tpu.memref_squeeze %dma_wait3A_120 : memref<1x128x128xf32, #tpu.memory_space<vmem>> -> memref<128x128xf32, #tpu.memory_space<vmem>>
      %dma_wait3A_122 = arith.constant 0 : i32
      %dma_wait3A_123 = tpu.memref_slice %arg7[%add3A_18, %dma_wait3A_122] : memref<10112x128xf32, #tpu.memory_space<vmem_shared>> -> memref<128x128xf32, #tpu.memory_space<vmem_shared>>
      %dma_wait3A_124 = arith.constant 0 : i32
      %dma_wait3A_125 = tpu.memref_slice %arg7[%add3A_18, %dma_wait3A_124] : memref<10112x128xf32, #tpu.memory_space<vmem_shared>> -> memref<128x128xf32, #tpu.memory_space<vmem_shared>>
      %dma_wait3A_126 = arith.constant 0 : i32
      %dma_wait3A_127 = arith.constant 0 : i32
      %dma_wait3A_128 = tpu.memref_slice %arg6[%run_scoped3A_19, %dma_wait3A_126, %dma_wait3A_127] : memref<2x128x128xf32, #tpu.memory_space<vmem>> -> memref<1x128x128xf32, #tpu.memory_space<vmem>>
      %dma_wait3A_129 = tpu.memref_squeeze %dma_wait3A_128 : memref<1x128x128xf32, #tpu.memory_space<vmem>> -> memref<128x128xf32, #tpu.memory_space<vmem>>
      tpu.wait_dma2 semaphore(%run_scoped3A_105 : memref<!tpu.dma_semaphore, #tpu.memory_space<semaphore_mem>>) src(%dma_wait3A_129 : memref<128x128xf32, #tpu.memory_space<vmem>>) dst(%dma_wait3A_125 : memref<128x128xf32, #tpu.memory_space<vmem_shared>>)
      tpu.yield
    }) : () -> ()
    %mul3A_20 = arith.constant 632 : i32
    %mul3A_21 = arith.muli %arg1, %mul3A_20 : i32
    %add3A_22 = arith.constant 384 : i32
    %add3A_23 = arith.addi %mul3A_21, %add3A_22 : i32
    %run_scoped3A_24 = arith.constant 0 : i32
    "tpu.region"() ({
      %run_scoped3A_105 = tpu.sem_alloc : memref<!tpu.dma_semaphore, #tpu.memory_space<semaphore_mem>>
      %dma_start3A_106 = arith.constant 0 : i32
      %dma_start3A_107 = arith.constant 0 : i32
      %dma_start3A_108 = tpu.memref_slice %arg6[%run_scoped3A_24, %dma_start3A_106, %dma_start3A_107] : memref<2x128x128xf32, #tpu.memory_space<vmem>> -> memref<1x128x128xf32, #tpu.memory_space<vmem>>
      %dma_start3A_109 = tpu.memref_squeeze %dma_start3A_108 : memref<1x128x128xf32, #tpu.memory_space<vmem>> -> memref<128x128xf32, #tpu.memory_space<vmem>>
      %dma_start3A_110 = arith.constant 0 : i32
      %dma_start3A_111 = tpu.memref_slice %arg7[%add3A_23, %dma_start3A_110] : memref<10112x128xf32, #tpu.memory_space<vmem_shared>> -> memref<128x128xf32, #tpu.memory_space<vmem_shared>>
      %dma_start3A_112 = arith.constant 0 : i32
      %dma_start3A_113 = tpu.memref_slice %arg7[%add3A_23, %dma_start3A_112] : memref<10112x128xf32, #tpu.memory_space<vmem_shared>> -> memref<128x128xf32, #tpu.memory_space<vmem_shared>>
      %dma_start3A_114 = arith.constant 0 : i32
      %dma_start3A_115 = arith.constant 0 : i32
      %dma_start3A_116 = tpu.memref_slice %arg6[%run_scoped3A_24, %dma_start3A_114, %dma_start3A_115] : memref<2x128x128xf32, #tpu.memory_space<vmem>> -> memref<1x128x128xf32, #tpu.memory_space<vmem>>
      %dma_start3A_117 = tpu.memref_squeeze %dma_start3A_116 : memref<1x128x128xf32, #tpu.memory_space<vmem>> -> memref<128x128xf32, #tpu.memory_space<vmem>>
      tpu.enqueue_dma source(%dma_start3A_117 : memref<128x128xf32, #tpu.memory_space<vmem>>) target(%dma_start3A_113 : memref<128x128xf32, #tpu.memory_space<vmem_shared>>) target_semaphore(%run_scoped3A_105 : memref<!tpu.dma_semaphore, #tpu.memory_space<semaphore_mem>>)
      %dma_wait3A_118 = arith.constant 0 : i32
      %dma_wait3A_119 = arith.constant 0 : i32
      %dma_wait3A_120 = tpu.memref_slice %arg6[%run_scoped3A_24, %dma_wait3A_118, %dma_wait3A_119] : memref<2x128x128xf32, #tpu.memory_space<vmem>> -> memref<1x128x128xf32, #tpu.memory_space<vmem>>
      %dma_wait3A_121 = tpu.memref_squeeze %dma_wait3A_120 : memref<1x128x128xf32, #tpu.memory_space<vmem>> -> memref<128x128xf32, #tpu.memory_space<vmem>>
      %dma_wait3A_122 = arith.constant 0 : i32
      %dma_wait3A_123 = tpu.memref_slice %arg7[%add3A_23, %dma_wait3A_122] : memref<10112x128xf32, #tpu.memory_space<vmem_shared>> -> memref<128x128xf32, #tpu.memory_space<vmem_shared>>
      %dma_wait3A_124 = arith.constant 0 : i32
      %dma_wait3A_125 = tpu.memref_slice %arg7[%add3A_23, %dma_wait3A_124] : memref<10112x128xf32, #tpu.memory_space<vmem_shared>> -> memref<128x128xf32, #tpu.memory_space<vmem_shared>>
      %dma_wait3A_126 = arith.constant 0 : i32
      %dma_wait3A_127 = arith.constant 0 : i32
      %dma_wait3A_128 = tpu.memref_slice %arg6[%run_scoped3A_24, %dma_wait3A_126, %dma_wait3A_127] : memref<2x128x128xf32, #tpu.memory_space<vmem>> -> memref<1x128x128xf32, #tpu.memory_space<vmem>>
      %dma_wait3A_129 = tpu.memref_squeeze %dma_wait3A_128 : memref<1x128x128xf32, #tpu.memory_space<vmem>> -> memref<128x128xf32, #tpu.memory_space<vmem>>
      tpu.wait_dma2 semaphore(%run_scoped3A_105 : memref<!tpu.dma_semaphore, #tpu.memory_space<semaphore_mem>>) src(%dma_wait3A_129 : memref<128x128xf32, #tpu.memory_space<vmem>>) dst(%dma_wait3A_125 : memref<128x128xf32, #tpu.memory_space<vmem_shared>>)
      tpu.yield
    }) : () -> ()
    %mul3A_25 = arith.constant 632 : i32
    %mul3A_26 = arith.muli %arg1, %mul3A_25 : i32
    %add3A_27 = arith.constant 512 : i32
    %add3A_28 = arith.addi %mul3A_26, %add3A_27 : i32
    %run_scoped3A_29 = arith.constant 0 : i32
    "tpu.region"() ({
      %run_scoped3A_105 = tpu.sem_alloc : memref<!tpu.dma_semaphore, #tpu.memory_space<semaphore_mem>>
      %dma_start3A_106 = arith.constant 0 : i32
      %dma_start3A_107 = arith.constant 0 : i32
      %dma_start3A_108 = tpu.memref_slice %arg6[%run_scoped3A_29, %dma_start3A_106, %dma_start3A_107] : memref<2x128x128xf32, #tpu.memory_space<vmem>> -> memref<1x120x128xf32, #tpu.memory_space<vmem>>
      %dma_start3A_109 = tpu.memref_squeeze %dma_start3A_108 : memref<1x120x128xf32, #tpu.memory_space<vmem>> -> memref<120x128xf32, #tpu.memory_space<vmem>>
      %dma_start3A_110 = arith.constant 0 : i32
      %dma_start3A_111 = tpu.memref_slice %arg7[%add3A_28, %dma_start3A_110] : memref<10112x128xf32, #tpu.memory_space<vmem_shared>> -> memref<120x128xf32, #tpu.memory_space<vmem_shared>>
      %dma_start3A_112 = arith.constant 0 : i32
      %dma_start3A_113 = tpu.memref_slice %arg7[%add3A_28, %dma_start3A_112] : memref<10112x128xf32, #tpu.memory_space<vmem_shared>> -> memref<120x128xf32, #tpu.memory_space<vmem_shared>>
      %dma_start3A_114 = arith.constant 0 : i32
      %dma_start3A_115 = arith.constant 0 : i32
      %dma_start3A_116 = tpu.memref_slice %arg6[%run_scoped3A_29, %dma_start3A_114, %dma_start3A_115] : memref<2x128x128xf32, #tpu.memory_space<vmem>> -> memref<1x120x128xf32, #tpu.memory_space<vmem>>
      %dma_start3A_117 = tpu.memref_squeeze %dma_start3A_116 : memref<1x120x128xf32, #tpu.memory_space<vmem>> -> memref<120x128xf32, #tpu.memory_space<vmem>>
      tpu.enqueue_dma source(%dma_start3A_117 : memref<120x128xf32, #tpu.memory_space<vmem>>) target(%dma_start3A_113 : memref<120x128xf32, #tpu.memory_space<vmem_shared>>) target_semaphore(%run_scoped3A_105 : memref<!tpu.dma_semaphore, #tpu.memory_space<semaphore_mem>>)
      %dma_wait3A_118 = arith.constant 0 : i32
      %dma_wait3A_119 = arith.constant 0 : i32
      %dma_wait3A_120 = tpu.memref_slice %arg6[%run_scoped3A_29, %dma_wait3A_118, %dma_wait3A_119] : memref<2x128x128xf32, #tpu.memory_space<vmem>> -> memref<1x120x128xf32, #tpu.memory_space<vmem>>
      %dma_wait3A_121 = tpu.memref_squeeze %dma_wait3A_120 : memref<1x120x128xf32, #tpu.memory_space<vmem>> -> memref<120x128xf32, #tpu.memory_space<vmem>>
      %dma_wait3A_122 = arith.constant 0 : i32
      %dma_wait3A_123 = tpu.memref_slice %arg7[%add3A_28, %dma_wait3A_122] : memref<10112x128xf32, #tpu.memory_space<vmem_shared>> -> memref<120x128xf32, #tpu.memory_space<vmem_shared>>
      %dma_wait3A_124 = arith.constant 0 : i32
      %dma_wait3A_125 = tpu.memref_slice %arg7[%add3A_28, %dma_wait3A_124] : memref<10112x128xf32, #tpu.memory_space<vmem_shared>> -> memref<120x128xf32, #tpu.memory_space<vmem_shared>>
      %dma_wait3A_126 = arith.constant 0 : i32
      %dma_wait3A_127 = arith.constant 0 : i32
      %dma_wait3A_128 = tpu.memref_slice %arg6[%run_scoped3A_29, %dma_wait3A_126, %dma_wait3A_127] : memref<2x128x128xf32, #tpu.memory_space<vmem>> -> memref<1x120x128xf32, #tpu.memory_space<vmem>>
      %dma_wait3A_129 = tpu.memref_squeeze %dma_wait3A_128 : memref<1x120x128xf32, #tpu.memory_space<vmem>> -> memref<120x128xf32, #tpu.memory_space<vmem>>
      tpu.wait_dma2 semaphore(%run_scoped3A_105 : memref<!tpu.dma_semaphore, #tpu.memory_space<semaphore_mem>>) src(%dma_wait3A_129 : memref<120x128xf32, #tpu.memory_space<vmem>>) dst(%dma_wait3A_125 : memref<120x128xf32, #tpu.memory_space<vmem_shared>>)
      tpu.yield
    }) : () -> ()
    %barrier3A = arith.constant 0 : index
    tpu.barrier barrier_id(%barrier3A)
    %run_scoped3A_30 = arith.constant 0 : i32
    %run_scoped3A_31 = arith.constant 0 : i32
    "tpu.region"() ({
      %run_scoped3A_105 = tpu.sem_alloc : memref<!tpu.dma_semaphore, #tpu.memory_space<semaphore_mem>>
      %dma_start3A_106 = arith.constant 0 : i32
      %dma_start3A_107 = arith.constant 0 : i32
      %dma_start3A_108 = arith.constant 0 : i32
      %dma_start3A_109 = tpu.memref_slice %arg5[%run_scoped3A_31, %dma_start3A_106, %dma_start3A_107, %dma_start3A_108] : memref<2x2x2x128xi32, #tpu.memory_space<vmem>> -> memref<1x2x2x128xi32, #tpu.memory_space<vmem>>
      %dma_start3A_110 = tpu.memref_squeeze %dma_start3A_109 : memref<1x2x2x128xi32, #tpu.memory_space<vmem>> -> memref<2x2x128xi32, #tpu.memory_space<vmem>>
      %dma_start3A_111 = arith.constant 0 : i32
      %dma_start3A_112 = arith.constant 0 : i32
      %dma_start3A_113 = arith.constant 0 : i32
      %dma_start3A_114 = tpu.memref_slice %arg3[%add3A, %run_scoped3A_30, %dma_start3A_111, %dma_start3A_112, %dma_start3A_113] : memref<32x40x2x2x128xi32, #tpu.memory_space<hbm>> -> memref<1x1x2x2x128xi32, #tpu.memory_space<hbm>>
      %dma_start3A_115 = tpu.memref_squeeze %dma_start3A_114 : memref<1x1x2x2x128xi32, #tpu.memory_space<hbm>> -> memref<2x2x128xi32, #tpu.memory_space<hbm>>
      %dma_start3A_116 = arith.constant 0 : i32
      %dma_start3A_117 = arith.constant 0 : i32
      %dma_start3A_118 = arith.constant 0 : i32
      %dma_start3A_119 = tpu.memref_slice %arg5[%run_scoped3A_31, %dma_start3A_116, %dma_start3A_117, %dma_start3A_118] : memref<2x2x2x128xi32, #tpu.memory_space<vmem>> -> memref<1x2x2x128xi32, #tpu.memory_space<vmem>>
      %dma_start3A_120 = tpu.memref_squeeze %dma_start3A_119 : memref<1x2x2x128xi32, #tpu.memory_space<vmem>> -> memref<2x2x128xi32, #tpu.memory_space<vmem>>
      %dma_start3A_121 = arith.constant 0 : i32
      %dma_start3A_122 = arith.constant 0 : i32
      %dma_start3A_123 = arith.constant 0 : i32
      %dma_start3A_124 = tpu.memref_slice %arg3[%add3A, %run_scoped3A_30, %dma_start3A_121, %dma_start3A_122, %dma_start3A_123] : memref<32x40x2x2x128xi32, #tpu.memory_space<hbm>> -> memref<1x1x2x2x128xi32, #tpu.memory_space<hbm>>
      %dma_start3A_125 = tpu.memref_squeeze %dma_start3A_124 : memref<1x1x2x2x128xi32, #tpu.memory_space<hbm>> -> memref<2x2x128xi32, #tpu.memory_space<hbm>>
      tpu.enqueue_dma source(%dma_start3A_125 : memref<2x2x128xi32, #tpu.memory_space<hbm>>) target(%dma_start3A_120 : memref<2x2x128xi32, #tpu.memory_space<vmem>>) target_semaphore(%run_scoped3A_105 : memref<!tpu.dma_semaphore, #tpu.memory_space<semaphore_mem>>)
      %dma_wait3A_126 = arith.constant 0 : i32
      %dma_wait3A_127 = arith.constant 0 : i32
      %dma_wait3A_128 = arith.constant 0 : i32
      %dma_wait3A_129 = tpu.memref_slice %arg5[%run_scoped3A_31, %dma_wait3A_126, %dma_wait3A_127, %dma_wait3A_128] : memref<2x2x2x128xi32, #tpu.memory_space<vmem>> -> memref<1x2x2x128xi32, #tpu.memory_space<vmem>>
      %dma_wait3A_130 = tpu.memref_squeeze %dma_wait3A_129 : memref<1x2x2x128xi32, #tpu.memory_space<vmem>> -> memref<2x2x128xi32, #tpu.memory_space<vmem>>
      %dma_wait3A_131 = arith.constant 0 : i32
      %dma_wait3A_132 = arith.constant 0 : i32
      %dma_wait3A_133 = arith.constant 0 : i32
      %dma_wait3A_134 = tpu.memref_slice %arg3[%add3A, %run_scoped3A_30, %dma_wait3A_131, %dma_wait3A_132, %dma_wait3A_133] : memref<32x40x2x2x128xi32, #tpu.memory_space<hbm>> -> memref<1x1x2x2x128xi32, #tpu.memory_space<hbm>>
      %dma_wait3A_135 = tpu.memref_squeeze %dma_wait3A_134 : memref<1x1x2x2x128xi32, #tpu.memory_space<hbm>> -> memref<2x2x128xi32, #tpu.memory_space<hbm>>
      %dma_wait3A_136 = arith.constant 0 : i32
      %dma_wait3A_137 = arith.constant 0 : i32
      %dma_wait3A_138 = arith.constant 0 : i32
      %dma_wait3A_139 = tpu.memref_slice %arg5[%run_scoped3A_31, %dma_wait3A_136, %dma_wait3A_137, %dma_wait3A_138] : memref<2x2x2x128xi32, #tpu.memory_space<vmem>> -> memref<1x2x2x128xi32, #tpu.memory_space<vmem>>
      %dma_wait3A_140 = tpu.memref_squeeze %dma_wait3A_139 : memref<1x2x2x128xi32, #tpu.memory_space<vmem>> -> memref<2x2x128xi32, #tpu.memory_space<vmem>>
      %dma_wait3A_141 = arith.constant 0 : i32
      %dma_wait3A_142 = arith.constant 0 : i32
      %dma_wait3A_143 = arith.constant 0 : i32
      %dma_wait3A_144 = tpu.memref_slice %arg3[%add3A, %run_scoped3A_30, %dma_wait3A_141, %dma_wait3A_142, %dma_wait3A_143] : memref<32x40x2x2x128xi32, #tpu.memory_space<hbm>> -> memref<1x1x2x2x128xi32, #tpu.memory_space<hbm>>
      %dma_wait3A_145 = tpu.memref_squeeze %dma_wait3A_144 : memref<1x1x2x2x128xi32, #tpu.memory_space<hbm>> -> memref<2x2x128xi32, #tpu.memory_space<hbm>>
      tpu.wait_dma2 semaphore(%run_scoped3A_105 : memref<!tpu.dma_semaphore, #tpu.memory_space<semaphore_mem>>) src(%dma_wait3A_145 : memref<2x2x128xi32, #tpu.memory_space<hbm>>) dst(%dma_wait3A_140 : memref<2x2x128xi32, #tpu.memory_space<vmem>>)
      tpu.yield
    }) : () -> ()
    %dma_start3A = arith.constant 0 : i32
    %dma_start3A_32 = arith.constant 0 : i32
    %dma_start3A_33 = arith.constant 0 : i32
    %dma_start3A_34 = arith.constant 0 : i32
    %dma_start3A_35 = arith.constant 0 : i32
    %dma_start3A_36 = arith.constant 0 : i32
    %dma_start3A_37 = tpu.memref_slice %arg6[%dma_start3A_34, %dma_start3A_35, %dma_start3A_36] : memref<2x128x128xf32, #tpu.memory_space<vmem>> -> memref<1x128x128xf32, #tpu.memory_space<vmem>>
    %dma_start3A_38 = tpu.memref_squeeze %dma_start3A_37 : memref<1x128x128xf32, #tpu.memory_space<vmem>> -> memref<128x128xf32, #tpu.memory_space<vmem>>
    %dma_start3A_39 = arith.constant 0 : i32
    %dma_start3A_40 = tpu.memref_slice %arg5[%dma_start3A, %dma_start3A_32, %dma_start3A_33, %dma_start3A_39] : memref<2x2x2x128xi32, #tpu.memory_space<vmem>> -> memref<1x1x1x128xi32, #tpu.memory_space<vmem>>
    %dma_start3A_41 = tpu.memref_squeeze %dma_start3A_40 : memref<1x1x1x128xi32, #tpu.memory_space<vmem>> -> memref<128xi32, #tpu.memory_space<vmem>>
    %dma_start3A_42 = arith.constant 0 : i32
    %dma_start3A_43 = arith.constant 0 : i32
    %dma_start3A_44 = tpu.memref_slice %arg2[%dma_start3A_42, %dma_start3A_43] : memref<10000x128xf32, #tpu.memory_space<hbm>> -> memref<10000x128xf32, #tpu.memory_space<hbm>>
    tpu.enqueue_indirect_dma source(%dma_start3A_44 : memref<10000x128xf32, #tpu.memory_space<hbm>>) target(%dma_start3A_38 : memref<128x128xf32, #tpu.memory_space<vmem>>) offsets(%dma_start3A_41 : memref<128xi32, #tpu.memory_space<vmem>>) semaphore(%arg8 : memref<!tpu.dma_semaphore, #tpu.memory_space<semaphore_mem>>)
    %scan3A_45 = arith.constant 0 : i32
    %scan3A_46 = arith.constant 0 : i32
    %scan3A_47 = arith.constant 39 : i32
    %scan3A_48 = arith.addi %scan3A_46, %scan3A_47 : i32
    %scan3A_49 = arith.constant 1 : i32
    scf.for %scan3A_105 = %scan3A_46 to %scan3A_48 step %scan3A_49  : i32 {
      %rem3A = arith.constant 2 : i32
      %rem3A_106 = arith.remsi %scan3A_105, %rem3A : i32
      %sub3A = arith.constant 1 : i32
      %sub3A_107 = arith.subi %sub3A, %rem3A_106 : i32
      %add3A_108 = arith.constant 1 : i32
      %add3A_109 = arith.addi %scan3A_105, %add3A_108 : i32
      %dma_start3A_110 = arith.constant 0 : i32
      %dma_start3A_111 = arith.constant 0 : i32
      %dma_start3A_112 = arith.constant 0 : i32
      %dma_start3A_113 = tpu.memref_slice %arg5[%sub3A_107, %dma_start3A_110, %dma_start3A_111, %dma_start3A_112] : memref<2x2x2x128xi32, #tpu.memory_space<vmem>> -> memref<1x2x2x128xi32, #tpu.memory_space<vmem>>
      %dma_start3A_114 = tpu.memref_squeeze %dma_start3A_113 : memref<1x2x2x128xi32, #tpu.memory_space<vmem>> -> memref<2x2x128xi32, #tpu.memory_space<vmem>>
      %dma_start3A_115 = arith.constant 0 : i32
      %dma_start3A_116 = arith.constant 0 : i32
      %dma_start3A_117 = arith.constant 0 : i32
      %dma_start3A_118 = tpu.memref_slice %arg3[%add3A, %add3A_109, %dma_start3A_115, %dma_start3A_116, %dma_start3A_117] : memref<32x40x2x2x128xi32, #tpu.memory_space<hbm>> -> memref<1x1x2x2x128xi32, #tpu.memory_space<hbm>>
      %dma_start3A_119 = tpu.memref_squeeze %dma_start3A_118 : memref<1x1x2x2x128xi32, #tpu.memory_space<hbm>> -> memref<2x2x128xi32, #tpu.memory_space<hbm>>
      %dma_start3A_120 = arith.constant 0 : i32
      %dma_start3A_121 = arith.constant 0 : i32
      %dma_start3A_122 = arith.constant 0 : i32
      %dma_start3A_123 = tpu.memref_slice %arg5[%sub3A_107, %dma_start3A_120, %dma_start3A_121, %dma_start3A_122] : memref<2x2x2x128xi32, #tpu.memory_space<vmem>> -> memref<1x2x2x128xi32, #tpu.memory_space<vmem>>
      %dma_start3A_124 = tpu.memref_squeeze %dma_start3A_123 : memref<1x2x2x128xi32, #tpu.memory_space<vmem>> -> memref<2x2x128xi32, #tpu.memory_space<vmem>>
      %dma_start3A_125 = arith.constant 0 : i32
      %dma_start3A_126 = arith.constant 0 : i32
      %dma_start3A_127 = arith.constant 0 : i32
      %dma_start3A_128 = tpu.memref_slice %arg3[%add3A, %add3A_109, %dma_start3A_125, %dma_start3A_126, %dma_start3A_127] : memref<32x40x2x2x128xi32, #tpu.memory_space<hbm>> -> memref<1x1x2x2x128xi32, #tpu.memory_space<hbm>>
      %dma_start3A_129 = tpu.memref_squeeze %dma_start3A_128 : memref<1x1x2x2x128xi32, #tpu.memory_space<hbm>> -> memref<2x2x128xi32, #tpu.memory_space<hbm>>
      tpu.enqueue_dma source(%dma_start3A_129 : memref<2x2x128xi32, #tpu.memory_space<hbm>>) target(%dma_start3A_124 : memref<2x2x128xi32, #tpu.memory_space<vmem>>) target_semaphore(%arg10 : memref<!tpu.dma_semaphore, #tpu.memory_space<semaphore_mem>>)
      %dma_start3A_130 = arith.constant 1 : i32
      %dma_start3A_131 = arith.constant 0 : i32
      %dma_start3A_132 = arith.constant 1 : i32
      %dma_start3A_133 = arith.constant 0 : i32
      %dma_start3A_134 = arith.constant 0 : i32
      %dma_start3A_135 = tpu.memref_slice %arg6[%dma_start3A_132, %dma_start3A_133, %dma_start3A_134] : memref<2x128x128xf32, #tpu.memory_space<vmem>> -> memref<1x128x128xf32, #tpu.memory_space<vmem>>
      %dma_start3A_136 = tpu.memref_squeeze %dma_start3A_135 : memref<1x128x128xf32, #tpu.memory_space<vmem>> -> memref<128x128xf32, #tpu.memory_space<vmem>>
      %dma_start3A_137 = arith.constant 0 : i32
      %dma_start3A_138 = tpu.memref_slice %arg5[%rem3A_106, %dma_start3A_130, %dma_start3A_131, %dma_start3A_137] : memref<2x2x2x128xi32, #tpu.memory_space<vmem>> -> memref<1x1x1x128xi32, #tpu.memory_space<vmem>>
      %dma_start3A_139 = tpu.memref_squeeze %dma_start3A_138 : memref<1x1x1x128xi32, #tpu.memory_space<vmem>> -> memref<128xi32, #tpu.memory_space<vmem>>
      %dma_start3A_140 = arith.constant 0 : i32
      %dma_start3A_141 = arith.constant 0 : i32
      %dma_start3A_142 = tpu.memref_slice %arg2[%dma_start3A_140, %dma_start3A_141] : memref<10000x128xf32, #tpu.memory_space<hbm>> -> memref<10000x128xf32, #tpu.memory_space<hbm>>
      tpu.enqueue_indirect_dma source(%dma_start3A_142 : memref<10000x128xf32, #tpu.memory_space<hbm>>) target(%dma_start3A_136 : memref<128x128xf32, #tpu.memory_space<vmem>>) offsets(%dma_start3A_139 : memref<128xi32, #tpu.memory_space<vmem>>) semaphore(%arg9 : memref<!tpu.dma_semaphore, #tpu.memory_space<semaphore_mem>>)
      %dma_wait3A_143 = arith.constant 0 : i32
      %dma_wait3A_144 = arith.constant 0 : i32
      %dma_wait3A_145 = arith.constant 0 : i32
      %dma_wait3A_146 = arith.constant 0 : i32
      %dma_wait3A_147 = arith.constant 0 : i32
      %dma_wait3A_148 = tpu.memref_slice %arg6[%dma_wait3A_145, %dma_wait3A_146, %dma_wait3A_147] : memref<2x128x128xf32, #tpu.memory_space<vmem>> -> memref<1x128x128xf32, #tpu.memory_space<vmem>>
      %dma_wait3A_149 = tpu.memref_squeeze %dma_wait3A_148 : memref<1x128x128xf32, #tpu.memory_space<vmem>> -> memref<128x128xf32, #tpu.memory_space<vmem>>
      %dma_wait3A_150 = arith.constant 0 : i32
      %dma_wait3A_151 = tpu.memref_slice %arg5[%rem3A_106, %dma_wait3A_143, %dma_wait3A_144, %dma_wait3A_150] : memref<2x2x2x128xi32, #tpu.memory_space<vmem>> -> memref<1x1x1x128xi32, #tpu.memory_space<vmem>>
      %dma_wait3A_152 = tpu.memref_squeeze %dma_wait3A_151 : memref<1x1x1x128xi32, #tpu.memory_space<vmem>> -> memref<128xi32, #tpu.memory_space<vmem>>
      %dma_wait3A_153 = arith.constant 0 : i32
      %dma_wait3A_154 = arith.constant 0 : i32
      %dma_wait3A_155 = tpu.memref_slice %arg2[%dma_wait3A_153, %dma_wait3A_154] : memref<10000x128xf32, #tpu.memory_space<hbm>> -> memref<10000x128xf32, #tpu.memory_space<hbm>>
      tpu.wait_indirect_dma semaphore(%arg8 : memref<!tpu.dma_semaphore, #tpu.memory_space<semaphore_mem>>) src(%dma_wait3A_155 : memref<10000x128xf32, #tpu.memory_space<hbm>>) dst(%dma_wait3A_149 : memref<128x128xf32, #tpu.memory_space<vmem>>)
      %run_scoped3A_156 = arith.constant 0 : i32
      %run_scoped3A_157 = arith.constant 0 : i32
      %run_scoped3A_158 = arith.constant 1 : i32
      "tpu.region"() ({
        %run_scoped3A_208 = tpu.sem_alloc : memref<!tpu.dma_semaphore, #tpu.memory_space<semaphore_mem>>
        %dma_start3A_209 = arith.constant 0 : i32
        %dma_start3A_210 = arith.constant 0 : i32
        %dma_start3A_211 = tpu.memref_slice %arg6[%run_scoped3A_156, %dma_start3A_209, %dma_start3A_210] : memref<2x128x128xf32, #tpu.memory_space<vmem>> -> memref<1x128x128xf32, #tpu.memory_space<vmem>>
        %dma_start3A_212 = tpu.memref_squeeze %dma_start3A_211 : memref<1x128x128xf32, #tpu.memory_space<vmem>> -> memref<128x128xf32, #tpu.memory_space<vmem>>
        %dma_start3A_213 = arith.constant 0 : i32
        %dma_start3A_214 = tpu.memref_slice %arg5[%rem3A_106, %run_scoped3A_157, %run_scoped3A_158, %dma_start3A_213] : memref<2x2x2x128xi32, #tpu.memory_space<vmem>> -> memref<1x1x1x128xi32, #tpu.memory_space<vmem>>
        %dma_start3A_215 = tpu.memref_squeeze %dma_start3A_214 : memref<1x1x1x128xi32, #tpu.memory_space<vmem>> -> memref<128xi32, #tpu.memory_space<vmem>>
        %dma_start3A_216 = arith.constant 0 : i32
        %dma_start3A_217 = arith.constant 0 : i32
        %dma_start3A_218 = tpu.memref_slice %arg7[%dma_start3A_216, %dma_start3A_217] : memref<10112x128xf32, #tpu.memory_space<vmem_shared>> -> memref<10112x128xf32, #tpu.memory_space<vmem_shared>>
        tpu.enqueue_indirect_dma source(%dma_start3A_212 : memref<128x128xf32, #tpu.memory_space<vmem>>) target(%dma_start3A_218 : memref<10112x128xf32, #tpu.memory_space<vmem_shared>>) offsets(%dma_start3A_215 : memref<128xi32, #tpu.memory_space<vmem>>) semaphore(%run_scoped3A_208 : memref<!tpu.dma_semaphore, #tpu.memory_space<semaphore_mem>>) {add = true}
        %dma_wait3A_219 = arith.constant 0 : i32
        %dma_wait3A_220 = arith.constant 0 : i32
        %dma_wait3A_221 = tpu.memref_slice %arg6[%run_scoped3A_156, %dma_wait3A_219, %dma_wait3A_220] : memref<2x128x128xf32, #tpu.memory_space<vmem>> -> memref<1x128x128xf32, #tpu.memory_space<vmem>>
        %dma_wait3A_222 = tpu.memref_squeeze %dma_wait3A_221 : memref<1x128x128xf32, #tpu.memory_space<vmem>> -> memref<128x128xf32, #tpu.memory_space<vmem>>
        %dma_wait3A_223 = arith.constant 0 : i32
        %dma_wait3A_224 = tpu.memref_slice %arg5[%rem3A_106, %run_scoped3A_157, %run_scoped3A_158, %dma_wait3A_223] : memref<2x2x2x128xi32, #tpu.memory_space<vmem>> -> memref<1x1x1x128xi32, #tpu.memory_space<vmem>>
        %dma_wait3A_225 = tpu.memref_squeeze %dma_wait3A_224 : memref<1x1x1x128xi32, #tpu.memory_space<vmem>> -> memref<128xi32, #tpu.memory_space<vmem>>
        %dma_wait3A_226 = arith.constant 0 : i32
        %dma_wait3A_227 = arith.constant 0 : i32
        %dma_wait3A_228 = tpu.memref_slice %arg7[%dma_wait3A_226, %dma_wait3A_227] : memref<10112x128xf32, #tpu.memory_space<vmem_shared>> -> memref<10112x128xf32, #tpu.memory_space<vmem_shared>>
        tpu.wait_indirect_dma semaphore(%run_scoped3A_208 : memref<!tpu.dma_semaphore, #tpu.memory_space<semaphore_mem>>) src(%dma_wait3A_222 : memref<128x128xf32, #tpu.memory_space<vmem>>) dst(%dma_wait3A_228 : memref<10112x128xf32, #tpu.memory_space<vmem_shared>>)
        tpu.yield
      }) : () -> ()
      %dma_wait3A_159 = arith.constant 0 : i32
      %dma_wait3A_160 = arith.constant 0 : i32
      %dma_wait3A_161 = arith.constant 0 : i32
      %dma_wait3A_162 = tpu.memref_slice %arg5[%sub3A_107, %dma_wait3A_159, %dma_wait3A_160, %dma_wait3A_161] : memref<2x2x2x128xi32, #tpu.memory_space<vmem>> -> memref<1x2x2x128xi32, #tpu.memory_space<vmem>>
      %dma_wait3A_163 = tpu.memref_squeeze %dma_wait3A_162 : memref<1x2x2x128xi32, #tpu.memory_space<vmem>> -> memref<2x2x128xi32, #tpu.memory_space<vmem>>
      %dma_wait3A_164 = arith.constant 0 : i32
      %dma_wait3A_165 = arith.constant 0 : i32
      %dma_wait3A_166 = arith.constant 0 : i32
      %dma_wait3A_167 = tpu.memref_slice %arg3[%add3A, %add3A_109, %dma_wait3A_164, %dma_wait3A_165, %dma_wait3A_166] : memref<32x40x2x2x128xi32, #tpu.memory_space<hbm>> -> memref<1x1x2x2x128xi32, #tpu.memory_space<hbm>>
      %dma_wait3A_168 = tpu.memref_squeeze %dma_wait3A_167 : memref<1x1x2x2x128xi32, #tpu.memory_space<hbm>> -> memref<2x2x128xi32, #tpu.memory_space<hbm>>
      %dma_wait3A_169 = arith.constant 0 : i32
      %dma_wait3A_170 = arith.constant 0 : i32
      %dma_wait3A_171 = arith.constant 0 : i32
      %dma_wait3A_172 = tpu.memref_slice %arg5[%sub3A_107, %dma_wait3A_169, %dma_wait3A_170, %dma_wait3A_171] : memref<2x2x2x128xi32, #tpu.memory_space<vmem>> -> memref<1x2x2x128xi32, #tpu.memory_space<vmem>>
      %dma_wait3A_173 = tpu.memref_squeeze %dma_wait3A_172 : memref<1x2x2x128xi32, #tpu.memory_space<vmem>> -> memref<2x2x128xi32, #tpu.memory_space<vmem>>
      %dma_wait3A_174 = arith.constant 0 : i32
      %dma_wait3A_175 = arith.constant 0 : i32
      %dma_wait3A_176 = arith.constant 0 : i32
      %dma_wait3A_177 = tpu.memref_slice %arg3[%add3A, %add3A_109, %dma_wait3A_174, %dma_wait3A_175, %dma_wait3A_176] : memref<32x40x2x2x128xi32, #tpu.memory_space<hbm>> -> memref<1x1x2x2x128xi32, #tpu.memory_space<hbm>>
      %dma_wait3A_178 = tpu.memref_squeeze %dma_wait3A_177 : memref<1x1x2x2x128xi32, #tpu.memory_space<hbm>> -> memref<2x2x128xi32, #tpu.memory_space<hbm>>
      tpu.wait_dma2 semaphore(%arg10 : memref<!tpu.dma_semaphore, #tpu.memory_space<semaphore_mem>>) src(%dma_wait3A_178 : memref<2x2x128xi32, #tpu.memory_space<hbm>>) dst(%dma_wait3A_173 : memref<2x2x128xi32, #tpu.memory_space<vmem>>)
      %dma_start3A_179 = arith.constant 0 : i32
      %dma_start3A_180 = arith.constant 0 : i32
      %dma_start3A_181 = arith.constant 0 : i32
      %dma_start3A_182 = arith.constant 0 : i32
      %dma_start3A_183 = arith.constant 0 : i32
      %dma_start3A_184 = tpu.memref_slice %arg6[%dma_start3A_181, %dma_start3A_182, %dma_start3A_183] : memref<2x128x128xf32, #tpu.memory_space<vmem>> -> memref<1x128x128xf32, #tpu.memory_space<vmem>>
      %dma_start3A_185 = tpu.memref_squeeze %dma_start3A_184 : memref<1x128x128xf32, #tpu.memory_space<vmem>> -> memref<128x128xf32, #tpu.memory_space<vmem>>
      %dma_start3A_186 = arith.constant 0 : i32
      %dma_start3A_187 = tpu.memref_slice %arg5[%sub3A_107, %dma_start3A_179, %dma_start3A_180, %dma_start3A_186] : memref<2x2x2x128xi32, #tpu.memory_space<vmem>> -> memref<1x1x1x128xi32, #tpu.memory_space<vmem>>
      %dma_start3A_188 = tpu.memref_squeeze %dma_start3A_187 : memref<1x1x1x128xi32, #tpu.memory_space<vmem>> -> memref<128xi32, #tpu.memory_space<vmem>>
      %dma_start3A_189 = arith.constant 0 : i32
      %dma_start3A_190 = arith.constant 0 : i32
      %dma_start3A_191 = tpu.memref_slice %arg2[%dma_start3A_189, %dma_start3A_190] : memref<10000x128xf32, #tpu.memory_space<hbm>> -> memref<10000x128xf32, #tpu.memory_space<hbm>>
      tpu.enqueue_indirect_dma source(%dma_start3A_191 : memref<10000x128xf32, #tpu.memory_space<hbm>>) target(%dma_start3A_185 : memref<128x128xf32, #tpu.memory_space<vmem>>) offsets(%dma_start3A_188 : memref<128xi32, #tpu.memory_space<vmem>>) semaphore(%arg8 : memref<!tpu.dma_semaphore, #tpu.memory_space<semaphore_mem>>)
      %dma_wait3A_192 = arith.constant 1 : i32
      %dma_wait3A_193 = arith.constant 0 : i32
      %dma_wait3A_194 = arith.constant 1 : i32
      %dma_wait3A_195 = arith.constant 0 : i32
      %dma_wait3A_196 = arith.constant 0 : i32
      %dma_wait3A_197 = tpu.memref_slice %arg6[%dma_wait3A_194, %dma_wait3A_195, %dma_wait3A_196] : memref<2x128x128xf32, #tpu.memory_space<vmem>> -> memref<1x128x128xf32, #tpu.memory_space<vmem>>
      %dma_wait3A_198 = tpu.memref_squeeze %dma_wait3A_197 : memref<1x128x128xf32, #tpu.memory_space<vmem>> -> memref<128x128xf32, #tpu.memory_space<vmem>>
      %dma_wait3A_199 = arith.constant 0 : i32
      %dma_wait3A_200 = tpu.memref_slice %arg5[%rem3A_106, %dma_wait3A_192, %dma_wait3A_193, %dma_wait3A_199] : memref<2x2x2x128xi32, #tpu.memory_space<vmem>> -> memref<1x1x1x128xi32, #tpu.memory_space<vmem>>
      %dma_wait3A_201 = tpu.memref_squeeze %dma_wait3A_200 : memref<1x1x1x128xi32, #tpu.memory_space<vmem>> -> memref<128xi32, #tpu.memory_space<vmem>>
      %dma_wait3A_202 = arith.constant 0 : i32
      %dma_wait3A_203 = arith.constant 0 : i32
      %dma_wait3A_204 = tpu.memref_slice %arg2[%dma_wait3A_202, %dma_wait3A_203] : memref<10000x128xf32, #tpu.memory_space<hbm>> -> memref<10000x128xf32, #tpu.memory_space<hbm>>
      tpu.wait_indirect_dma semaphore(%arg9 : memref<!tpu.dma_semaphore, #tpu.memory_space<semaphore_mem>>) src(%dma_wait3A_204 : memref<10000x128xf32, #tpu.memory_space<hbm>>) dst(%dma_wait3A_198 : memref<128x128xf32, #tpu.memory_space<vmem>>)
      %run_scoped3A_205 = arith.constant 1 : i32
      %run_scoped3A_206 = arith.constant 1 : i32
      %run_scoped3A_207 = arith.constant 1 : i32
      "tpu.region"() ({
        %run_scoped3A_208 = tpu.sem_alloc : memref<!tpu.dma_semaphore, #tpu.memory_space<semaphore_mem>>
        %dma_start3A_209 = arith.constant 0 : i32
        %dma_start3A_210 = arith.constant 0 : i32
        %dma_start3A_211 = tpu.memref_slice %arg6[%run_scoped3A_205, %dma_start3A_209, %dma_start3A_210] : memref<2x128x128xf32, #tpu.memory_space<vmem>> -> memref<1x128x128xf32, #tpu.memory_space<vmem>>
        %dma_start3A_212 = tpu.memref_squeeze %dma_start3A_211 : memref<1x128x128xf32, #tpu.memory_space<vmem>> -> memref<128x128xf32, #tpu.memory_space<vmem>>
        %dma_start3A_213 = arith.constant 0 : i32
        %dma_start3A_214 = tpu.memref_slice %arg5[%rem3A_106, %run_scoped3A_206, %run_scoped3A_207, %dma_start3A_213] : memref<2x2x2x128xi32, #tpu.memory_space<vmem>> -> memref<1x1x1x128xi32, #tpu.memory_space<vmem>>
        %dma_start3A_215 = tpu.memref_squeeze %dma_start3A_214 : memref<1x1x1x128xi32, #tpu.memory_space<vmem>> -> memref<128xi32, #tpu.memory_space<vmem>>
        %dma_start3A_216 = arith.constant 0 : i32
        %dma_start3A_217 = arith.constant 0 : i32
        %dma_start3A_218 = tpu.memref_slice %arg7[%dma_start3A_216, %dma_start3A_217] : memref<10112x128xf32, #tpu.memory_space<vmem_shared>> -> memref<10112x128xf32, #tpu.memory_space<vmem_shared>>
        tpu.enqueue_indirect_dma source(%dma_start3A_212 : memref<128x128xf32, #tpu.memory_space<vmem>>) target(%dma_start3A_218 : memref<10112x128xf32, #tpu.memory_space<vmem_shared>>) offsets(%dma_start3A_215 : memref<128xi32, #tpu.memory_space<vmem>>) semaphore(%run_scoped3A_208 : memref<!tpu.dma_semaphore, #tpu.memory_space<semaphore_mem>>) {add = true}
        %dma_wait3A_219 = arith.constant 0 : i32
        %dma_wait3A_220 = arith.constant 0 : i32
        %dma_wait3A_221 = tpu.memref_slice %arg6[%run_scoped3A_205, %dma_wait3A_219, %dma_wait3A_220] : memref<2x128x128xf32, #tpu.memory_space<vmem>> -> memref<1x128x128xf32, #tpu.memory_space<vmem>>
        %dma_wait3A_222 = tpu.memref_squeeze %dma_wait3A_221 : memref<1x128x128xf32, #tpu.memory_space<vmem>> -> memref<128x128xf32, #tpu.memory_space<vmem>>
        %dma_wait3A_223 = arith.constant 0 : i32
        %dma_wait3A_224 = tpu.memref_slice %arg5[%rem3A_106, %run_scoped3A_206, %run_scoped3A_207, %dma_wait3A_223] : memref<2x2x2x128xi32, #tpu.memory_space<vmem>> -> memref<1x1x1x128xi32, #tpu.memory_space<vmem>>
        %dma_wait3A_225 = tpu.memref_squeeze %dma_wait3A_224 : memref<1x1x1x128xi32, #tpu.memory_space<vmem>> -> memref<128xi32, #tpu.memory_space<vmem>>
        %dma_wait3A_226 = arith.constant 0 : i32
        %dma_wait3A_227 = arith.constant 0 : i32
        %dma_wait3A_228 = tpu.memref_slice %arg7[%dma_wait3A_226, %dma_wait3A_227] : memref<10112x128xf32, #tpu.memory_space<vmem_shared>> -> memref<10112x128xf32, #tpu.memory_space<vmem_shared>>
        tpu.wait_indirect_dma semaphore(%run_scoped3A_208 : memref<!tpu.dma_semaphore, #tpu.memory_space<semaphore_mem>>) src(%dma_wait3A_222 : memref<128x128xf32, #tpu.memory_space<vmem>>) dst(%dma_wait3A_228 : memref<10112x128xf32, #tpu.memory_space<vmem_shared>>)
        tpu.yield
      }) : () -> ()
    }
    %scan3A_50 = arith.constant 39 : i32
    %dma_start3A_51 = arith.constant 1 : i32
    %dma_start3A_52 = arith.constant 1 : i32
    %dma_start3A_53 = arith.constant 0 : i32
    %dma_start3A_54 = arith.constant 1 : i32
    %dma_start3A_55 = arith.constant 0 : i32
    %dma_start3A_56 = arith.constant 0 : i32
    %dma_start3A_57 = tpu.memref_slice %arg6[%dma_start3A_54, %dma_start3A_55, %dma_start3A_56] : memref<2x128x128xf32, #tpu.memory_space<vmem>> -> memref<1x128x128xf32, #tpu.memory_space<vmem>>
    %dma_start3A_58 = tpu.memref_squeeze %dma_start3A_57 : memref<1x128x128xf32, #tpu.memory_space<vmem>> -> memref<128x128xf32, #tpu.memory_space<vmem>>
    %dma_start3A_59 = arith.constant 0 : i32
    %dma_start3A_60 = tpu.memref_slice %arg5[%dma_start3A_51, %dma_start3A_52, %dma_start3A_53, %dma_start3A_59] : memref<2x2x2x128xi32, #tpu.memory_space<vmem>> -> memref<1x1x1x128xi32, #tpu.memory_space<vmem>>
    %dma_start3A_61 = tpu.memref_squeeze %dma_start3A_60 : memref<1x1x1x128xi32, #tpu.memory_space<vmem>> -> memref<128xi32, #tpu.memory_space<vmem>>
    %dma_start3A_62 = arith.constant 0 : i32
    %dma_start3A_63 = arith.constant 0 : i32
    %dma_start3A_64 = tpu.memref_slice %arg2[%dma_start3A_62, %dma_start3A_63] : memref<10000x128xf32, #tpu.memory_space<hbm>> -> memref<10000x128xf32, #tpu.memory_space<hbm>>
    tpu.enqueue_indirect_dma source(%dma_start3A_64 : memref<10000x128xf32, #tpu.memory_space<hbm>>) target(%dma_start3A_58 : memref<128x128xf32, #tpu.memory_space<vmem>>) offsets(%dma_start3A_61 : memref<128xi32, #tpu.memory_space<vmem>>) semaphore(%arg9 : memref<!tpu.dma_semaphore, #tpu.memory_space<semaphore_mem>>)
    %dma_wait3A = arith.constant 1 : i32
    %dma_wait3A_65 = arith.constant 0 : i32
    %dma_wait3A_66 = arith.constant 0 : i32
    %dma_wait3A_67 = arith.constant 0 : i32
    %dma_wait3A_68 = arith.constant 0 : i32
    %dma_wait3A_69 = arith.constant 0 : i32
    %dma_wait3A_70 = tpu.memref_slice %arg6[%dma_wait3A_67, %dma_wait3A_68, %dma_wait3A_69] : memref<2x128x128xf32, #tpu.memory_space<vmem>> -> memref<1x128x128xf32, #tpu.memory_space<vmem>>
    %dma_wait3A_71 = tpu.memref_squeeze %dma_wait3A_70 : memref<1x128x128xf32, #tpu.memory_space<vmem>> -> memref<128x128xf32, #tpu.memory_space<vmem>>
    %dma_wait3A_72 = arith.constant 0 : i32
    %dma_wait3A_73 = tpu.memref_slice %arg5[%dma_wait3A, %dma_wait3A_65, %dma_wait3A_66, %dma_wait3A_72] : memref<2x2x2x128xi32, #tpu.memory_space<vmem>> -> memref<1x1x1x128xi32, #tpu.memory_space<vmem>>
    %dma_wait3A_74 = tpu.memref_squeeze %dma_wait3A_73 : memref<1x1x1x128xi32, #tpu.memory_space<vmem>> -> memref<128xi32, #tpu.memory_space<vmem>>
    %dma_wait3A_75 = arith.constant 0 : i32
    %dma_wait3A_76 = arith.constant 0 : i32
    %dma_wait3A_77 = tpu.memref_slice %arg2[%dma_wait3A_75, %dma_wait3A_76] : memref<10000x128xf32, #tpu.memory_space<hbm>> -> memref<10000x128xf32, #tpu.memory_space<hbm>>
    tpu.wait_indirect_dma semaphore(%arg8 : memref<!tpu.dma_semaphore, #tpu.memory_space<semaphore_mem>>) src(%dma_wait3A_77 : memref<10000x128xf32, #tpu.memory_space<hbm>>) dst(%dma_wait3A_71 : memref<128x128xf32, #tpu.memory_space<vmem>>)
    %run_scoped3A_78 = arith.constant 0 : i32
    %run_scoped3A_79 = arith.constant 1 : i32
    %run_scoped3A_80 = arith.constant 0 : i32
    %run_scoped3A_81 = arith.constant 1 : i32
    "tpu.region"() ({
      %run_scoped3A_105 = tpu.sem_alloc : memref<!tpu.dma_semaphore, #tpu.memory_space<semaphore_mem>>
      %dma_start3A_106 = arith.constant 0 : i32
      %dma_start3A_107 = arith.constant 0 : i32
      %dma_start3A_108 = tpu.memref_slice %arg6[%run_scoped3A_78, %dma_start3A_106, %dma_start3A_107] : memref<2x128x128xf32, #tpu.memory_space<vmem>> -> memref<1x128x128xf32, #tpu.memory_space<vmem>>
      %dma_start3A_109 = tpu.memref_squeeze %dma_start3A_108 : memref<1x128x128xf32, #tpu.memory_space<vmem>> -> memref<128x128xf32, #tpu.memory_space<vmem>>
      %dma_start3A_110 = arith.constant 0 : i32
      %dma_start3A_111 = tpu.memref_slice %arg5[%run_scoped3A_79, %run_scoped3A_80, %run_scoped3A_81, %dma_start3A_110] : memref<2x2x2x128xi32, #tpu.memory_space<vmem>> -> memref<1x1x1x128xi32, #tpu.memory_space<vmem>>
      %dma_start3A_112 = tpu.memref_squeeze %dma_start3A_111 : memref<1x1x1x128xi32, #tpu.memory_space<vmem>> -> memref<128xi32, #tpu.memory_space<vmem>>
      %dma_start3A_113 = arith.constant 0 : i32
      %dma_start3A_114 = arith.constant 0 : i32
      %dma_start3A_115 = tpu.memref_slice %arg7[%dma_start3A_113, %dma_start3A_114] : memref<10112x128xf32, #tpu.memory_space<vmem_shared>> -> memref<10112x128xf32, #tpu.memory_space<vmem_shared>>
      tpu.enqueue_indirect_dma source(%dma_start3A_109 : memref<128x128xf32, #tpu.memory_space<vmem>>) target(%dma_start3A_115 : memref<10112x128xf32, #tpu.memory_space<vmem_shared>>) offsets(%dma_start3A_112 : memref<128xi32, #tpu.memory_space<vmem>>) semaphore(%run_scoped3A_105 : memref<!tpu.dma_semaphore, #tpu.memory_space<semaphore_mem>>) {add = true}
      %dma_wait3A_116 = arith.constant 0 : i32
      %dma_wait3A_117 = arith.constant 0 : i32
      %dma_wait3A_118 = tpu.memref_slice %arg6[%run_scoped3A_78, %dma_wait3A_116, %dma_wait3A_117] : memref<2x128x128xf32, #tpu.memory_space<vmem>> -> memref<1x128x128xf32, #tpu.memory_space<vmem>>
      %dma_wait3A_119 = tpu.memref_squeeze %dma_wait3A_118 : memref<1x128x128xf32, #tpu.memory_space<vmem>> -> memref<128x128xf32, #tpu.memory_space<vmem>>
      %dma_wait3A_120 = arith.constant 0 : i32
      %dma_wait3A_121 = tpu.memref_slice %arg5[%run_scoped3A_79, %run_scoped3A_80, %run_scoped3A_81, %dma_wait3A_120] : memref<2x2x2x128xi32, #tpu.memory_space<vmem>> -> memref<1x1x1x128xi32, #tpu.memory_space<vmem>>
      %dma_wait3A_122 = tpu.memref_squeeze %dma_wait3A_121 : memref<1x1x1x128xi32, #tpu.memory_space<vmem>> -> memref<128xi32, #tpu.memory_space<vmem>>
      %dma_wait3A_123 = arith.constant 0 : i32
      %dma_wait3A_124 = arith.constant 0 : i32
      %dma_wait3A_125 = tpu.memref_slice %arg7[%dma_wait3A_123, %dma_wait3A_124] : memref<10112x128xf32, #tpu.memory_space<vmem_shared>> -> memref<10112x128xf32, #tpu.memory_space<vmem_shared>>
      tpu.wait_indirect_dma semaphore(%run_scoped3A_105 : memref<!tpu.dma_semaphore, #tpu.memory_space<semaphore_mem>>) src(%dma_wait3A_119 : memref<128x128xf32, #tpu.memory_space<vmem>>) dst(%dma_wait3A_125 : memref<10112x128xf32, #tpu.memory_space<vmem_shared>>)
      tpu.yield
    }) : () -> ()
    %dma_wait3A_82 = arith.constant 1 : i32
    %dma_wait3A_83 = arith.constant 1 : i32
    %dma_wait3A_84 = arith.constant 0 : i32
    %dma_wait3A_85 = arith.constant 1 : i32
    %dma_wait3A_86 = arith.constant 0 : i32
    %dma_wait3A_87 = arith.constant 0 : i32
    %dma_wait3A_88 = tpu.memref_slice %arg6[%dma_wait3A_85, %dma_wait3A_86, %dma_wait3A_87] : memref<2x128x128xf32, #tpu.memory_space<vmem>> -> memref<1x128x128xf32, #tpu.memory_space<vmem>>
    %dma_wait3A_89 = tpu.memref_squeeze %dma_wait3A_88 : memref<1x128x128xf32, #tpu.memory_space<vmem>> -> memref<128x128xf32, #tpu.memory_space<vmem>>
    %dma_wait3A_90 = arith.constant 0 : i32
    %dma_wait3A_91 = tpu.memref_slice %arg5[%dma_wait3A_82, %dma_wait3A_83, %dma_wait3A_84, %dma_wait3A_90] : memref<2x2x2x128xi32, #tpu.memory_space<vmem>> -> memref<1x1x1x128xi32, #tpu.memory_space<vmem>>
    %dma_wait3A_92 = tpu.memref_squeeze %dma_wait3A_91 : memref<1x1x1x128xi32, #tpu.memory_space<vmem>> -> memref<128xi32, #tpu.memory_space<vmem>>
    %dma_wait3A_93 = arith.constant 0 : i32
    %dma_wait3A_94 = arith.constant 0 : i32
    %dma_wait3A_95 = tpu.memref_slice %arg2[%dma_wait3A_93, %dma_wait3A_94] : memref<10000x128xf32, #tpu.memory_space<hbm>> -> memref<10000x128xf32, #tpu.memory_space<hbm>>
    tpu.wait_indirect_dma semaphore(%arg9 : memref<!tpu.dma_semaphore, #tpu.memory_space<semaphore_mem>>) src(%dma_wait3A_95 : memref<10000x128xf32, #tpu.memory_space<hbm>>) dst(%dma_wait3A_89 : memref<128x128xf32, #tpu.memory_space<vmem>>)
    %run_scoped3A_96 = arith.constant 1 : i32
    %run_scoped3A_97 = arith.constant 1 : i32
    %run_scoped3A_98 = arith.constant 1 : i32
    %run_scoped3A_99 = arith.constant 1 : i32
    "tpu.region"() ({
      %run_scoped3A_105 = tpu.sem_alloc : memref<!tpu.dma_semaphore, #tpu.memory_space<semaphore_mem>>
      %dma_start3A_106 = arith.constant 0 : i32
      %dma_start3A_107 = arith.constant 0 : i32
      %dma_start3A_108 = tpu.memref_slice %arg6[%run_scoped3A_96, %dma_start3A_106, %dma_start3A_107] : memref<2x128x128xf32, #tpu.memory_space<vmem>> -> memref<1x128x128xf32, #tpu.memory_space<vmem>>
      %dma_start3A_109 = tpu.memref_squeeze %dma_start3A_108 : memref<1x128x128xf32, #tpu.memory_space<vmem>> -> memref<128x128xf32, #tpu.memory_space<vmem>>
      %dma_start3A_110 = arith.constant 0 : i32
      %dma_start3A_111 = tpu.memref_slice %arg5[%run_scoped3A_97, %run_scoped3A_98, %run_scoped3A_99, %dma_start3A_110] : memref<2x2x2x128xi32, #tpu.memory_space<vmem>> -> memref<1x1x1x128xi32, #tpu.memory_space<vmem>>
      %dma_start3A_112 = tpu.memref_squeeze %dma_start3A_111 : memref<1x1x1x128xi32, #tpu.memory_space<vmem>> -> memref<128xi32, #tpu.memory_space<vmem>>
      %dma_start3A_113 = arith.constant 0 : i32
      %dma_start3A_114 = arith.constant 0 : i32
      %dma_start3A_115 = tpu.memref_slice %arg7[%dma_start3A_113, %dma_start3A_114] : memref<10112x128xf32, #tpu.memory_space<vmem_shared>> -> memref<10112x128xf32, #tpu.memory_space<vmem_shared>>
      tpu.enqueue_indirect_dma source(%dma_start3A_109 : memref<128x128xf32, #tpu.memory_space<vmem>>) target(%dma_start3A_115 : memref<10112x128xf32, #tpu.memory_space<vmem_shared>>) offsets(%dma_start3A_112 : memref<128xi32, #tpu.memory_space<vmem>>) semaphore(%run_scoped3A_105 : memref<!tpu.dma_semaphore, #tpu.memory_space<semaphore_mem>>) {add = true}
      %dma_wait3A_116 = arith.constant 0 : i32
      %dma_wait3A_117 = arith.constant 0 : i32
      %dma_wait3A_118 = tpu.memref_slice %arg6[%run_scoped3A_96, %dma_wait3A_116, %dma_wait3A_117] : memref<2x128x128xf32, #tpu.memory_space<vmem>> -> memref<1x128x128xf32, #tpu.memory_space<vmem>>
      %dma_wait3A_119 = tpu.memref_squeeze %dma_wait3A_118 : memref<1x128x128xf32, #tpu.memory_space<vmem>> -> memref<128x128xf32, #tpu.memory_space<vmem>>
      %dma_wait3A_120 = arith.constant 0 : i32
      %dma_wait3A_121 = tpu.memref_slice %arg5[%run_scoped3A_97, %run_scoped3A_98, %run_scoped3A_99, %dma_wait3A_120] : memref<2x2x2x128xi32, #tpu.memory_space<vmem>> -> memref<1x1x1x128xi32, #tpu.memory_space<vmem>>
      %dma_wait3A_122 = tpu.memref_squeeze %dma_wait3A_121 : memref<1x1x1x128xi32, #tpu.memory_space<vmem>> -> memref<128xi32, #tpu.memory_space<vmem>>
      %dma_wait3A_123 = arith.constant 0 : i32
      %dma_wait3A_124 = arith.constant 0 : i32
      %dma_wait3A_125 = tpu.memref_slice %arg7[%dma_wait3A_123, %dma_wait3A_124] : memref<10112x128xf32, #tpu.memory_space<vmem_shared>> -> memref<10112x128xf32, #tpu.memory_space<vmem_shared>>
      tpu.wait_indirect_dma semaphore(%run_scoped3A_105 : memref<!tpu.dma_semaphore, #tpu.memory_space<semaphore_mem>>) src(%dma_wait3A_119 : memref<128x128xf32, #tpu.memory_space<vmem>>) dst(%dma_wait3A_125 : memref<10112x128xf32, #tpu.memory_space<vmem_shared>>)
      tpu.yield
    }) : () -> ()
    %barrier3A_100 = arith.constant 0 : index
    tpu.barrier barrier_id(%barrier3A_100)
    %mul3A_101 = arith.constant 632 : i32
    %mul3A_102 = arith.muli %arg1, %mul3A_101 : i32
    %mul3A_103 = arith.constant 632 : i32
    %mul3A_104 = arith.muli %arg1, %mul3A_103 : i32
    "tpu.region"() ({
      %run_scoped3A_105 = tpu.sem_alloc : memref<!tpu.dma_semaphore, #tpu.memory_space<semaphore_mem>>
      %dma_start3A_106 = arith.constant 0 : i32
      %dma_start3A_107 = tpu.memref_slice %arg4[%arg0, %mul3A_104, %dma_start3A_106] : memref<2x10112x128xf32, #tpu.memory_space<hbm>> -> memref<1x632x128xf32, #tpu.memory_space<hbm>>
      %dma_start3A_108 = tpu.memref_squeeze %dma_start3A_107 : memref<1x632x128xf32, #tpu.memory_space<hbm>> -> memref<632x128xf32, #tpu.memory_space<hbm>>
      %dma_start3A_109 = arith.constant 0 : i32
      %dma_start3A_110 = tpu.memref_slice %arg7[%mul3A_102, %dma_start3A_109] : memref<10112x128xf32, #tpu.memory_space<vmem_shared>> -> memref<632x128xf32, #tpu.memory_space<vmem_shared>>
      tpu.enqueue_dma source(%dma_start3A_110 : memref<632x128xf32, #tpu.memory_space<vmem_shared>>) target(%dma_start3A_108 : memref<632x128xf32, #tpu.memory_space<hbm>>) target_semaphore(%run_scoped3A_105 : memref<!tpu.dma_semaphore, #tpu.memory_space<semaphore_mem>>)
      %dma_wait3A_111 = arith.constant 0 : i32
      %dma_wait3A_112 = tpu.memref_slice %arg4[%arg0, %mul3A_104, %dma_wait3A_111] : memref<2x10112x128xf32, #tpu.memory_space<hbm>> -> memref<1x632x128xf32, #tpu.memory_space<hbm>>
      %dma_wait3A_113 = tpu.memref_squeeze %dma_wait3A_112 : memref<1x632x128xf32, #tpu.memory_space<hbm>> -> memref<632x128xf32, #tpu.memory_space<hbm>>
      %dma_wait3A_114 = arith.constant 0 : i32
      %dma_wait3A_115 = tpu.memref_slice %arg7[%mul3A_102, %dma_wait3A_114] : memref<10112x128xf32, #tpu.memory_space<vmem_shared>> -> memref<632x128xf32, #tpu.memory_space<vmem_shared>>
      tpu.wait_dma2 semaphore(%run_scoped3A_105 : memref<!tpu.dma_semaphore, #tpu.memory_space<semaphore_mem>>) src(%dma_wait3A_115 : memref<632x128xf32, #tpu.memory_space<vmem_shared>>) dst(%dma_wait3A_113 : memref<632x128xf32, #tpu.memory_space<hbm>>)
      tpu.yield
    }) : () -> ()
    return
  }
}

#map = affine_map<(d0, d1) -> (0, 0)>
#map1 = affine_map<(d0, d1) -> (0, 0, 0, 0, 0)>
#map2 = affine_map<(d0, d1) -> (0, 0, 0)>
module attributes {stable_mosaic.version = 14 : i64} {
  func.func @_seg_sum(%arg0: i32, %arg1: i32, %arg2: memref<10000x128xf32, #tpu.memory_space<hbm>>, %arg3: memref<32x40x2x2x128xi32, #tpu.memory_space<hbm>>, %arg4: memref<2x10112x128xf32, #tpu.memory_space<hbm>>, %arg5: memref<2x2x2x128xi32, #tpu.memory_space<vmem>>, %arg6: memref<2x128x128xf32, #tpu.memory_space<vmem>>, %arg7: memref<10112x128xf32, #tpu.memory_space<vmem_shared>>, %arg8: memref<!tpu.dma_semaphore, #tpu.memory_space<semaphore_mem>>, %arg9: memref<!tpu.dma_semaphore, #tpu.memory_space<semaphore_mem>>, %arg10: memref<!tpu.dma_semaphore, #tpu.memory_space<semaphore_mem>>) attributes {dimension_semantics = [#tpu.dimension_semantics<core_parallel>, #tpu.dimension_semantics<subcore_parallel>], iteration_bounds = array<i64: 2, 16>, scalar_prefetch = 0 : i64, scratch_operands = 6 : i64, tpu.core_type = #tpu.core_type<sc_vector_subcore>, window_params = [{transform_indices = #map}, {transform_indices = #map1}, {transform_indices = #map2}]} {
    %mul3A = arith.constant 16 : i32
    %mul3A_0 = arith.muli %arg0, %mul3A : i32
    %add3A = arith.addi %mul3A_0, %arg1 : i32
    %scan3A = arith.constant 0 : i32
    %scan3A_1 = arith.constant 0 : i32
    %scan3A_2 = arith.constant 1024 : i32
    %scan3A_3 = arith.addi %scan3A_1, %scan3A_2 : i32
    %scan3A_4 = arith.constant 1 : i32
    scf.for %scan3A_105 = %scan3A_1 to %scan3A_3 step %scan3A_4  : i32 {
      %broadcast_in_dim3A = arith.constant 0.000000e+00 : f32
      %broadcast_in_dim3A_106 = vector.broadcast %broadcast_in_dim3A : f32 to vector<16xf32>
      %jit3A = arith.constant 8 : i32
      %div3A = arith.divsi %scan3A_105, %jit3A : i32
      %sign3A = arith.constant 0 : i32
      %sign3A_107 = arith.cmpi sgt, %scan3A_105, %sign3A : i32
      %sign3A_108 = arith.extui %sign3A_107 : i1 to i32
      %sign3A_109 = arith.constant 0 : i32
      %sign3A_110 = arith.cmpi slt, %scan3A_105, %sign3A_109 : i32
      %sign3A_111 = arith.extui %sign3A_110 : i1 to i32
      %sign3A_112 = arith.subi %sign3A_108, %sign3A_111 : i32
      %sign3A_113 = arith.constant 0 : i32
      %sign3A_114 = arith.cmpi sgt, %jit3A, %sign3A_113 : i32
      %sign3A_115 = arith.extui %sign3A_114 : i1 to i32
      %sign3A_116 = arith.constant 0 : i32
      %sign3A_117 = arith.cmpi slt, %jit3A, %sign3A_116 : i32
      %sign3A_118 = arith.extui %sign3A_117 : i1 to i32
      %sign3A_119 = arith.subi %sign3A_115, %sign3A_118 : i32
      %ne3A = arith.cmpi ne, %sign3A_112, %sign3A_119 : i32
      %rem3A = arith.remsi %scan3A_105, %jit3A : i32
      %ne3A_120 = arith.constant 0 : i32
      %ne3A_121 = arith.cmpi ne, %rem3A, %ne3A_120 : i32
      %and3A = arith.andi %ne3A, %ne3A_121 : i1
      %sub3A = arith.constant 1 : i32
      %sub3A_122 = arith.subi %div3A, %sub3A : i32
      %select_n3A = arith.select %and3A, %sub3A_122, %div3A : i32
      %jit3A_123 = arith.constant 8 : i32
      %eq3A = arith.constant 0 : i32
      %eq3A_124 = arith.cmpi eq, %jit3A_123, %eq3A : i32
      %jit3A_125 = arith.constant 1 : i32
      %select_n3A_126 = arith.select %eq3A_124, %jit3A_125, %jit3A_123 : i32
      %rem3A_127 = arith.remsi %scan3A_105, %select_n3A_126 : i32
      %ne3A_128 = arith.constant 0 : i32
      %ne3A_129 = arith.cmpi ne, %rem3A_127, %ne3A_128 : i32
      %lt3A = arith.constant 0 : i32
      %lt3A_130 = arith.cmpi slt, %rem3A_127, %lt3A : i32
      %lt3A_131 = arith.constant 0 : i32
      %lt3A_132 = arith.cmpi slt, %select_n3A_126, %lt3A_131 : i32
      %ne3A_133 = arith.xori %lt3A_130, %lt3A_132 : i1
      %and3A_134 = arith.andi %ne3A_133, %ne3A_129 : i1
      %add3A_135 = arith.addi %rem3A_127, %select_n3A_126 : i32
      %select_n3A_136 = arith.select %and3A_134, %add3A_135, %rem3A_127 : i32
      %mul3A_137 = arith.constant 16 : i32
      %mul3A_138 = arith.muli %select_n3A_136, %mul3A_137 : i32
      %swap3A = arith.constant 0 : i32
      %swap3A_139 = arith.index_cast %swap3A : i32 to index
      %swap3A_140 = arith.index_cast %select_n3A : i32 to index
      %swap3A_141 = arith.index_cast %mul3A_138 : i32 to index
      %swap3A_142 = tpu.vector_load %arg6[%swap3A_139, %swap3A_140, %swap3A_141] {strides = array<i32>} : memref<2x128x128xf32, #tpu.memory_space<vmem>>, vector<1x1x16xf32>,
      %swap3A_143 = vector.shape_cast %swap3A_142 : vector<1x1x16xf32> to vector<16xf32>
      %swap3A_144 = vector.shape_cast %broadcast_in_dim3A_106 : vector<16xf32> to vector<1x1x16xf32>
      tpu.vector_store %arg6[%swap3A_139, %swap3A_140, %swap3A_141], %swap3A_144 {strides = array<i32>} : memref<2x128x128xf32, #tpu.memory_space<vmem>>, vector<1x1x16xf32>,
    }
    %scan3A_5 = arith.constant 1024 : i32
    %mul3A_6 = arith.constant 632 : i32
    %mul3A_7 = arith.muli %arg1, %mul3A_6 : i32
    %add3A_8 = arith.constant 0 : i32
    %add3A_9 = arith.addi %mul3A_7, %add3A_8 : i32
    %run_scoped3A = arith.constant 0 : i32
    "tpu.region"() ({
      %run_scoped3A_105 = tpu.sem_alloc : memref<!tpu.dma_semaphore, #tpu.memory_space<semaphore_mem>>
      %dma_start3A_106 = arith.constant 0 : i32
      %dma_start3A_107 = arith.constant 0 : i32
      %dma_start3A_108 = tpu.memref_slice %arg6[%run_scoped3A, %dma_start3A_106, %dma_start3A_107] : memref<2x128x128xf32, #tpu.memory_space<vmem>> -> memref<1x128x128xf32, #tpu.memory_space<vmem>>
      %dma_start3A_109 = tpu.memref_squeeze %dma_start3A_108 : memref<1x128x128xf32, #tpu.memory_space<vmem>> -> memref<128x128xf32, #tpu.memory_space<vmem>>
      %dma_start3A_110 = arith.constant 0 : i32
      %dma_start3A_111 = tpu.memref_slice %arg7[%add3A_9, %dma_start3A_110] : memref<10112x128xf32, #tpu.memory_space<vmem_shared>> -> memref<128x128xf32, #tpu.memory_space<vmem_shared>>
      %dma_start3A_112 = arith.constant 0 : i32
      %dma_start3A_113 = tpu.memref_slice %arg7[%add3A_9, %dma_start3A_112] : memref<10112x128xf32, #tpu.memory_space<vmem_shared>> -> memref<128x128xf32, #tpu.memory_space<vmem_shared>>
      %dma_start3A_114 = arith.constant 0 : i32
      %dma_start3A_115 = arith.constant 0 : i32
      %dma_start3A_116 = tpu.memref_slice %arg6[%run_scoped3A, %dma_start3A_114, %dma_start3A_115] : memref<2x128x128xf32, #tpu.memory_space<vmem>> -> memref<1x128x128xf32, #tpu.memory_space<vmem>>
      %dma_start3A_117 = tpu.memref_squeeze %dma_start3A_116 : memref<1x128x128xf32, #tpu.memory_space<vmem>> -> memref<128x128xf32, #tpu.memory_space<vmem>>
      tpu.enqueue_dma source(%dma_start3A_117 : memref<128x128xf32, #tpu.memory_space<vmem>>) target(%dma_start3A_113 : memref<128x128xf32, #tpu.memory_space<vmem_shared>>) target_semaphore(%run_scoped3A_105 : memref<!tpu.dma_semaphore, #tpu.memory_space<semaphore_mem>>)
      %dma_wait3A_118 = arith.constant 0 : i32
      %dma_wait3A_119 = arith.constant 0 : i32
      %dma_wait3A_120 = tpu.memref_slice %arg6[%run_scoped3A, %dma_wait3A_118, %dma_wait3A_119] : memref<2x128x128xf32, #tpu.memory_space<vmem>> -> memref<1x128x128xf32, #tpu.memory_space<vmem>>
      %dma_wait3A_121 = tpu.memref_squeeze %dma_wait3A_120 : memref<1x128x128xf32, #tpu.memory_space<vmem>> -> memref<128x128xf32, #tpu.memory_space<vmem>>
      %dma_wait3A_122 = arith.constant 0 : i32
      %dma_wait3A_123 = tpu.memref_slice %arg7[%add3A_9, %dma_wait3A_122] : memref<10112x128xf32, #tpu.memory_space<vmem_shared>> -> memref<128x128xf32, #tpu.memory_space<vmem_shared>>
      %dma_wait3A_124 = arith.constant 0 : i32
      %dma_wait3A_125 = tpu.memref_slice %arg7[%add3A_9, %dma_wait3A_124] : memref<10112x128xf32, #tpu.memory_space<vmem_shared>> -> memref<128x128xf32, #tpu.memory_space<vmem_shared>>
      %dma_wait3A_126 = arith.constant 0 : i32
      %dma_wait3A_127 = arith.constant 0 : i32
      %dma_wait3A_128 = tpu.memref_slice %arg6[%run_scoped3A, %dma_wait3A_126, %dma_wait3A_127] : memref<2x128x128xf32, #tpu.memory_space<vmem>> -> memref<1x128x128xf32, #tpu.memory_space<vmem>>
      %dma_wait3A_129 = tpu.memref_squeeze %dma_wait3A_128 : memref<1x128x128xf32, #tpu.memory_space<vmem>> -> memref<128x128xf32, #tpu.memory_space<vmem>>
      tpu.wait_dma2 semaphore(%run_scoped3A_105 : memref<!tpu.dma_semaphore, #tpu.memory_space<semaphore_mem>>) src(%dma_wait3A_129 : memref<128x128xf32, #tpu.memory_space<vmem>>) dst(%dma_wait3A_125 : memref<128x128xf32, #tpu.memory_space<vmem_shared>>)
      tpu.yield
    }) : () -> ()
    %mul3A_10 = arith.constant 632 : i32
    %mul3A_11 = arith.muli %arg1, %mul3A_10 : i32
    %add3A_12 = arith.constant 128 : i32
    %add3A_13 = arith.addi %mul3A_11, %add3A_12 : i32
    %run_scoped3A_14 = arith.constant 0 : i32
    "tpu.region"() ({
      %run_scoped3A_105 = tpu.sem_alloc : memref<!tpu.dma_semaphore, #tpu.memory_space<semaphore_mem>>
      %dma_start3A_106 = arith.constant 0 : i32
      %dma_start3A_107 = arith.constant 0 : i32
      %dma_start3A_108 = tpu.memref_slice %arg6[%run_scoped3A_14, %dma_start3A_106, %dma_start3A_107] : memref<2x128x128xf32, #tpu.memory_space<vmem>> -> memref<1x128x128xf32, #tpu.memory_space<vmem>>
      %dma_start3A_109 = tpu.memref_squeeze %dma_start3A_108 : memref<1x128x128xf32, #tpu.memory_space<vmem>> -> memref<128x128xf32, #tpu.memory_space<vmem>>
      %dma_start3A_110 = arith.constant 0 : i32
      %dma_start3A_111 = tpu.memref_slice %arg7[%add3A_13, %dma_start3A_110] : memref<10112x128xf32, #tpu.memory_space<vmem_shared>> -> memref<128x128xf32, #tpu.memory_space<vmem_shared>>
      %dma_start3A_112 = arith.constant 0 : i32
      %dma_start3A_113 = tpu.memref_slice %arg7[%add3A_13, %dma_start3A_112] : memref<10112x128xf32, #tpu.memory_space<vmem_shared>> -> memref<128x128xf32, #tpu.memory_space<vmem_shared>>
      %dma_start3A_114 = arith.constant 0 : i32
      %dma_start3A_115 = arith.constant 0 : i32
      %dma_start3A_116 = tpu.memref_slice %arg6[%run_scoped3A_14, %dma_start3A_114, %dma_start3A_115] : memref<2x128x128xf32, #tpu.memory_space<vmem>> -> memref<1x128x128xf32, #tpu.memory_space<vmem>>
      %dma_start3A_117 = tpu.memref_squeeze %dma_start3A_116 : memref<1x128x128xf32, #tpu.memory_space<vmem>> -> memref<128x128xf32, #tpu.memory_space<vmem>>
      tpu.enqueue_dma source(%dma_start3A_117 : memref<128x128xf32, #tpu.memory_space<vmem>>) target(%dma_start3A_113 : memref<128x128xf32, #tpu.memory_space<vmem_shared>>) target_semaphore(%run_scoped3A_105 : memref<!tpu.dma_semaphore, #tpu.memory_space<semaphore_mem>>)
      %dma_wait3A_118 = arith.constant 0 : i32
      %dma_wait3A_119 = arith.constant 0 : i32
      %dma_wait3A_120 = tpu.memref_slice %arg6[%run_scoped3A_14, %dma_wait3A_118, %dma_wait3A_119] : memref<2x128x128xf32, #tpu.memory_space<vmem>> -> memref<1x128x128xf32, #tpu.memory_space<vmem>>
      %dma_wait3A_121 = tpu.memref_squeeze %dma_wait3A_120 : memref<1x128x128xf32, #tpu.memory_space<vmem>> -> memref<128x128xf32, #tpu.memory_space<vmem>>
      %dma_wait3A_122 = arith.constant 0 : i32
      %dma_wait3A_123 = tpu.memref_slice %arg7[%add3A_13, %dma_wait3A_122] : memref<10112x128xf32, #tpu.memory_space<vmem_shared>> -> memref<128x128xf32, #tpu.memory_space<vmem_shared>>
      %dma_wait3A_124 = arith.constant 0 : i32
      %dma_wait3A_125 = tpu.memref_slice %arg7[%add3A_13, %dma_wait3A_124] : memref<10112x128xf32, #tpu.memory_space<vmem_shared>> -> memref<128x128xf32, #tpu.memory_space<vmem_shared>>
      %dma_wait3A_126 = arith.constant 0 : i32
      %dma_wait3A_127 = arith.constant 0 : i32
      %dma_wait3A_128 = tpu.memref_slice %arg6[%run_scoped3A_14, %dma_wait3A_126, %dma_wait3A_127] : memref<2x128x128xf32, #tpu.memory_space<vmem>> -> memref<1x128x128xf32, #tpu.memory_space<vmem>>
      %dma_wait3A_129 = tpu.memref_squeeze %dma_wait3A_128 : memref<1x128x128xf32, #tpu.memory_space<vmem>> -> memref<128x128xf32, #tpu.memory_space<vmem>>
      tpu.wait_dma2 semaphore(%run_scoped3A_105 : memref<!tpu.dma_semaphore, #tpu.memory_space<semaphore_mem>>) src(%dma_wait3A_129 : memref<128x128xf32, #tpu.memory_space<vmem>>) dst(%dma_wait3A_125 : memref<128x128xf32, #tpu.memory_space<vmem_shared>>)
      tpu.yield
    }) : () -> ()
    %mul3A_15 = arith.constant 632 : i32
    %mul3A_16 = arith.muli %arg1, %mul3A_15 : i32
    %add3A_17 = arith.constant 256 : i32
    %add3A_18 = arith.addi %mul3A_16, %add3A_17 : i32
    %run_scoped3A_19 = arith.constant 0 : i32
    "tpu.region"() ({
      %run_scoped3A_105 = tpu.sem_alloc : memref<!tpu.dma_semaphore, #tpu.memory_space<semaphore_mem>>
      %dma_start3A_106 = arith.constant 0 : i32
      %dma_start3A_107 = arith.constant 0 : i32
      %dma_start3A_108 = tpu.memref_slice %arg6[%run_scoped3A_19, %dma_start3A_106, %dma_start3A_107] : memref<2x128x128xf32, #tpu.memory_space<vmem>> -> memref<1x128x128xf32, #tpu.memory_space<vmem>>
      %dma_start3A_109 = tpu.memref_squeeze %dma_start3A_108 : memref<1x128x128xf32, #tpu.memory_space<vmem>> -> memref<128x128xf32, #tpu.memory_space<vmem>>
      %dma_start3A_110 = arith.constant 0 : i32
      %dma_start3A_111 = tpu.memref_slice %arg7[%add3A_18, %dma_start3A_110] : memref<10112x128xf32, #tpu.memory_space<vmem_shared>> -> memref<128x128xf32, #tpu.memory_space<vmem_shared>>
      %dma_start3A_112 = arith.constant 0 : i32
      %dma_start3A_113 = tpu.memref_slice %arg7[%add3A_18, %dma_start3A_112] : memref<10112x128xf32, #tpu.memory_space<vmem_shared>> -> memref<128x128xf32, #tpu.memory_space<vmem_shared>>
      %dma_start3A_114 = arith.constant 0 : i32
      %dma_start3A_115 = arith.constant 0 : i32
      %dma_start3A_116 = tpu.memref_slice %arg6[%run_scoped3A_19, %dma_start3A_114, %dma_start3A_115] : memref<2x128x128xf32, #tpu.memory_space<vmem>> -> memref<1x128x128xf32, #tpu.memory_space<vmem>>
      %dma_start3A_117 = tpu.memref_squeeze %dma_start3A_116 : memref<1x128x128xf32, #tpu.memory_space<vmem>> -> memref<128x128xf32, #tpu.memory_space<vmem>>
      tpu.enqueue_dma source(%dma_start3A_117 : memref<128x128xf32, #tpu.memory_space<vmem>>) target(%dma_start3A_113 : memref<128x128xf32, #tpu.memory_space<vmem_shared>>) target_semaphore(%run_scoped3A_105 : memref<!tpu.dma_semaphore, #tpu.memory_space<semaphore_mem>>)
      %dma_wait3A_118 = arith.constant 0 : i32
      %dma_wait3A_119 = arith.constant 0 : i32
      %dma_wait3A_120 = tpu.memref_slice %arg6[%run_scoped3A_19, %dma_wait3A_118, %dma_wait3A_119] : memref<2x128x128xf32, #tpu.memory_space<vmem>> -> memref<1x128x128xf32, #tpu.memory_space<vmem>>
      %dma_wait3A_121 = tpu.memref_squeeze %dma_wait3A_120 : memref<1x128x128xf32, #tpu.memory_space<vmem>> -> memref<128x128xf32, #tpu.memory_space<vmem>>
      %dma_wait3A_122 = arith.constant 0 : i32
      %dma_wait3A_123 = tpu.memref_slice %arg7[%add3A_18, %dma_wait3A_122] : memref<10112x128xf32, #tpu.memory_space<vmem_shared>> -> memref<128x128xf32, #tpu.memory_space<vmem_shared>>
      %dma_wait3A_124 = arith.constant 0 : i32
      %dma_wait3A_125 = tpu.memref_slice %arg7[%add3A_18, %dma_wait3A_124] : memref<10112x128xf32, #tpu.memory_space<vmem_shared>> -> memref<128x128xf32, #tpu.memory_space<vmem_shared>>
      %dma_wait3A_126 = arith.constant 0 : i32
      %dma_wait3A_127 = arith.constant 0 : i32
      %dma_wait3A_128 = tpu.memref_slice %arg6[%run_scoped3A_19, %dma_wait3A_126, %dma_wait3A_127] : memref<2x128x128xf32, #tpu.memory_space<vmem>> -> memref<1x128x128xf32, #tpu.memory_space<vmem>>
      %dma_wait3A_129 = tpu.memref_squeeze %dma_wait3A_128 : memref<1x128x128xf32, #tpu.memory_space<vmem>> -> memref<128x128xf32, #tpu.memory_space<vmem>>
      tpu.wait_dma2 semaphore(%run_scoped3A_105 : memref<!tpu.dma_semaphore, #tpu.memory_space<semaphore_mem>>) src(%dma_wait3A_129 : memref<128x128xf32, #tpu.memory_space<vmem>>) dst(%dma_wait3A_125 : memref<128x128xf32, #tpu.memory_space<vmem_shared>>)
      tpu.yield
    }) : () -> ()
    %mul3A_20 = arith.constant 632 : i32
    %mul3A_21 = arith.muli %arg1, %mul3A_20 : i32
    %add3A_22 = arith.constant 384 : i32
    %add3A_23 = arith.addi %mul3A_21, %add3A_22 : i32
    %run_scoped3A_24 = arith.constant 0 : i32
    "tpu.region"() ({
      %run_scoped3A_105 = tpu.sem_alloc : memref<!tpu.dma_semaphore, #tpu.memory_space<semaphore_mem>>
      %dma_start3A_106 = arith.constant 0 : i32
      %dma_start3A_107 = arith.constant 0 : i32
      %dma_start3A_108 = tpu.memref_slice %arg6[%run_scoped3A_24, %dma_start3A_106, %dma_start3A_107] : memref<2x128x128xf32, #tpu.memory_space<vmem>> -> memref<1x128x128xf32, #tpu.memory_space<vmem>>
      %dma_start3A_109 = tpu.memref_squeeze %dma_start3A_108 : memref<1x128x128xf32, #tpu.memory_space<vmem>> -> memref<128x128xf32, #tpu.memory_space<vmem>>
      %dma_start3A_110 = arith.constant 0 : i32
      %dma_start3A_111 = tpu.memref_slice %arg7[%add3A_23, %dma_start3A_110] : memref<10112x128xf32, #tpu.memory_space<vmem_shared>> -> memref<128x128xf32, #tpu.memory_space<vmem_shared>>
      %dma_start3A_112 = arith.constant 0 : i32
      %dma_start3A_113 = tpu.memref_slice %arg7[%add3A_23, %dma_start3A_112] : memref<10112x128xf32, #tpu.memory_space<vmem_shared>> -> memref<128x128xf32, #tpu.memory_space<vmem_shared>>
      %dma_start3A_114 = arith.constant 0 : i32
      %dma_start3A_115 = arith.constant 0 : i32
      %dma_start3A_116 = tpu.memref_slice %arg6[%run_scoped3A_24, %dma_start3A_114, %dma_start3A_115] : memref<2x128x128xf32, #tpu.memory_space<vmem>> -> memref<1x128x128xf32, #tpu.memory_space<vmem>>
      %dma_start3A_117 = tpu.memref_squeeze %dma_start3A_116 : memref<1x128x128xf32, #tpu.memory_space<vmem>> -> memref<128x128xf32, #tpu.memory_space<vmem>>
      tpu.enqueue_dma source(%dma_start3A_117 : memref<128x128xf32, #tpu.memory_space<vmem>>) target(%dma_start3A_113 : memref<128x128xf32, #tpu.memory_space<vmem_shared>>) target_semaphore(%run_scoped3A_105 : memref<!tpu.dma_semaphore, #tpu.memory_space<semaphore_mem>>)
      %dma_wait3A_118 = arith.constant 0 : i32
      %dma_wait3A_119 = arith.constant 0 : i32
      %dma_wait3A_120 = tpu.memref_slice %arg6[%run_scoped3A_24, %dma_wait3A_118, %dma_wait3A_119] : memref<2x128x128xf32, #tpu.memory_space<vmem>> -> memref<1x128x128xf32, #tpu.memory_space<vmem>>
      %dma_wait3A_121 = tpu.memref_squeeze %dma_wait3A_120 : memref<1x128x128xf32, #tpu.memory_space<vmem>> -> memref<128x128xf32, #tpu.memory_space<vmem>>
      %dma_wait3A_122 = arith.constant 0 : i32
      %dma_wait3A_123 = tpu.memref_slice %arg7[%add3A_23, %dma_wait3A_122] : memref<10112x128xf32, #tpu.memory_space<vmem_shared>> -> memref<128x128xf32, #tpu.memory_space<vmem_shared>>
      %dma_wait3A_124 = arith.constant 0 : i32
      %dma_wait3A_125 = tpu.memref_slice %arg7[%add3A_23, %dma_wait3A_124] : memref<10112x128xf32, #tpu.memory_space<vmem_shared>> -> memref<128x128xf32, #tpu.memory_space<vmem_shared>>
      %dma_wait3A_126 = arith.constant 0 : i32
      %dma_wait3A_127 = arith.constant 0 : i32
      %dma_wait3A_128 = tpu.memref_slice %arg6[%run_scoped3A_24, %dma_wait3A_126, %dma_wait3A_127] : memref<2x128x128xf32, #tpu.memory_space<vmem>> -> memref<1x128x128xf32, #tpu.memory_space<vmem>>
      %dma_wait3A_129 = tpu.memref_squeeze %dma_wait3A_128 : memref<1x128x128xf32, #tpu.memory_space<vmem>> -> memref<128x128xf32, #tpu.memory_space<vmem>>
      tpu.wait_dma2 semaphore(%run_scoped3A_105 : memref<!tpu.dma_semaphore, #tpu.memory_space<semaphore_mem>>) src(%dma_wait3A_129 : memref<128x128xf32, #tpu.memory_space<vmem>>) dst(%dma_wait3A_125 : memref<128x128xf32, #tpu.memory_space<vmem_shared>>)
      tpu.yield
    }) : () -> ()
    %mul3A_25 = arith.constant 632 : i32
    %mul3A_26 = arith.muli %arg1, %mul3A_25 : i32
    %add3A_27 = arith.constant 512 : i32
    %add3A_28 = arith.addi %mul3A_26, %add3A_27 : i32
    %run_scoped3A_29 = arith.constant 0 : i32
    "tpu.region"() ({
      %run_scoped3A_105 = tpu.sem_alloc : memref<!tpu.dma_semaphore, #tpu.memory_space<semaphore_mem>>
      %dma_start3A_106 = arith.constant 0 : i32
      %dma_start3A_107 = arith.constant 0 : i32
      %dma_start3A_108 = tpu.memref_slice %arg6[%run_scoped3A_29, %dma_start3A_106, %dma_start3A_107] : memref<2x128x128xf32, #tpu.memory_space<vmem>> -> memref<1x120x128xf32, #tpu.memory_space<vmem>>
      %dma_start3A_109 = tpu.memref_squeeze %dma_start3A_108 : memref<1x120x128xf32, #tpu.memory_space<vmem>> -> memref<120x128xf32, #tpu.memory_space<vmem>>
      %dma_start3A_110 = arith.constant 0 : i32
      %dma_start3A_111 = tpu.memref_slice %arg7[%add3A_28, %dma_start3A_110] : memref<10112x128xf32, #tpu.memory_space<vmem_shared>> -> memref<120x128xf32, #tpu.memory_space<vmem_shared>>
      %dma_start3A_112 = arith.constant 0 : i32
      %dma_start3A_113 = tpu.memref_slice %arg7[%add3A_28, %dma_start3A_112] : memref<10112x128xf32, #tpu.memory_space<vmem_shared>> -> memref<120x128xf32, #tpu.memory_space<vmem_shared>>
      %dma_start3A_114 = arith.constant 0 : i32
      %dma_start3A_115 = arith.constant 0 : i32
      %dma_start3A_116 = tpu.memref_slice %arg6[%run_scoped3A_29, %dma_start3A_114, %dma_start3A_115] : memref<2x128x128xf32, #tpu.memory_space<vmem>> -> memref<1x120x128xf32, #tpu.memory_space<vmem>>
      %dma_start3A_117 = tpu.memref_squeeze %dma_start3A_116 : memref<1x120x128xf32, #tpu.memory_space<vmem>> -> memref<120x128xf32, #tpu.memory_space<vmem>>
      tpu.enqueue_dma source(%dma_start3A_117 : memref<120x128xf32, #tpu.memory_space<vmem>>) target(%dma_start3A_113 : memref<120x128xf32, #tpu.memory_space<vmem_shared>>) target_semaphore(%run_scoped3A_105 : memref<!tpu.dma_semaphore, #tpu.memory_space<semaphore_mem>>)
      %dma_wait3A_118 = arith.constant 0 : i32
      %dma_wait3A_119 = arith.constant 0 : i32
      %dma_wait3A_120 = tpu.memref_slice %arg6[%run_scoped3A_29, %dma_wait3A_118, %dma_wait3A_119] : memref<2x128x128xf32, #tpu.memory_space<vmem>> -> memref<1x120x128xf32, #tpu.memory_space<vmem>>
      %dma_wait3A_121 = tpu.memref_squeeze %dma_wait3A_120 : memref<1x120x128xf32, #tpu.memory_space<vmem>> -> memref<120x128xf32, #tpu.memory_space<vmem>>
      %dma_wait3A_122 = arith.constant 0 : i32
      %dma_wait3A_123 = tpu.memref_slice %arg7[%add3A_28, %dma_wait3A_122] : memref<10112x128xf32, #tpu.memory_space<vmem_shared>> -> memref<120x128xf32, #tpu.memory_space<vmem_shared>>
      %dma_wait3A_124 = arith.constant 0 : i32
      %dma_wait3A_125 = tpu.memref_slice %arg7[%add3A_28, %dma_wait3A_124] : memref<10112x128xf32, #tpu.memory_space<vmem_shared>> -> memref<120x128xf32, #tpu.memory_space<vmem_shared>>
      %dma_wait3A_126 = arith.constant 0 : i32
      %dma_wait3A_127 = arith.constant 0 : i32
      %dma_wait3A_128 = tpu.memref_slice %arg6[%run_scoped3A_29, %dma_wait3A_126, %dma_wait3A_127] : memref<2x128x128xf32, #tpu.memory_space<vmem>> -> memref<1x120x128xf32, #tpu.memory_space<vmem>>
      %dma_wait3A_129 = tpu.memref_squeeze %dma_wait3A_128 : memref<1x120x128xf32, #tpu.memory_space<vmem>> -> memref<120x128xf32, #tpu.memory_space<vmem>>
      tpu.wait_dma2 semaphore(%run_scoped3A_105 : memref<!tpu.dma_semaphore, #tpu.memory_space<semaphore_mem>>) src(%dma_wait3A_129 : memref<120x128xf32, #tpu.memory_space<vmem>>) dst(%dma_wait3A_125 : memref<120x128xf32, #tpu.memory_space<vmem_shared>>)
      tpu.yield
    }) : () -> ()
    %barrier3A = arith.constant 0 : index
    tpu.barrier barrier_id(%barrier3A)
    %run_scoped3A_30 = arith.constant 0 : i32
    %run_scoped3A_31 = arith.constant 0 : i32
    "tpu.region"() ({
      %run_scoped3A_105 = tpu.sem_alloc : memref<!tpu.dma_semaphore, #tpu.memory_space<semaphore_mem>>
      %dma_start3A_106 = arith.constant 0 : i32
      %dma_start3A_107 = arith.constant 0 : i32
      %dma_start3A_108 = arith.constant 0 : i32
      %dma_start3A_109 = tpu.memref_slice %arg5[%run_scoped3A_31, %dma_start3A_106, %dma_start3A_107, %dma_start3A_108] : memref<2x2x2x128xi32, #tpu.memory_space<vmem>> -> memref<1x2x2x128xi32, #tpu.memory_space<vmem>>
      %dma_start3A_110 = tpu.memref_squeeze %dma_start3A_109 : memref<1x2x2x128xi32, #tpu.memory_space<vmem>> -> memref<2x2x128xi32, #tpu.memory_space<vmem>>
      %dma_start3A_111 = arith.constant 0 : i32
      %dma_start3A_112 = arith.constant 0 : i32
      %dma_start3A_113 = arith.constant 0 : i32
      %dma_start3A_114 = tpu.memref_slice %arg3[%add3A, %run_scoped3A_30, %dma_start3A_111, %dma_start3A_112, %dma_start3A_113] : memref<32x40x2x2x128xi32, #tpu.memory_space<hbm>> -> memref<1x1x2x2x128xi32, #tpu.memory_space<hbm>>
      %dma_start3A_115 = tpu.memref_squeeze %dma_start3A_114 : memref<1x1x2x2x128xi32, #tpu.memory_space<hbm>> -> memref<2x2x128xi32, #tpu.memory_space<hbm>>
      %dma_start3A_116 = arith.constant 0 : i32
      %dma_start3A_117 = arith.constant 0 : i32
      %dma_start3A_118 = arith.constant 0 : i32
      %dma_start3A_119 = tpu.memref_slice %arg5[%run_scoped3A_31, %dma_start3A_116, %dma_start3A_117, %dma_start3A_118] : memref<2x2x2x128xi32, #tpu.memory_space<vmem>> -> memref<1x2x2x128xi32, #tpu.memory_space<vmem>>
      %dma_start3A_120 = tpu.memref_squeeze %dma_start3A_119 : memref<1x2x2x128xi32, #tpu.memory_space<vmem>> -> memref<2x2x128xi32, #tpu.memory_space<vmem>>
      %dma_start3A_121 = arith.constant 0 : i32
      %dma_start3A_122 = arith.constant 0 : i32
      %dma_start3A_123 = arith.constant 0 : i32
      %dma_start3A_124 = tpu.memref_slice %arg3[%add3A, %run_scoped3A_30, %dma_start3A_121, %dma_start3A_122, %dma_start3A_123] : memref<32x40x2x2x128xi32, #tpu.memory_space<hbm>> -> memref<1x1x2x2x128xi32, #tpu.memory_space<hbm>>
      %dma_start3A_125 = tpu.memref_squeeze %dma_start3A_124 : memref<1x1x2x2x128xi32, #tpu.memory_space<hbm>> -> memref<2x2x128xi32, #tpu.memory_space<hbm>>
      tpu.enqueue_dma source(%dma_start3A_125 : memref<2x2x128xi32, #tpu.memory_space<hbm>>) target(%dma_start3A_120 : memref<2x2x128xi32, #tpu.memory_space<vmem>>) target_semaphore(%run_scoped3A_105 : memref<!tpu.dma_semaphore, #tpu.memory_space<semaphore_mem>>)
      %dma_wait3A_126 = arith.constant 0 : i32
      %dma_wait3A_127 = arith.constant 0 : i32
      %dma_wait3A_128 = arith.constant 0 : i32
      %dma_wait3A_129 = tpu.memref_slice %arg5[%run_scoped3A_31, %dma_wait3A_126, %dma_wait3A_127, %dma_wait3A_128] : memref<2x2x2x128xi32, #tpu.memory_space<vmem>> -> memref<1x2x2x128xi32, #tpu.memory_space<vmem>>
      %dma_wait3A_130 = tpu.memref_squeeze %dma_wait3A_129 : memref<1x2x2x128xi32, #tpu.memory_space<vmem>> -> memref<2x2x128xi32, #tpu.memory_space<vmem>>
      %dma_wait3A_131 = arith.constant 0 : i32
      %dma_wait3A_132 = arith.constant 0 : i32
      %dma_wait3A_133 = arith.constant 0 : i32
      %dma_wait3A_134 = tpu.memref_slice %arg3[%add3A, %run_scoped3A_30, %dma_wait3A_131, %dma_wait3A_132, %dma_wait3A_133] : memref<32x40x2x2x128xi32, #tpu.memory_space<hbm>> -> memref<1x1x2x2x128xi32, #tpu.memory_space<hbm>>
      %dma_wait3A_135 = tpu.memref_squeeze %dma_wait3A_134 : memref<1x1x2x2x128xi32, #tpu.memory_space<hbm>> -> memref<2x2x128xi32, #tpu.memory_space<hbm>>
      %dma_wait3A_136 = arith.constant 0 : i32
      %dma_wait3A_137 = arith.constant 0 : i32
      %dma_wait3A_138 = arith.constant 0 : i32
      %dma_wait3A_139 = tpu.memref_slice %arg5[%run_scoped3A_31, %dma_wait3A_136, %dma_wait3A_137, %dma_wait3A_138] : memref<2x2x2x128xi32, #tpu.memory_space<vmem>> -> memref<1x2x2x128xi32, #tpu.memory_space<vmem>>
      %dma_wait3A_140 = tpu.memref_squeeze %dma_wait3A_139 : memref<1x2x2x128xi32, #tpu.memory_space<vmem>> -> memref<2x2x128xi32, #tpu.memory_space<vmem>>
      %dma_wait3A_141 = arith.constant 0 : i32
      %dma_wait3A_142 = arith.constant 0 : i32
      %dma_wait3A_143 = arith.constant 0 : i32
      %dma_wait3A_144 = tpu.memref_slice %arg3[%add3A, %run_scoped3A_30, %dma_wait3A_141, %dma_wait3A_142, %dma_wait3A_143] : memref<32x40x2x2x128xi32, #tpu.memory_space<hbm>> -> memref<1x1x2x2x128xi32, #tpu.memory_space<hbm>>
      %dma_wait3A_145 = tpu.memref_squeeze %dma_wait3A_144 : memref<1x1x2x2x128xi32, #tpu.memory_space<hbm>> -> memref<2x2x128xi32, #tpu.memory_space<hbm>>
      tpu.wait_dma2 semaphore(%run_scoped3A_105 : memref<!tpu.dma_semaphore, #tpu.memory_space<semaphore_mem>>) src(%dma_wait3A_145 : memref<2x2x128xi32, #tpu.memory_space<hbm>>) dst(%dma_wait3A_140 : memref<2x2x128xi32, #tpu.memory_space<vmem>>)
      tpu.yield
    }) : () -> ()
    %dma_start3A = arith.constant 0 : i32
    %dma_start3A_32 = arith.constant 0 : i32
    %dma_start3A_33 = arith.constant 0 : i32
    %dma_start3A_34 = arith.constant 0 : i32
    %dma_start3A_35 = arith.constant 0 : i32
    %dma_start3A_36 = arith.constant 0 : i32
    %dma_start3A_37 = tpu.memref_slice %arg6[%dma_start3A_34, %dma_start3A_35, %dma_start3A_36] : memref<2x128x128xf32, #tpu.memory_space<vmem>> -> memref<1x128x128xf32, #tpu.memory_space<vmem>>
    %dma_start3A_38 = tpu.memref_squeeze %dma_start3A_37 : memref<1x128x128xf32, #tpu.memory_space<vmem>> -> memref<128x128xf32, #tpu.memory_space<vmem>>
    %dma_start3A_39 = arith.constant 0 : i32
    %dma_start3A_40 = tpu.memref_slice %arg5[%dma_start3A, %dma_start3A_32, %dma_start3A_33, %dma_start3A_39] : memref<2x2x2x128xi32, #tpu.memory_space<vmem>> -> memref<1x1x1x128xi32, #tpu.memory_space<vmem>>
    %dma_start3A_41 = tpu.memref_squeeze %dma_start3A_40 : memref<1x1x1x128xi32, #tpu.memory_space<vmem>> -> memref<128xi32, #tpu.memory_space<vmem>>
    %dma_start3A_42 = arith.constant 0 : i32
    %dma_start3A_43 = arith.constant 0 : i32
    %dma_start3A_44 = tpu.memref_slice %arg2[%dma_start3A_42, %dma_start3A_43] : memref<10000x128xf32, #tpu.memory_space<hbm>> -> memref<10000x128xf32, #tpu.memory_space<hbm>>
    tpu.enqueue_indirect_dma source(%dma_start3A_44 : memref<10000x128xf32, #tpu.memory_space<hbm>>) target(%dma_start3A_38 : memref<128x128xf32, #tpu.memory_space<vmem>>) offsets(%dma_start3A_41 : memref<128xi32, #tpu.memory_space<vmem>>) semaphore(%arg8 : memref<!tpu.dma_semaphore, #tpu.memory_space<semaphore_mem>>)
    %scan3A_45 = arith.constant 0 : i32
    %scan3A_46 = arith.constant 0 : i32
    %scan3A_47 = arith.constant 39 : i32
    %scan3A_48 = arith.addi %scan3A_46, %scan3A_47 : i32
    %scan3A_49 = arith.constant 1 : i32
    scf.for %scan3A_105 = %scan3A_46 to %scan3A_48 step %scan3A_49  : i32 {
      %rem3A = arith.constant 2 : i32
      %rem3A_106 = arith.remsi %scan3A_105, %rem3A : i32
      %sub3A = arith.constant 1 : i32
      %sub3A_107 = arith.subi %sub3A, %rem3A_106 : i32
      %add3A_108 = arith.constant 1 : i32
      %add3A_109 = arith.addi %scan3A_105, %add3A_108 : i32
      %dma_start3A_110 = arith.constant 0 : i32
      %dma_start3A_111 = arith.constant 0 : i32
      %dma_start3A_112 = arith.constant 0 : i32
      %dma_start3A_113 = tpu.memref_slice %arg5[%sub3A_107, %dma_start3A_110, %dma_start3A_111, %dma_start3A_112] : memref<2x2x2x128xi32, #tpu.memory_space<vmem>> -> memref<1x2x2x128xi32, #tpu.memory_space<vmem>>
      %dma_start3A_114 = tpu.memref_squeeze %dma_start3A_113 : memref<1x2x2x128xi32, #tpu.memory_space<vmem>> -> memref<2x2x128xi32, #tpu.memory_space<vmem>>
      %dma_start3A_115 = arith.constant 0 : i32
      %dma_start3A_116 = arith.constant 0 : i32
      %dma_start3A_117 = arith.constant 0 : i32
      %dma_start3A_118 = tpu.memref_slice %arg3[%add3A, %add3A_109, %dma_start3A_115, %dma_start3A_116, %dma_start3A_117] : memref<32x40x2x2x128xi32, #tpu.memory_space<hbm>> -> memref<1x1x2x2x128xi32, #tpu.memory_space<hbm>>
      %dma_start3A_119 = tpu.memref_squeeze %dma_start3A_118 : memref<1x1x2x2x128xi32, #tpu.memory_space<hbm>> -> memref<2x2x128xi32, #tpu.memory_space<hbm>>
      %dma_start3A_120 = arith.constant 0 : i32
      %dma_start3A_121 = arith.constant 0 : i32
      %dma_start3A_122 = arith.constant 0 : i32
      %dma_start3A_123 = tpu.memref_slice %arg5[%sub3A_107, %dma_start3A_120, %dma_start3A_121, %dma_start3A_122] : memref<2x2x2x128xi32, #tpu.memory_space<vmem>> -> memref<1x2x2x128xi32, #tpu.memory_space<vmem>>
      %dma_start3A_124 = tpu.memref_squeeze %dma_start3A_123 : memref<1x2x2x128xi32, #tpu.memory_space<vmem>> -> memref<2x2x128xi32, #tpu.memory_space<vmem>>
      %dma_start3A_125 = arith.constant 0 : i32
      %dma_start3A_126 = arith.constant 0 : i32
      %dma_start3A_127 = arith.constant 0 : i32
      %dma_start3A_128 = tpu.memref_slice %arg3[%add3A, %add3A_109, %dma_start3A_125, %dma_start3A_126, %dma_start3A_127] : memref<32x40x2x2x128xi32, #tpu.memory_space<hbm>> -> memref<1x1x2x2x128xi32, #tpu.memory_space<hbm>>
      %dma_start3A_129 = tpu.memref_squeeze %dma_start3A_128 : memref<1x1x2x2x128xi32, #tpu.memory_space<hbm>> -> memref<2x2x128xi32, #tpu.memory_space<hbm>>
      tpu.enqueue_dma source(%dma_start3A_129 : memref<2x2x128xi32, #tpu.memory_space<hbm>>) target(%dma_start3A_124 : memref<2x2x128xi32, #tpu.memory_space<vmem>>) target_semaphore(%arg10 : memref<!tpu.dma_semaphore, #tpu.memory_space<semaphore_mem>>)
      %dma_start3A_130 = arith.constant 1 : i32
      %dma_start3A_131 = arith.constant 0 : i32
      %dma_start3A_132 = arith.constant 1 : i32
      %dma_start3A_133 = arith.constant 0 : i32
      %dma_start3A_134 = arith.constant 0 : i32
      %dma_start3A_135 = tpu.memref_slice %arg6[%dma_start3A_132, %dma_start3A_133, %dma_start3A_134] : memref<2x128x128xf32, #tpu.memory_space<vmem>> -> memref<1x128x128xf32, #tpu.memory_space<vmem>>
      %dma_start3A_136 = tpu.memref_squeeze %dma_start3A_135 : memref<1x128x128xf32, #tpu.memory_space<vmem>> -> memref<128x128xf32, #tpu.memory_space<vmem>>
      %dma_start3A_137 = arith.constant 0 : i32
      %dma_start3A_138 = tpu.memref_slice %arg5[%rem3A_106, %dma_start3A_130, %dma_start3A_131, %dma_start3A_137] : memref<2x2x2x128xi32, #tpu.memory_space<vmem>> -> memref<1x1x1x128xi32, #tpu.memory_space<vmem>>
      %dma_start3A_139 = tpu.memref_squeeze %dma_start3A_138 : memref<1x1x1x128xi32, #tpu.memory_space<vmem>> -> memref<128xi32, #tpu.memory_space<vmem>>
      %dma_start3A_140 = arith.constant 0 : i32
      %dma_start3A_141 = arith.constant 0 : i32
      %dma_start3A_142 = tpu.memref_slice %arg2[%dma_start3A_140, %dma_start3A_141] : memref<10000x128xf32, #tpu.memory_space<hbm>> -> memref<10000x128xf32, #tpu.memory_space<hbm>>
      tpu.enqueue_indirect_dma source(%dma_start3A_142 : memref<10000x128xf32, #tpu.memory_space<hbm>>) target(%dma_start3A_136 : memref<128x128xf32, #tpu.memory_space<vmem>>) offsets(%dma_start3A_139 : memref<128xi32, #tpu.memory_space<vmem>>) semaphore(%arg9 : memref<!tpu.dma_semaphore, #tpu.memory_space<semaphore_mem>>)
      %dma_wait3A_143 = arith.constant 0 : i32
      %dma_wait3A_144 = arith.constant 0 : i32
      %dma_wait3A_145 = arith.constant 0 : i32
      %dma_wait3A_146 = arith.constant 0 : i32
      %dma_wait3A_147 = arith.constant 0 : i32
      %dma_wait3A_148 = tpu.memref_slice %arg6[%dma_wait3A_145, %dma_wait3A_146, %dma_wait3A_147] : memref<2x128x128xf32, #tpu.memory_space<vmem>> -> memref<1x128x128xf32, #tpu.memory_space<vmem>>
      %dma_wait3A_149 = tpu.memref_squeeze %dma_wait3A_148 : memref<1x128x128xf32, #tpu.memory_space<vmem>> -> memref<128x128xf32, #tpu.memory_space<vmem>>
      %dma_wait3A_150 = arith.constant 0 : i32
      %dma_wait3A_151 = tpu.memref_slice %arg5[%rem3A_106, %dma_wait3A_143, %dma_wait3A_144, %dma_wait3A_150] : memref<2x2x2x128xi32, #tpu.memory_space<vmem>> -> memref<1x1x1x128xi32, #tpu.memory_space<vmem>>
      %dma_wait3A_152 = tpu.memref_squeeze %dma_wait3A_151 : memref<1x1x1x128xi32, #tpu.memory_space<vmem>> -> memref<128xi32, #tpu.memory_space<vmem>>
      %dma_wait3A_153 = arith.constant 0 : i32
      %dma_wait3A_154 = arith.constant 0 : i32
      %dma_wait3A_155 = tpu.memref_slice %arg2[%dma_wait3A_153, %dma_wait3A_154] : memref<10000x128xf32, #tpu.memory_space<hbm>> -> memref<10000x128xf32, #tpu.memory_space<hbm>>
      tpu.wait_indirect_dma semaphore(%arg8 : memref<!tpu.dma_semaphore, #tpu.memory_space<semaphore_mem>>) src(%dma_wait3A_155 : memref<10000x128xf32, #tpu.memory_space<hbm>>) dst(%dma_wait3A_149 : memref<128x128xf32, #tpu.memory_space<vmem>>)
      %run_scoped3A_156 = arith.constant 0 : i32
      %run_scoped3A_157 = arith.constant 0 : i32
      %run_scoped3A_158 = arith.constant 1 : i32
      "tpu.region"() ({
        %run_scoped3A_208 = tpu.sem_alloc : memref<!tpu.dma_semaphore, #tpu.memory_space<semaphore_mem>>
        %dma_start3A_209 = arith.constant 0 : i32
        %dma_start3A_210 = arith.constant 0 : i32
        %dma_start3A_211 = tpu.memref_slice %arg6[%run_scoped3A_156, %dma_start3A_209, %dma_start3A_210] : memref<2x128x128xf32, #tpu.memory_space<vmem>> -> memref<1x128x128xf32, #tpu.memory_space<vmem>>
        %dma_start3A_212 = tpu.memref_squeeze %dma_start3A_211 : memref<1x128x128xf32, #tpu.memory_space<vmem>> -> memref<128x128xf32, #tpu.memory_space<vmem>>
        %dma_start3A_213 = arith.constant 0 : i32
        %dma_start3A_214 = tpu.memref_slice %arg5[%rem3A_106, %run_scoped3A_157, %run_scoped3A_158, %dma_start3A_213] : memref<2x2x2x128xi32, #tpu.memory_space<vmem>> -> memref<1x1x1x128xi32, #tpu.memory_space<vmem>>
        %dma_start3A_215 = tpu.memref_squeeze %dma_start3A_214 : memref<1x1x1x128xi32, #tpu.memory_space<vmem>> -> memref<128xi32, #tpu.memory_space<vmem>>
        %dma_start3A_216 = arith.constant 0 : i32
        %dma_start3A_217 = arith.constant 0 : i32
        %dma_start3A_218 = tpu.memref_slice %arg7[%dma_start3A_216, %dma_start3A_217] : memref<10112x128xf32, #tpu.memory_space<vmem_shared>> -> memref<10112x128xf32, #tpu.memory_space<vmem_shared>>
        tpu.enqueue_indirect_dma source(%dma_start3A_212 : memref<128x128xf32, #tpu.memory_space<vmem>>) target(%dma_start3A_218 : memref<10112x128xf32, #tpu.memory_space<vmem_shared>>) offsets(%dma_start3A_215 : memref<128xi32, #tpu.memory_space<vmem>>) semaphore(%run_scoped3A_208 : memref<!tpu.dma_semaphore, #tpu.memory_space<semaphore_mem>>) {add = true}
        %dma_wait3A_219 = arith.constant 0 : i32
        %dma_wait3A_220 = arith.constant 0 : i32
        %dma_wait3A_221 = tpu.memref_slice %arg6[%run_scoped3A_156, %dma_wait3A_219, %dma_wait3A_220] : memref<2x128x128xf32, #tpu.memory_space<vmem>> -> memref<1x128x128xf32, #tpu.memory_space<vmem>>
        %dma_wait3A_222 = tpu.memref_squeeze %dma_wait3A_221 : memref<1x128x128xf32, #tpu.memory_space<vmem>> -> memref<128x128xf32, #tpu.memory_space<vmem>>
        %dma_wait3A_223 = arith.constant 0 : i32
        %dma_wait3A_224 = tpu.memref_slice %arg5[%rem3A_106, %run_scoped3A_157, %run_scoped3A_158, %dma_wait3A_223] : memref<2x2x2x128xi32, #tpu.memory_space<vmem>> -> memref<1x1x1x128xi32, #tpu.memory_space<vmem>>
        %dma_wait3A_225 = tpu.memref_squeeze %dma_wait3A_224 : memref<1x1x1x128xi32, #tpu.memory_space<vmem>> -> memref<128xi32, #tpu.memory_space<vmem>>
        %dma_wait3A_226 = arith.constant 0 : i32
        %dma_wait3A_227 = arith.constant 0 : i32
        %dma_wait3A_228 = tpu.memref_slice %arg7[%dma_wait3A_226, %dma_wait3A_227] : memref<10112x128xf32, #tpu.memory_space<vmem_shared>> -> memref<10112x128xf32, #tpu.memory_space<vmem_shared>>
        tpu.wait_indirect_dma semaphore(%run_scoped3A_208 : memref<!tpu.dma_semaphore, #tpu.memory_space<semaphore_mem>>) src(%dma_wait3A_222 : memref<128x128xf32, #tpu.memory_space<vmem>>) dst(%dma_wait3A_228 : memref<10112x128xf32, #tpu.memory_space<vmem_shared>>)
        tpu.yield
      }) : () -> ()
      %dma_wait3A_159 = arith.constant 0 : i32
      %dma_wait3A_160 = arith.constant 0 : i32
      %dma_wait3A_161 = arith.constant 0 : i32
      %dma_wait3A_162 = tpu.memref_slice %arg5[%sub3A_107, %dma_wait3A_159, %dma_wait3A_160, %dma_wait3A_161] : memref<2x2x2x128xi32, #tpu.memory_space<vmem>> -> memref<1x2x2x128xi32, #tpu.memory_space<vmem>>
      %dma_wait3A_163 = tpu.memref_squeeze %dma_wait3A_162 : memref<1x2x2x128xi32, #tpu.memory_space<vmem>> -> memref<2x2x128xi32, #tpu.memory_space<vmem>>
      %dma_wait3A_164 = arith.constant 0 : i32
      %dma_wait3A_165 = arith.constant 0 : i32
      %dma_wait3A_166 = arith.constant 0 : i32
      %dma_wait3A_167 = tpu.memref_slice %arg3[%add3A, %add3A_109, %dma_wait3A_164, %dma_wait3A_165, %dma_wait3A_166] : memref<32x40x2x2x128xi32, #tpu.memory_space<hbm>> -> memref<1x1x2x2x128xi32, #tpu.memory_space<hbm>>
      %dma_wait3A_168 = tpu.memref_squeeze %dma_wait3A_167 : memref<1x1x2x2x128xi32, #tpu.memory_space<hbm>> -> memref<2x2x128xi32, #tpu.memory_space<hbm>>
      %dma_wait3A_169 = arith.constant 0 : i32
      %dma_wait3A_170 = arith.constant 0 : i32
      %dma_wait3A_171 = arith.constant 0 : i32
      %dma_wait3A_172 = tpu.memref_slice %arg5[%sub3A_107, %dma_wait3A_169, %dma_wait3A_170, %dma_wait3A_171] : memref<2x2x2x128xi32, #tpu.memory_space<vmem>> -> memref<1x2x2x128xi32, #tpu.memory_space<vmem>>
      %dma_wait3A_173 = tpu.memref_squeeze %dma_wait3A_172 : memref<1x2x2x128xi32, #tpu.memory_space<vmem>> -> memref<2x2x128xi32, #tpu.memory_space<vmem>>
      %dma_wait3A_174 = arith.constant 0 : i32
      %dma_wait3A_175 = arith.constant 0 : i32
      %dma_wait3A_176 = arith.constant 0 : i32
      %dma_wait3A_177 = tpu.memref_slice %arg3[%add3A, %add3A_109, %dma_wait3A_174, %dma_wait3A_175, %dma_wait3A_176] : memref<32x40x2x2x128xi32, #tpu.memory_space<hbm>> -> memref<1x1x2x2x128xi32, #tpu.memory_space<hbm>>
      %dma_wait3A_178 = tpu.memref_squeeze %dma_wait3A_177 : memref<1x1x2x2x128xi32, #tpu.memory_space<hbm>> -> memref<2x2x128xi32, #tpu.memory_space<hbm>>
      tpu.wait_dma2 semaphore(%arg10 : memref<!tpu.dma_semaphore, #tpu.memory_space<semaphore_mem>>) src(%dma_wait3A_178 : memref<2x2x128xi32, #tpu.memory_space<hbm>>) dst(%dma_wait3A_173 : memref<2x2x128xi32, #tpu.memory_space<vmem>>)
      %dma_start3A_179 = arith.constant 0 : i32
      %dma_start3A_180 = arith.constant 0 : i32
      %dma_start3A_181 = arith.constant 0 : i32
      %dma_start3A_182 = arith.constant 0 : i32
      %dma_start3A_183 = arith.constant 0 : i32
      %dma_start3A_184 = tpu.memref_slice %arg6[%dma_start3A_181, %dma_start3A_182, %dma_start3A_183] : memref<2x128x128xf32, #tpu.memory_space<vmem>> -> memref<1x128x128xf32, #tpu.memory_space<vmem>>
      %dma_start3A_185 = tpu.memref_squeeze %dma_start3A_184 : memref<1x128x128xf32, #tpu.memory_space<vmem>> -> memref<128x128xf32, #tpu.memory_space<vmem>>
      %dma_start3A_186 = arith.constant 0 : i32
      %dma_start3A_187 = tpu.memref_slice %arg5[%sub3A_107, %dma_start3A_179, %dma_start3A_180, %dma_start3A_186] : memref<2x2x2x128xi32, #tpu.memory_space<vmem>> -> memref<1x1x1x128xi32, #tpu.memory_space<vmem>>
      %dma_start3A_188 = tpu.memref_squeeze %dma_start3A_187 : memref<1x1x1x128xi32, #tpu.memory_space<vmem>> -> memref<128xi32, #tpu.memory_space<vmem>>
      %dma_start3A_189 = arith.constant 0 : i32
      %dma_start3A_190 = arith.constant 0 : i32
      %dma_start3A_191 = tpu.memref_slice %arg2[%dma_start3A_189, %dma_start3A_190] : memref<10000x128xf32, #tpu.memory_space<hbm>> -> memref<10000x128xf32, #tpu.memory_space<hbm>>
      tpu.enqueue_indirect_dma source(%dma_start3A_191 : memref<10000x128xf32, #tpu.memory_space<hbm>>) target(%dma_start3A_185 : memref<128x128xf32, #tpu.memory_space<vmem>>) offsets(%dma_start3A_188 : memref<128xi32, #tpu.memory_space<vmem>>) semaphore(%arg8 : memref<!tpu.dma_semaphore, #tpu.memory_space<semaphore_mem>>)
      %dma_wait3A_192 = arith.constant 1 : i32
      %dma_wait3A_193 = arith.constant 0 : i32
      %dma_wait3A_194 = arith.constant 1 : i32
      %dma_wait3A_195 = arith.constant 0 : i32
      %dma_wait3A_196 = arith.constant 0 : i32
      %dma_wait3A_197 = tpu.memref_slice %arg6[%dma_wait3A_194, %dma_wait3A_195, %dma_wait3A_196] : memref<2x128x128xf32, #tpu.memory_space<vmem>> -> memref<1x128x128xf32, #tpu.memory_space<vmem>>
      %dma_wait3A_198 = tpu.memref_squeeze %dma_wait3A_197 : memref<1x128x128xf32, #tpu.memory_space<vmem>> -> memref<128x128xf32, #tpu.memory_space<vmem>>
      %dma_wait3A_199 = arith.constant 0 : i32
      %dma_wait3A_200 = tpu.memref_slice %arg5[%rem3A_106, %dma_wait3A_192, %dma_wait3A_193, %dma_wait3A_199] : memref<2x2x2x128xi32, #tpu.memory_space<vmem>> -> memref<1x1x1x128xi32, #tpu.memory_space<vmem>>
      %dma_wait3A_201 = tpu.memref_squeeze %dma_wait3A_200 : memref<1x1x1x128xi32, #tpu.memory_space<vmem>> -> memref<128xi32, #tpu.memory_space<vmem>>
      %dma_wait3A_202 = arith.constant 0 : i32
      %dma_wait3A_203 = arith.constant 0 : i32
      %dma_wait3A_204 = tpu.memref_slice %arg2[%dma_wait3A_202, %dma_wait3A_203] : memref<10000x128xf32, #tpu.memory_space<hbm>> -> memref<10000x128xf32, #tpu.memory_space<hbm>>
      tpu.wait_indirect_dma semaphore(%arg9 : memref<!tpu.dma_semaphore, #tpu.memory_space<semaphore_mem>>) src(%dma_wait3A_204 : memref<10000x128xf32, #tpu.memory_space<hbm>>) dst(%dma_wait3A_198 : memref<128x128xf32, #tpu.memory_space<vmem>>)
      %run_scoped3A_205 = arith.constant 1 : i32
      %run_scoped3A_206 = arith.constant 1 : i32
      %run_scoped3A_207 = arith.constant 1 : i32
      "tpu.region"() ({
        %run_scoped3A_208 = tpu.sem_alloc : memref<!tpu.dma_semaphore, #tpu.memory_space<semaphore_mem>>
        %dma_start3A_209 = arith.constant 0 : i32
        %dma_start3A_210 = arith.constant 0 : i32
        %dma_start3A_211 = tpu.memref_slice %arg6[%run_scoped3A_205, %dma_start3A_209, %dma_start3A_210] : memref<2x128x128xf32, #tpu.memory_space<vmem>> -> memref<1x128x128xf32, #tpu.memory_space<vmem>>
        %dma_start3A_212 = tpu.memref_squeeze %dma_start3A_211 : memref<1x128x128xf32, #tpu.memory_space<vmem>> -> memref<128x128xf32, #tpu.memory_space<vmem>>
        %dma_start3A_213 = arith.constant 0 : i32
        %dma_start3A_214 = tpu.memref_slice %arg5[%rem3A_106, %run_scoped3A_206, %run_scoped3A_207, %dma_start3A_213] : memref<2x2x2x128xi32, #tpu.memory_space<vmem>> -> memref<1x1x1x128xi32, #tpu.memory_space<vmem>>
        %dma_start3A_215 = tpu.memref_squeeze %dma_start3A_214 : memref<1x1x1x128xi32, #tpu.memory_space<vmem>> -> memref<128xi32, #tpu.memory_space<vmem>>
        %dma_start3A_216 = arith.constant 0 : i32
        %dma_start3A_217 = arith.constant 0 : i32
        %dma_start3A_218 = tpu.memref_slice %arg7[%dma_start3A_216, %dma_start3A_217] : memref<10112x128xf32, #tpu.memory_space<vmem_shared>> -> memref<10112x128xf32, #tpu.memory_space<vmem_shared>>
        tpu.enqueue_indirect_dma source(%dma_start3A_212 : memref<128x128xf32, #tpu.memory_space<vmem>>) target(%dma_start3A_218 : memref<10112x128xf32, #tpu.memory_space<vmem_shared>>) offsets(%dma_start3A_215 : memref<128xi32, #tpu.memory_space<vmem>>) semaphore(%run_scoped3A_208 : memref<!tpu.dma_semaphore, #tpu.memory_space<semaphore_mem>>) {add = true}
        %dma_wait3A_219 = arith.constant 0 : i32
        %dma_wait3A_220 = arith.constant 0 : i32
        %dma_wait3A_221 = tpu.memref_slice %arg6[%run_scoped3A_205, %dma_wait3A_219, %dma_wait3A_220] : memref<2x128x128xf32, #tpu.memory_space<vmem>> -> memref<1x128x128xf32, #tpu.memory_space<vmem>>
        %dma_wait3A_222 = tpu.memref_squeeze %dma_wait3A_221 : memref<1x128x128xf32, #tpu.memory_space<vmem>> -> memref<128x128xf32, #tpu.memory_space<vmem>>
        %dma_wait3A_223 = arith.constant 0 : i32
        %dma_wait3A_224 = tpu.memref_slice %arg5[%rem3A_106, %run_scoped3A_206, %run_scoped3A_207, %dma_wait3A_223] : memref<2x2x2x128xi32, #tpu.memory_space<vmem>> -> memref<1x1x1x128xi32, #tpu.memory_space<vmem>>
        %dma_wait3A_225 = tpu.memref_squeeze %dma_wait3A_224 : memref<1x1x1x128xi32, #tpu.memory_space<vmem>> -> memref<128xi32, #tpu.memory_space<vmem>>
        %dma_wait3A_226 = arith.constant 0 : i32
        %dma_wait3A_227 = arith.constant 0 : i32
        %dma_wait3A_228 = tpu.memref_slice %arg7[%dma_wait3A_226, %dma_wait3A_227] : memref<10112x128xf32, #tpu.memory_space<vmem_shared>> -> memref<10112x128xf32, #tpu.memory_space<vmem_shared>>
        tpu.wait_indirect_dma semaphore(%run_scoped3A_208 : memref<!tpu.dma_semaphore, #tpu.memory_space<semaphore_mem>>) src(%dma_wait3A_222 : memref<128x128xf32, #tpu.memory_space<vmem>>) dst(%dma_wait3A_228 : memref<10112x128xf32, #tpu.memory_space<vmem_shared>>)
        tpu.yield
      }) : () -> ()
    }
    %scan3A_50 = arith.constant 39 : i32
    %dma_start3A_51 = arith.constant 1 : i32
    %dma_start3A_52 = arith.constant 1 : i32
    %dma_start3A_53 = arith.constant 0 : i32
    %dma_start3A_54 = arith.constant 1 : i32
    %dma_start3A_55 = arith.constant 0 : i32
    %dma_start3A_56 = arith.constant 0 : i32
    %dma_start3A_57 = tpu.memref_slice %arg6[%dma_start3A_54, %dma_start3A_55, %dma_start3A_56] : memref<2x128x128xf32, #tpu.memory_space<vmem>> -> memref<1x128x128xf32, #tpu.memory_space<vmem>>
    %dma_start3A_58 = tpu.memref_squeeze %dma_start3A_57 : memref<1x128x128xf32, #tpu.memory_space<vmem>> -> memref<128x128xf32, #tpu.memory_space<vmem>>
    %dma_start3A_59 = arith.constant 0 : i32
    %dma_start3A_60 = tpu.memref_slice %arg5[%dma_start3A_51, %dma_start3A_52, %dma_start3A_53, %dma_start3A_59] : memref<2x2x2x128xi32, #tpu.memory_space<vmem>> -> memref<1x1x1x128xi32, #tpu.memory_space<vmem>>
    %dma_start3A_61 = tpu.memref_squeeze %dma_start3A_60 : memref<1x1x1x128xi32, #tpu.memory_space<vmem>> -> memref<128xi32, #tpu.memory_space<vmem>>
    %dma_start3A_62 = arith.constant 0 : i32
    %dma_start3A_63 = arith.constant 0 : i32
    %dma_start3A_64 = tpu.memref_slice %arg2[%dma_start3A_62, %dma_start3A_63] : memref<10000x128xf32, #tpu.memory_space<hbm>> -> memref<10000x128xf32, #tpu.memory_space<hbm>>
    tpu.enqueue_indirect_dma source(%dma_start3A_64 : memref<10000x128xf32, #tpu.memory_space<hbm>>) target(%dma_start3A_58 : memref<128x128xf32, #tpu.memory_space<vmem>>) offsets(%dma_start3A_61 : memref<128xi32, #tpu.memory_space<vmem>>) semaphore(%arg9 : memref<!tpu.dma_semaphore, #tpu.memory_space<semaphore_mem>>)
    %dma_wait3A = arith.constant 1 : i32
    %dma_wait3A_65 = arith.constant 0 : i32
    %dma_wait3A_66 = arith.constant 0 : i32
    %dma_wait3A_67 = arith.constant 0 : i32
    %dma_wait3A_68 = arith.constant 0 : i32
    %dma_wait3A_69 = arith.constant 0 : i32
    %dma_wait3A_70 = tpu.memref_slice %arg6[%dma_wait3A_67, %dma_wait3A_68, %dma_wait3A_69] : memref<2x128x128xf32, #tpu.memory_space<vmem>> -> memref<1x128x128xf32, #tpu.memory_space<vmem>>
    %dma_wait3A_71 = tpu.memref_squeeze %dma_wait3A_70 : memref<1x128x128xf32, #tpu.memory_space<vmem>> -> memref<128x128xf32, #tpu.memory_space<vmem>>
    %dma_wait3A_72 = arith.constant 0 : i32
    %dma_wait3A_73 = tpu.memref_slice %arg5[%dma_wait3A, %dma_wait3A_65, %dma_wait3A_66, %dma_wait3A_72] : memref<2x2x2x128xi32, #tpu.memory_space<vmem>> -> memref<1x1x1x128xi32, #tpu.memory_space<vmem>>
    %dma_wait3A_74 = tpu.memref_squeeze %dma_wait3A_73 : memref<1x1x1x128xi32, #tpu.memory_space<vmem>> -> memref<128xi32, #tpu.memory_space<vmem>>
    %dma_wait3A_75 = arith.constant 0 : i32
    %dma_wait3A_76 = arith.constant 0 : i32
    %dma_wait3A_77 = tpu.memref_slice %arg2[%dma_wait3A_75, %dma_wait3A_76] : memref<10000x128xf32, #tpu.memory_space<hbm>> -> memref<10000x128xf32, #tpu.memory_space<hbm>>
    tpu.wait_indirect_dma semaphore(%arg8 : memref<!tpu.dma_semaphore, #tpu.memory_space<semaphore_mem>>) src(%dma_wait3A_77 : memref<10000x128xf32, #tpu.memory_space<hbm>>) dst(%dma_wait3A_71 : memref<128x128xf32, #tpu.memory_space<vmem>>)
    %run_scoped3A_78 = arith.constant 0 : i32
    %run_scoped3A_79 = arith.constant 1 : i32
    %run_scoped3A_80 = arith.constant 0 : i32
    %run_scoped3A_81 = arith.constant 1 : i32
    "tpu.region"() ({
      %run_scoped3A_105 = tpu.sem_alloc : memref<!tpu.dma_semaphore, #tpu.memory_space<semaphore_mem>>
      %dma_start3A_106 = arith.constant 0 : i32
      %dma_start3A_107 = arith.constant 0 : i32
      %dma_start3A_108 = tpu.memref_slice %arg6[%run_scoped3A_78, %dma_start3A_106, %dma_start3A_107] : memref<2x128x128xf32, #tpu.memory_space<vmem>> -> memref<1x128x128xf32, #tpu.memory_space<vmem>>
      %dma_start3A_109 = tpu.memref_squeeze %dma_start3A_108 : memref<1x128x128xf32, #tpu.memory_space<vmem>> -> memref<128x128xf32, #tpu.memory_space<vmem>>
      %dma_start3A_110 = arith.constant 0 : i32
      %dma_start3A_111 = tpu.memref_slice %arg5[%run_scoped3A_79, %run_scoped3A_80, %run_scoped3A_81, %dma_start3A_110] : memref<2x2x2x128xi32, #tpu.memory_space<vmem>> -> memref<1x1x1x128xi32, #tpu.memory_space<vmem>>
      %dma_start3A_112 = tpu.memref_squeeze %dma_start3A_111 : memref<1x1x1x128xi32, #tpu.memory_space<vmem>> -> memref<128xi32, #tpu.memory_space<vmem>>
      %dma_start3A_113 = arith.constant 0 : i32
      %dma_start3A_114 = arith.constant 0 : i32
      %dma_start3A_115 = tpu.memref_slice %arg7[%dma_start3A_113, %dma_start3A_114] : memref<10112x128xf32, #tpu.memory_space<vmem_shared>> -> memref<10112x128xf32, #tpu.memory_space<vmem_shared>>
      tpu.enqueue_indirect_dma source(%dma_start3A_109 : memref<128x128xf32, #tpu.memory_space<vmem>>) target(%dma_start3A_115 : memref<10112x128xf32, #tpu.memory_space<vmem_shared>>) offsets(%dma_start3A_112 : memref<128xi32, #tpu.memory_space<vmem>>) semaphore(%run_scoped3A_105 : memref<!tpu.dma_semaphore, #tpu.memory_space<semaphore_mem>>) {add = true}
      %dma_wait3A_116 = arith.constant 0 : i32
      %dma_wait3A_117 = arith.constant 0 : i32
      %dma_wait3A_118 = tpu.memref_slice %arg6[%run_scoped3A_78, %dma_wait3A_116, %dma_wait3A_117] : memref<2x128x128xf32, #tpu.memory_space<vmem>> -> memref<1x128x128xf32, #tpu.memory_space<vmem>>
      %dma_wait3A_119 = tpu.memref_squeeze %dma_wait3A_118 : memref<1x128x128xf32, #tpu.memory_space<vmem>> -> memref<128x128xf32, #tpu.memory_space<vmem>>
      %dma_wait3A_120 = arith.constant 0 : i32
      %dma_wait3A_121 = tpu.memref_slice %arg5[%run_scoped3A_79, %run_scoped3A_80, %run_scoped3A_81, %dma_wait3A_120] : memref<2x2x2x128xi32, #tpu.memory_space<vmem>> -> memref<1x1x1x128xi32, #tpu.memory_space<vmem>>
      %dma_wait3A_122 = tpu.memref_squeeze %dma_wait3A_121 : memref<1x1x1x128xi32, #tpu.memory_space<vmem>> -> memref<128xi32, #tpu.memory_space<vmem>>
      %dma_wait3A_123 = arith.constant 0 : i32
      %dma_wait3A_124 = arith.constant 0 : i32
      %dma_wait3A_125 = tpu.memref_slice %arg7[%dma_wait3A_123, %dma_wait3A_124] : memref<10112x128xf32, #tpu.memory_space<vmem_shared>> -> memref<10112x128xf32, #tpu.memory_space<vmem_shared>>
      tpu.wait_indirect_dma semaphore(%run_scoped3A_105 : memref<!tpu.dma_semaphore, #tpu.memory_space<semaphore_mem>>) src(%dma_wait3A_119 : memref<128x128xf32, #tpu.memory_space<vmem>>) dst(%dma_wait3A_125 : memref<10112x128xf32, #tpu.memory_space<vmem_shared>>)
      tpu.yield
    }) : () -> ()
    %dma_wait3A_82 = arith.constant 1 : i32
    %dma_wait3A_83 = arith.constant 1 : i32
    %dma_wait3A_84 = arith.constant 0 : i32
    %dma_wait3A_85 = arith.constant 1 : i32
    %dma_wait3A_86 = arith.constant 0 : i32
    %dma_wait3A_87 = arith.constant 0 : i32
    %dma_wait3A_88 = tpu.memref_slice %arg6[%dma_wait3A_85, %dma_wait3A_86, %dma_wait3A_87] : memref<2x128x128xf32, #tpu.memory_space<vmem>> -> memref<1x128x128xf32, #tpu.memory_space<vmem>>
    %dma_wait3A_89 = tpu.memref_squeeze %dma_wait3A_88 : memref<1x128x128xf32, #tpu.memory_space<vmem>> -> memref<128x128xf32, #tpu.memory_space<vmem>>
    %dma_wait3A_90 = arith.constant 0 : i32
    %dma_wait3A_91 = tpu.memref_slice %arg5[%dma_wait3A_82, %dma_wait3A_83, %dma_wait3A_84, %dma_wait3A_90] : memref<2x2x2x128xi32, #tpu.memory_space<vmem>> -> memref<1x1x1x128xi32, #tpu.memory_space<vmem>>
    %dma_wait3A_92 = tpu.memref_squeeze %dma_wait3A_91 : memref<1x1x1x128xi32, #tpu.memory_space<vmem>> -> memref<128xi32, #tpu.memory_space<vmem>>
    %dma_wait3A_93 = arith.constant 0 : i32
    %dma_wait3A_94 = arith.constant 0 : i32
    %dma_wait3A_95 = tpu.memref_slice %arg2[%dma_wait3A_93, %dma_wait3A_94] : memref<10000x128xf32, #tpu.memory_space<hbm>> -> memref<10000x128xf32, #tpu.memory_space<hbm>>
    tpu.wait_indirect_dma semaphore(%arg9 : memref<!tpu.dma_semaphore, #tpu.memory_space<semaphore_mem>>) src(%dma_wait3A_95 : memref<10000x128xf32, #tpu.memory_space<hbm>>) dst(%dma_wait3A_89 : memref<128x128xf32, #tpu.memory_space<vmem>>)
    %run_scoped3A_96 = arith.constant 1 : i32
    %run_scoped3A_97 = arith.constant 1 : i32
    %run_scoped3A_98 = arith.constant 1 : i32
    %run_scoped3A_99 = arith.constant 1 : i32
    "tpu.region"() ({
      %run_scoped3A_105 = tpu.sem_alloc : memref<!tpu.dma_semaphore, #tpu.memory_space<semaphore_mem>>
      %dma_start3A_106 = arith.constant 0 : i32
      %dma_start3A_107 = arith.constant 0 : i32
      %dma_start3A_108 = tpu.memref_slice %arg6[%run_scoped3A_96, %dma_start3A_106, %dma_start3A_107] : memref<2x128x128xf32, #tpu.memory_space<vmem>> -> memref<1x128x128xf32, #tpu.memory_space<vmem>>
      %dma_start3A_109 = tpu.memref_squeeze %dma_start3A_108 : memref<1x128x128xf32, #tpu.memory_space<vmem>> -> memref<128x128xf32, #tpu.memory_space<vmem>>
      %dma_start3A_110 = arith.constant 0 : i32
      %dma_start3A_111 = tpu.memref_slice %arg5[%run_scoped3A_97, %run_scoped3A_98, %run_scoped3A_99, %dma_start3A_110] : memref<2x2x2x128xi32, #tpu.memory_space<vmem>> -> memref<1x1x1x128xi32, #tpu.memory_space<vmem>>
      %dma_start3A_112 = tpu.memref_squeeze %dma_start3A_111 : memref<1x1x1x128xi32, #tpu.memory_space<vmem>> -> memref<128xi32, #tpu.memory_space<vmem>>
      %dma_start3A_113 = arith.constant 0 : i32
      %dma_start3A_114 = arith.constant 0 : i32
      %dma_start3A_115 = tpu.memref_slice %arg7[%dma_start3A_113, %dma_start3A_114] : memref<10112x128xf32, #tpu.memory_space<vmem_shared>> -> memref<10112x128xf32, #tpu.memory_space<vmem_shared>>
      tpu.enqueue_indirect_dma source(%dma_start3A_109 : memref<128x128xf32, #tpu.memory_space<vmem>>) target(%dma_start3A_115 : memref<10112x128xf32, #tpu.memory_space<vmem_shared>>) offsets(%dma_start3A_112 : memref<128xi32, #tpu.memory_space<vmem>>) semaphore(%run_scoped3A_105 : memref<!tpu.dma_semaphore, #tpu.memory_space<semaphore_mem>>) {add = true}
      %dma_wait3A_116 = arith.constant 0 : i32
      %dma_wait3A_117 = arith.constant 0 : i32
      %dma_wait3A_118 = tpu.memref_slice %arg6[%run_scoped3A_96, %dma_wait3A_116, %dma_wait3A_117] : memref<2x128x128xf32, #tpu.memory_space<vmem>> -> memref<1x128x128xf32, #tpu.memory_space<vmem>>
      %dma_wait3A_119 = tpu.memref_squeeze %dma_wait3A_118 : memref<1x128x128xf32, #tpu.memory_space<vmem>> -> memref<128x128xf32, #tpu.memory_space<vmem>>
      %dma_wait3A_120 = arith.constant 0 : i32
      %dma_wait3A_121 = tpu.memref_slice %arg5[%run_scoped3A_97, %run_scoped3A_98, %run_scoped3A_99, %dma_wait3A_120] : memref<2x2x2x128xi32, #tpu.memory_space<vmem>> -> memref<1x1x1x128xi32, #tpu.memory_space<vmem>>
      %dma_wait3A_122 = tpu.memref_squeeze %dma_wait3A_121 : memref<1x1x1x128xi32, #tpu.memory_space<vmem>> -> memref<128xi32, #tpu.memory_space<vmem>>
      %dma_wait3A_123 = arith.constant 0 : i32
      %dma_wait3A_124 = arith.constant 0 : i32
      %dma_wait3A_125 = tpu.memref_slice %arg7[%dma_wait3A_123, %dma_wait3A_124] : memref<10112x128xf32, #tpu.memory_space<vmem_shared>> -> memref<10112x128xf32, #tpu.memory_space<vmem_shared>>
      tpu.wait_indirect_dma semaphore(%run_scoped3A_105 : memref<!tpu.dma_semaphore, #tpu.memory_space<semaphore_mem>>) src(%dma_wait3A_119 : memref<128x128xf32, #tpu.memory_space<vmem>>) dst(%dma_wait3A_125 : memref<10112x128xf32, #tpu.memory_space<vmem_shared>>)
      tpu.yield
    }) : () -> ()
    %barrier3A_100 = arith.constant 0 : index
    tpu.barrier barrier_id(%barrier3A_100)
    %mul3A_101 = arith.constant 632 : i32
    %mul3A_102 = arith.muli %arg1, %mul3A_101 : i32
    %mul3A_103 = arith.constant 632 : i32
    %mul3A_104 = arith.muli %arg1, %mul3A_103 : i32
    "tpu.region"() ({
      %run_scoped3A_105 = tpu.sem_alloc : memref<!tpu.dma_semaphore, #tpu.memory_space<semaphore_mem>>
      %dma_start3A_106 = arith.constant 0 : i32
      %dma_start3A_107 = tpu.memref_slice %arg4[%arg0, %mul3A_104, %dma_start3A_106] : memref<2x10112x128xf32, #tpu.memory_space<hbm>> -> memref<1x632x128xf32, #tpu.memory_space<hbm>>
      %dma_start3A_108 = tpu.memref_squeeze %dma_start3A_107 : memref<1x632x128xf32, #tpu.memory_space<hbm>> -> memref<632x128xf32, #tpu.memory_space<hbm>>
      %dma_start3A_109 = arith.constant 0 : i32
      %dma_start3A_110 = tpu.memref_slice %arg7[%mul3A_102, %dma_start3A_109] : memref<10112x128xf32, #tpu.memory_space<vmem_shared>> -> memref<632x128xf32, #tpu.memory_space<vmem_shared>>
      tpu.enqueue_dma source(%dma_start3A_110 : memref<632x128xf32, #tpu.memory_space<vmem_shared>>) target(%dma_start3A_108 : memref<632x128xf32, #tpu.memory_space<hbm>>) target_semaphore(%run_scoped3A_105 : memref<!tpu.dma_semaphore, #tpu.memory_space<semaphore_mem>>)
      %dma_wait3A_111 = arith.constant 0 : i32
      %dma_wait3A_112 = tpu.memref_slice %arg4[%arg0, %mul3A_104, %dma_wait3A_111] : memref<2x10112x128xf32, #tpu.memory_space<hbm>> -> memref<1x632x128xf32, #tpu.memory_space<hbm>>
      %dma_wait3A_113 = tpu.memref_squeeze %dma_wait3A_112 : memref<1x632x128xf32, #tpu.memory_space<hbm>> -> memref<632x128xf32, #tpu.memory_space<hbm>>
      %dma_wait3A_114 = arith.constant 0 : i32
      %dma_wait3A_115 = tpu.memref_slice %arg7[%mul3A_102, %dma_wait3A_114] : memref<10112x128xf32, #tpu.memory_space<vmem_shared>> -> memref<632x128xf32, #tpu.memory_space<vmem_shared>>
      tpu.wait_dma2 semaphore(%run_scoped3A_105 : memref<!tpu.dma_semaphore, #tpu.memory_space<semaphore_mem>>) src(%dma_wait3A_115 : memref<632x128xf32, #tpu.memory_space<vmem_shared>>) dst(%dma_wait3A_113 : memref<632x128xf32, #tpu.memory_space<hbm>>)
      tpu.yield
    }) : () -> ()
    return
  }
}

module attributes {stable_mosaic.version = 14 : i64} {
  func.func @_pre_body(%arg0: memref<128x10000xf32, #tpu.memory_space<vmem>>, %arg1: memref<128x128xf32, #tpu.memory_space<vmem>>, %arg2: memref<1x128xf32, #tpu.memory_space<vmem>>, %arg3: memref<10000x128xf32, #tpu.memory_space<vmem>>) attributes {dimension_semantics = [], scalar_prefetch = 0 : i64, scratch_operands = 0 : i64, tpu.core_type = #tpu.core_type<tc>} {
    %get3A = arith.constant 0 : index
    %get3A_0 = arith.constant 0 : index
    %get3A_1 = vector.load %arg0[%get3A, %get3A_0] : memref<128x10000xf32, #tpu.memory_space<vmem>>, vector<128x10000xf32>
    %get3A_2 = arith.constant 0 : index
    %get3A_3 = arith.constant 0 : index
    %get3A_4 = vector.load %arg1[%get3A_2, %get3A_3] : memref<128x128xf32, #tpu.memory_space<vmem>>, vector<128x128xf32>
    %dot_general3A = arith.constant dense<0.000000e+00> : vector<10000x128xf32>
    %dot_general3A_5 = tpu.matmul %get3A_1, %get3A_4, %dot_general3A {dimension_numbers = #tpu.dot_dimension_numbers<[0], [0], [1], [1], [0, 1, 1, 1], [], []>, transpose_lhs_hint = false} : vector<128x10000xf32>, vector<128x128xf32>, vector<10000x128xf32> -> vector<10000x128xf32>
    %get3A_6 = arith.constant 0 : index
    %get3A_7 = arith.constant 0 : index
    %get3A_8 = vector.load %arg2[%get3A_6, %get3A_7] : memref<1x128xf32, #tpu.memory_space<vmem>>, vector<1x128xf32>
    %add3A = vector.broadcast %get3A_8 : vector<1x128xf32> to vector<10000x128xf32>
    %add3A_9 = arith.addf %dot_general3A_5, %add3A : vector<10000x128xf32>
    %swap3A = arith.constant 0 : index
    %swap3A_10 = arith.constant 0 : index
    %swap3A_11 = vector.load %arg3[%swap3A, %swap3A_10] : memref<10000x128xf32, #tpu.memory_space<vmem>>, vector<10000x128xf32>
    tpu.vector_store %arg3[%swap3A, %swap3A_10], %add3A_9 {strides = array<i32>} : memref<10000x128xf32, #tpu.memory_space<vmem>>, vector<10000x128xf32>,
    return
  }
}

module attributes {stable_mosaic.version = 14 : i64} {
  func.func @_conv_stats_body(%arg0: i32, %arg1: memref<2000x128xf32, #tpu.memory_space<vmem>>, %arg2: memref<1x2000x128xf32, #tpu.memory_space<vmem>>, %arg3: memref<1x2000x128xf32, #tpu.memory_space<vmem>>, %arg4: memref<128x128xf32, #tpu.memory_space<vmem>>, %arg5: memref<1x128xf32, #tpu.memory_space<vmem>>, %arg6: memref<128x128xf32, #tpu.memory_space<vmem>>, %arg7: memref<1x128xf32, #tpu.memory_space<vmem>>, %arg8: memref<2000x128xf32, #tpu.memory_space<vmem>>, %arg9: memref<8x128xf32, #tpu.memory_space<vmem>>, %arg10: memref<8x128xf32, #tpu.memory_space<vmem>>) attributes {dimension_semantics = [#tpu.dimension_semantics<arbitrary>], iteration_bounds = array<i64: 5>, scalar_prefetch = 0 : i64, scratch_operands = 1 : i64, tpu.core_type = #tpu.core_type<tc>, window_params = [{transform_indices = @transform_0, window_bounds = array<i64: 2000, 128>}, {transform_indices = @transform_1, window_bounds = array<i64: 1, 2000, 128>}, {transform_indices = @transform_2, window_bounds = array<i64: 1, 2000, 128>}, {pipeline_mode = #tpu.pipeline_mode<synchronous>, transform_indices = @transform_3, window_bounds = array<i64: 128, 128>}, {pipeline_mode = #tpu.pipeline_mode<synchronous>, transform_indices = @transform_4, window_bounds = array<i64: 1, 128>}, {pipeline_mode = #tpu.pipeline_mode<synchronous>, transform_indices = @transform_5, window_bounds = array<i64: 128, 128>}, {pipeline_mode = #tpu.pipeline_mode<synchronous>, transform_indices = @transform_6, window_bounds = array<i64: 1, 128>}, {transform_indices = @transform_7, window_bounds = array<i64: 2000, 128>}, {pipeline_mode = #tpu.pipeline_mode<synchronous>, transform_indices = @transform_8, window_bounds = array<i64: 8, 128>}]} {
    %get3A = arith.constant 0 : index
    %get3A_0 = arith.constant 0 : index
    %get3A_1 = vector.load %arg1[%get3A, %get3A_0] : memref<2000x128xf32, #tpu.memory_space<vmem>>, vector<2000x128xf32>
    %get3A_2 = arith.constant 0 : index
    %get3A_3 = arith.constant 0 : index
    %get3A_4 = arith.constant 0 : index
    %get3A_5 = vector.load %arg2[%get3A_2, %get3A_3, %get3A_4] : memref<1x2000x128xf32, #tpu.memory_space<vmem>>, vector<1x2000x128xf32>
    %get3A_6 = vector.shape_cast %get3A_5 : vector<1x2000x128xf32> to vector<2000x128xf32>
    %add3A = arith.addf %get3A_1, %get3A_6 : vector<2000x128xf32>
    %get3A_7 = arith.constant 0 : index
    %get3A_8 = arith.constant 0 : index
    %get3A_9 = arith.constant 0 : index
    %get3A_10 = vector.load %arg3[%get3A_7, %get3A_8, %get3A_9] : memref<1x2000x128xf32, #tpu.memory_space<vmem>>, vector<1x2000x128xf32>
    %get3A_11 = vector.shape_cast %get3A_10 : vector<1x2000x128xf32> to vector<2000x128xf32>
    %add3A_12 = arith.addf %add3A, %get3A_11 : vector<2000x128xf32>
    %get3A_13 = arith.constant 0 : index
    %get3A_14 = arith.constant 0 : index
    %get3A_15 = vector.load %arg4[%get3A_13, %get3A_14] : memref<128x128xf32, #tpu.memory_space<vmem>>, vector<128x128xf32>
    %dot_general3A = arith.constant dense<0.000000e+00> : vector<2000x128xf32>
    %dot_general3A_16 = tpu.matmul %add3A_12, %get3A_15, %dot_general3A {dimension_numbers = #tpu.dot_dimension_numbers<[1], [0], [0], [1], [0, 0, 1, 1], [], []>, transpose_lhs_hint = false} : vector<2000x128xf32>, vector<128x128xf32>, vector<2000x128xf32> -> vector<2000x128xf32>
    %get3A_17 = arith.constant 0 : index
    %get3A_18 = arith.constant 0 : index
    %get3A_19 = vector.load %arg5[%get3A_17, %get3A_18] : memref<1x128xf32, #tpu.memory_space<vmem>>, vector<1x128xf32>
    %add3A_20 = vector.broadcast %get3A_19 : vector<1x128xf32> to vector<2000x128xf32>
    %add3A_21 = arith.addf %dot_general3A_16, %add3A_20 : vector<2000x128xf32>
    %ge3A = arith.constant 0.000000e+00 : f32
    %ge3A_22 = vector.broadcast %ge3A : f32 to vector<2000x128xf32>
    %ge3A_23 = arith.cmpf oge, %add3A_21, %ge3A_22 : vector<2000x128xf32>
    %mul3A = arith.constant 0.00999999977 : f32
    %mul3A_24 = vector.broadcast %mul3A : f32 to vector<2000x128xf32>
    %mul3A_25 = arith.mulf %mul3A_24, %add3A_21 : vector<2000x128xf32>
    %select_n3A = arith.select %ge3A_23, %add3A_21, %mul3A_25 : vector<2000x128xi1>, vector<2000x128xf32>
    %get3A_26 = arith.constant 0 : index
    %get3A_27 = arith.constant 0 : index
    %get3A_28 = vector.load %arg6[%get3A_26, %get3A_27] : memref<128x128xf32, #tpu.memory_space<vmem>>, vector<128x128xf32>
    %dot_general3A_29 = arith.constant dense<0.000000e+00> : vector<2000x128xf32>
    %dot_general3A_30 = tpu.matmul %select_n3A, %get3A_28, %dot_general3A_29 {dimension_numbers = #tpu.dot_dimension_numbers<[1], [0], [0], [1], [0, 0, 1, 1], [], []>, transpose_lhs_hint = false} : vector<2000x128xf32>, vector<128x128xf32>, vector<2000x128xf32> -> vector<2000x128xf32>
    %get3A_31 = arith.constant 0 : index
    %get3A_32 = arith.constant 0 : index
    %get3A_33 = vector.load %arg7[%get3A_31, %get3A_32] : memref<1x128xf32, #tpu.memory_space<vmem>>, vector<1x128xf32>
    %add3A_34 = vector.broadcast %get3A_33 : vector<1x128xf32> to vector<2000x128xf32>
    %add3A_35 = arith.addf %dot_general3A_30, %add3A_34 : vector<2000x128xf32>
    %swap3A = arith.constant 0 : index
    %swap3A_36 = arith.constant 0 : index
    %swap3A_37 = vector.load %arg8[%swap3A, %swap3A_36] : memref<2000x128xf32, #tpu.memory_space<vmem>>, vector<2000x128xf32>
    tpu.vector_store %arg8[%swap3A, %swap3A_36], %add3A_35 {strides = array<i32>} : memref<2000x128xf32, #tpu.memory_space<vmem>>, vector<2000x128xf32>,
    %reduce_sum3A = arith.constant dense<0.000000e+00> : vector<128xf32>
    %reduce_sum3A_38 = vector.multi_reduction <add>, %add3A_35, %reduce_sum3A [0] : vector<2000x128xf32> to vector<128xf32>
    %broadcast_in_dim3A = vector.shape_cast %reduce_sum3A_38 : vector<128xf32> to vector<1x128xf32>
    %mul3A_39 = arith.mulf %add3A_35, %add3A_35 : vector<2000x128xf32>
    %reduce_sum3A_40 = arith.constant dense<0.000000e+00> : vector<128xf32>
    %reduce_sum3A_41 = vector.multi_reduction <add>, %mul3A_39, %reduce_sum3A_40 [0] : vector<2000x128xf32> to vector<128xf32>
    %broadcast_in_dim3A_42 = vector.shape_cast %reduce_sum3A_41 : vector<128xf32> to vector<1x128xf32>
    %broadcast_in_dim3A_43 = arith.constant 0.000000e+00 : f32
    %broadcast_in_dim3A_44 = vector.broadcast %broadcast_in_dim3A_43 : f32 to vector<6x128xf32>
    %concatenate3A = tpu.concatenate %broadcast_in_dim3A, %broadcast_in_dim3A_42, %broadcast_in_dim3A_44 in 0 : vector<1x128xf32>, vector<1x128xf32>, vector<6x128xf32> -> vector<8x128xf32>
    %eq3A = arith.constant 0 : i32
    %eq3A_45 = arith.cmpi eq, %arg0, %eq3A : i32
    %convert_element_type3A = arith.extui %eq3A_45 : i1 to i32
    %cond3A = arith.constant 0 : i32
    %cond3A_46 = arith.cmpi ne, %convert_element_type3A, %cond3A : i32
    scf.if %cond3A_46 {
      %swap3A_56 = arith.constant 0 : index
      %swap3A_57 = arith.constant 0 : index
      %swap3A_58 = vector.load %arg10[%swap3A_56, %swap3A_57] : memref<8x128xf32, #tpu.memory_space<vmem>>, vector<8x128xf32>
      tpu.vector_store %arg10[%swap3A_56, %swap3A_57], %concatenate3A {strides = array<i32>} : memref<8x128xf32, #tpu.memory_space<vmem>>, vector<8x128xf32>,
    } else {
    }
    %gt3A = arith.constant 0 : i32
    %gt3A_47 = arith.cmpi sgt, %arg0, %gt3A : i32
    %convert_element_type3A_48 = arith.extui %gt3A_47 : i1 to i32
    %cond3A_49 = arith.constant 0 : i32
    %cond3A_50 = arith.cmpi ne, %convert_element_type3A_48, %cond3A_49 : i32
    scf.if %cond3A_50 {
      %get3A_56 = arith.constant 0 : index
      %get3A_57 = arith.constant 0 : index
      %get3A_58 = vector.load %arg10[%get3A_56, %get3A_57] : memref<8x128xf32, #tpu.memory_space<vmem>>, vector<8x128xf32>
      %add3A_59 = arith.addf %get3A_58, %concatenate3A : vector<8x128xf32>
      %swap3A_60 = arith.constant 0 : index
      %swap3A_61 = arith.constant 0 : index
      %swap3A_62 = vector.load %arg10[%swap3A_60, %swap3A_61] : memref<8x128xf32, #tpu.memory_space<vmem>>, vector<8x128xf32>
      tpu.vector_store %arg10[%swap3A_60, %swap3A_61], %add3A_59 {strides = array<i32>} : memref<8x128xf32, #tpu.memory_space<vmem>>, vector<8x128xf32>,
    } else {
    }
    %eq3A_51 = arith.constant 4 : i32
    %eq3A_52 = arith.cmpi eq, %arg0, %eq3A_51 : i32
    %convert_element_type3A_53 = arith.extui %eq3A_52 : i1 to i32
    %cond3A_54 = arith.constant 0 : i32
    %cond3A_55 = arith.cmpi ne, %convert_element_type3A_53, %cond3A_54 : i32
    scf.if %cond3A_55 {
      %get3A_56 = arith.constant 0 : index
      %get3A_57 = arith.constant 0 : index
      %get3A_58 = vector.load %arg10[%get3A_56, %get3A_57] : memref<8x128xf32, #tpu.memory_space<vmem>>, vector<8x128xf32>
      %swap3A_59 = arith.constant 0 : index
      %swap3A_60 = arith.constant 0 : index
      %swap3A_61 = vector.load %arg9[%swap3A_59, %swap3A_60] : memref<8x128xf32, #tpu.memory_space<vmem>>, vector<8x128xf32>
      tpu.vector_store %arg9[%swap3A_59, %swap3A_60], %get3A_58 {strides = array<i32>} : memref<8x128xf32, #tpu.memory_space<vmem>>, vector<8x128xf32>,
    } else {
    }
    return
  }
  func.func @transform_0(%arg0: i32) -> (i32, i32) {
    %c0_i32 = arith.constant 0 : i32
    %c0_i32_0 = arith.constant 0 : i32
    return %arg0, %c0_i32 : i32, i32
  }
  func.func @transform_1(%arg0: i32) -> (i32, i32, i32) {
    %c0_i32 = arith.constant 0 : i32
    %c0_i32_0 = arith.constant 0 : i32
    %c0_i32_1 = arith.constant 0 : i32
    return %c0_i32, %arg0, %c0_i32_0 : i32, i32, i32
  }
  func.func @transform_2(%arg0: i32) -> (i32, i32, i32) {
    %c1_i32 = arith.constant 1 : i32
    %c0_i32 = arith.constant 0 : i32
    %c0_i32_0 = arith.constant 0 : i32
    return %c1_i32, %arg0, %c0_i32 : i32, i32, i32
  }
  func.func @transform_3(%arg0: i32) -> (i32, i32) {
    %c0_i32 = arith.constant 0 : i32
    %c0_i32_0 = arith.constant 0 : i32
    %c0_i32_1 = arith.constant 0 : i32
    return %c0_i32, %c0_i32_0 : i32, i32
  }
  func.func @transform_4(%arg0: i32) -> (i32, i32) {
    %c0_i32 = arith.constant 0 : i32
    %c0_i32_0 = arith.constant 0 : i32
    %c0_i32_1 = arith.constant 0 : i32
    return %c0_i32, %c0_i32_0 : i32, i32
  }
  func.func @transform_5(%arg0: i32) -> (i32, i32) {
    %c0_i32 = arith.constant 0 : i32
    %c0_i32_0 = arith.constant 0 : i32
    %c0_i32_1 = arith.constant 0 : i32
    return %c0_i32, %c0_i32_0 : i32, i32
  }
  func.func @transform_6(%arg0: i32) -> (i32, i32) {
    %c0_i32 = arith.constant 0 : i32
    %c0_i32_0 = arith.constant 0 : i32
    %c0_i32_1 = arith.constant 0 : i32
    return %c0_i32, %c0_i32_0 : i32, i32
  }
  func.func @transform_7(%arg0: i32) -> (i32, i32) {
    %c0_i32 = arith.constant 0 : i32
    %c0_i32_0 = arith.constant 0 : i32
    return %arg0, %c0_i32 : i32, i32
  }
  func.func @transform_8(%arg0: i32) -> (i32, i32) {
    %c0_i32 = arith.constant 0 : i32
    %c0_i32_0 = arith.constant 0 : i32
    %c0_i32_1 = arith.constant 0 : i32
    return %c0_i32, %c0_i32_0 : i32, i32
  }
}

module attributes {stable_mosaic.version = 14 : i64} {
  func.func @_bn_body(%arg0: i32, %arg1: memref<2000x128xf32, #tpu.memory_space<vmem>>, %arg2: memref<8x128xf32, #tpu.memory_space<vmem>>, %arg3: memref<1x128xf32, #tpu.memory_space<vmem>>, %arg4: memref<1x128xf32, #tpu.memory_space<vmem>>, %arg5: memref<2000x128xf32, #tpu.memory_space<vmem>>) attributes {dimension_semantics = [#tpu.dimension_semantics<arbitrary>], iteration_bounds = array<i64: 5>, scalar_prefetch = 0 : i64, scratch_operands = 0 : i64, tpu.core_type = #tpu.core_type<tc>, window_params = [{transform_indices = @transform_0, window_bounds = array<i64: 2000, 128>}, {pipeline_mode = #tpu.pipeline_mode<synchronous>, transform_indices = @transform_1, window_bounds = array<i64: 8, 128>}, {pipeline_mode = #tpu.pipeline_mode<synchronous>, transform_indices = @transform_2, window_bounds = array<i64: 1, 128>}, {pipeline_mode = #tpu.pipeline_mode<synchronous>, transform_indices = @transform_3, window_bounds = array<i64: 1, 128>}, {transform_indices = @transform_4, window_bounds = array<i64: 2000, 128>}]} {
    %get3A = arith.constant 0 : index
    %get3A_0 = arith.constant 0 : index
    %get3A_1 = vector.load %arg2[%get3A, %get3A_0] : memref<8x128xf32, #tpu.memory_space<vmem>>, vector<1x128xf32>
    %div3A = arith.constant 1.000000e+04 : f32
    %div3A_2 = vector.broadcast %div3A : f32 to vector<1x128xf32>
    %div3A_3 = arith.divf %get3A_1, %div3A_2 : vector<1x128xf32>
    %get3A_4 = arith.constant 1 : index
    %get3A_5 = arith.constant 0 : index
    %get3A_6 = vector.load %arg2[%get3A_4, %get3A_5] : memref<8x128xf32, #tpu.memory_space<vmem>>, vector<1x128xf32>
    %div3A_7 = arith.constant 1.000000e+04 : f32
    %div3A_8 = vector.broadcast %div3A_7 : f32 to vector<1x128xf32>
    %div3A_9 = arith.divf %get3A_6, %div3A_8 : vector<1x128xf32>
    %mul3A = arith.mulf %div3A_3, %div3A_3 : vector<1x128xf32>
    %sub3A = arith.subf %div3A_9, %mul3A : vector<1x128xf32>
    %add3A = arith.constant 9.99999974E-6 : f32
    %add3A_10 = vector.broadcast %add3A : f32 to vector<1x128xf32>
    %add3A_11 = arith.addf %sub3A, %add3A_10 : vector<1x128xf32>
    %rsqrt3A = math.rsqrt %add3A_11 : vector<1x128xf32>
    %get3A_12 = arith.constant 0 : index
    %get3A_13 = arith.constant 0 : index
    %get3A_14 = vector.load %arg1[%get3A_12, %get3A_13] : memref<2000x128xf32, #tpu.memory_space<vmem>>, vector<2000x128xf32>
    %sub3A_15 = vector.broadcast %div3A_3 : vector<1x128xf32> to vector<2000x128xf32>
    %sub3A_16 = arith.subf %get3A_14, %sub3A_15 : vector<2000x128xf32>
    %mul3A_17 = vector.broadcast %rsqrt3A : vector<1x128xf32> to vector<2000x128xf32>
    %mul3A_18 = arith.mulf %sub3A_16, %mul3A_17 : vector<2000x128xf32>
    %get3A_19 = arith.constant 0 : index
    %get3A_20 = arith.constant 0 : index
    %get3A_21 = vector.load %arg3[%get3A_19, %get3A_20] : memref<1x128xf32, #tpu.memory_space<vmem>>, vector<1x128xf32>
    %mul3A_22 = vector.broadcast %get3A_21 : vector<1x128xf32> to vector<2000x128xf32>
    %mul3A_23 = arith.mulf %mul3A_18, %mul3A_22 : vector<2000x128xf32>
    %get3A_24 = arith.constant 0 : index
    %get3A_25 = arith.constant 0 : index
    %get3A_26 = vector.load %arg4[%get3A_24, %get3A_25] : memref<1x128xf32, #tpu.memory_space<vmem>>, vector<1x128xf32>
    %add3A_27 = vector.broadcast %get3A_26 : vector<1x128xf32> to vector<2000x128xf32>
    %add3A_28 = arith.addf %mul3A_23, %add3A_27 : vector<2000x128xf32>
    %swap3A = arith.constant 0 : index
    %swap3A_29 = arith.constant 0 : index
    %swap3A_30 = vector.load %arg5[%swap3A, %swap3A_29] : memref<2000x128xf32, #tpu.memory_space<vmem>>, vector<2000x128xf32>
    tpu.vector_store %arg5[%swap3A, %swap3A_29], %add3A_28 {strides = array<i32>} : memref<2000x128xf32, #tpu.memory_space<vmem>>, vector<2000x128xf32>,
    return
  }
  func.func @transform_0(%arg0: i32) -> (i32, i32) {
    %c0_i32 = arith.constant 0 : i32
    %c0_i32_0 = arith.constant 0 : i32
    return %arg0, %c0_i32 : i32, i32
  }
  func.func @transform_1(%arg0: i32) -> (i32, i32) {
    %c0_i32 = arith.constant 0 : i32
    %c0_i32_0 = arith.constant 0 : i32
    %c0_i32_1 = arith.constant 0 : i32
    return %c0_i32, %c0_i32_0 : i32, i32
  }
  func.func @transform_2(%arg0: i32) -> (i32, i32) {
    %c0_i32 = arith.constant 0 : i32
    %c0_i32_0 = arith.constant 0 : i32
    %c0_i32_1 = arith.constant 0 : i32
    return %c0_i32, %c0_i32_0 : i32, i32
  }
  func.func @transform_3(%arg0: i32) -> (i32, i32) {
    %c0_i32 = arith.constant 0 : i32
    %c0_i32_0 = arith.constant 0 : i32
    %c0_i32_1 = arith.constant 0 : i32
    return %c0_i32, %c0_i32_0 : i32, i32
  }
  func.func @transform_4(%arg0: i32) -> (i32, i32) {
    %c0_i32 = arith.constant 0 : i32
    %c0_i32_0 = arith.constant 0 : i32
    return %arg0, %c0_i32 : i32, i32
  }
}

module attributes {stable_mosaic.version = 14 : i64} {
  func.func @_last_body(%arg0: i32, %arg1: memref<2000x128xf32, #tpu.memory_space<vmem>>, %arg2: memref<1x2000x128xf32, #tpu.memory_space<vmem>>, %arg3: memref<1x2000x128xf32, #tpu.memory_space<vmem>>, %arg4: memref<128x128xf32, #tpu.memory_space<vmem>>, %arg5: memref<1x128xf32, #tpu.memory_space<vmem>>, %arg6: memref<128x128xf32, #tpu.memory_space<vmem>>, %arg7: memref<1x128xf32, #tpu.memory_space<vmem>>, %arg8: memref<128x128xf32, #tpu.memory_space<vmem>>, %arg9: memref<1x128xf32, #tpu.memory_space<vmem>>, %arg10: memref<128x8xf32, #tpu.memory_space<vmem>>, %arg11: memref<1x8xf32, #tpu.memory_space<vmem>>, %arg12: memref<2000x8xf32, #tpu.memory_space<vmem>>) attributes {dimension_semantics = [#tpu.dimension_semantics<arbitrary>], iteration_bounds = array<i64: 5>, scalar_prefetch = 0 : i64, scratch_operands = 0 : i64, tpu.core_type = #tpu.core_type<tc>, window_params = [{transform_indices = @transform_0, window_bounds = array<i64: 2000, 128>}, {transform_indices = @transform_1, window_bounds = array<i64: 1, 2000, 128>}, {transform_indices = @transform_2, window_bounds = array<i64: 1, 2000, 128>}, {pipeline_mode = #tpu.pipeline_mode<synchronous>, transform_indices = @transform_3, window_bounds = array<i64: 128, 128>}, {pipeline_mode = #tpu.pipeline_mode<synchronous>, transform_indices = @transform_4, window_bounds = array<i64: 1, 128>}, {pipeline_mode = #tpu.pipeline_mode<synchronous>, transform_indices = @transform_5, window_bounds = array<i64: 128, 128>}, {pipeline_mode = #tpu.pipeline_mode<synchronous>, transform_indices = @transform_6, window_bounds = array<i64: 1, 128>}, {pipeline_mode = #tpu.pipeline_mode<synchronous>, transform_indices = @transform_7, window_bounds = array<i64: 128, 128>}, {pipeline_mode = #tpu.pipeline_mode<synchronous>, transform_indices = @transform_8, window_bounds = array<i64: 1, 128>}, {pipeline_mode = #tpu.pipeline_mode<synchronous>, transform_indices = @transform_9, window_bounds = array<i64: 128, 8>}, {pipeline_mode = #tpu.pipeline_mode<synchronous>, transform_indices = @transform_10, window_bounds = array<i64: 1, 8>}, {transform_indices = @transform_11, window_bounds = array<i64: 2000, 8>}]} {
    %get3A = arith.constant 0 : index
    %get3A_0 = arith.constant 0 : index
    %get3A_1 = vector.load %arg1[%get3A, %get3A_0] : memref<2000x128xf32, #tpu.memory_space<vmem>>, vector<2000x128xf32>
    %get3A_2 = arith.constant 0 : index
    %get3A_3 = arith.constant 0 : index
    %get3A_4 = arith.constant 0 : index
    %get3A_5 = vector.load %arg2[%get3A_2, %get3A_3, %get3A_4] : memref<1x2000x128xf32, #tpu.memory_space<vmem>>, vector<1x2000x128xf32>
    %get3A_6 = vector.shape_cast %get3A_5 : vector<1x2000x128xf32> to vector<2000x128xf32>
    %add3A = arith.addf %get3A_1, %get3A_6 : vector<2000x128xf32>
    %get3A_7 = arith.constant 0 : index
    %get3A_8 = arith.constant 0 : index
    %get3A_9 = arith.constant 0 : index
    %get3A_10 = vector.load %arg3[%get3A_7, %get3A_8, %get3A_9] : memref<1x2000x128xf32, #tpu.memory_space<vmem>>, vector<1x2000x128xf32>
    %get3A_11 = vector.shape_cast %get3A_10 : vector<1x2000x128xf32> to vector<2000x128xf32>
    %add3A_12 = arith.addf %add3A, %get3A_11 : vector<2000x128xf32>
    %get3A_13 = arith.constant 0 : index
    %get3A_14 = arith.constant 0 : index
    %get3A_15 = vector.load %arg4[%get3A_13, %get3A_14] : memref<128x128xf32, #tpu.memory_space<vmem>>, vector<128x128xf32>
    %dot_general3A = arith.constant dense<0.000000e+00> : vector<2000x128xf32>
    %dot_general3A_16 = tpu.matmul %add3A_12, %get3A_15, %dot_general3A {dimension_numbers = #tpu.dot_dimension_numbers<[1], [0], [0], [1], [0, 0, 1, 1], [], []>, transpose_lhs_hint = false} : vector<2000x128xf32>, vector<128x128xf32>, vector<2000x128xf32> -> vector<2000x128xf32>
    %get3A_17 = arith.constant 0 : index
    %get3A_18 = arith.constant 0 : index
    %get3A_19 = vector.load %arg5[%get3A_17, %get3A_18] : memref<1x128xf32, #tpu.memory_space<vmem>>, vector<1x128xf32>
    %add3A_20 = vector.broadcast %get3A_19 : vector<1x128xf32> to vector<2000x128xf32>
    %add3A_21 = arith.addf %dot_general3A_16, %add3A_20 : vector<2000x128xf32>
    %ge3A = arith.constant 0.000000e+00 : f32
    %ge3A_22 = vector.broadcast %ge3A : f32 to vector<2000x128xf32>
    %ge3A_23 = arith.cmpf oge, %add3A_21, %ge3A_22 : vector<2000x128xf32>
    %mul3A = arith.constant 0.00999999977 : f32
    %mul3A_24 = vector.broadcast %mul3A : f32 to vector<2000x128xf32>
    %mul3A_25 = arith.mulf %mul3A_24, %add3A_21 : vector<2000x128xf32>
    %select_n3A = arith.select %ge3A_23, %add3A_21, %mul3A_25 : vector<2000x128xi1>, vector<2000x128xf32>
    %get3A_26 = arith.constant 0 : index
    %get3A_27 = arith.constant 0 : index
    %get3A_28 = vector.load %arg6[%get3A_26, %get3A_27] : memref<128x128xf32, #tpu.memory_space<vmem>>, vector<128x128xf32>
    %dot_general3A_29 = arith.constant dense<0.000000e+00> : vector<2000x128xf32>
    %dot_general3A_30 = tpu.matmul %select_n3A, %get3A_28, %dot_general3A_29 {dimension_numbers = #tpu.dot_dimension_numbers<[1], [0], [0], [1], [0, 0, 1, 1], [], []>, transpose_lhs_hint = false} : vector<2000x128xf32>, vector<128x128xf32>, vector<2000x128xf32> -> vector<2000x128xf32>
    %get3A_31 = arith.constant 0 : index
    %get3A_32 = arith.constant 0 : index
    %get3A_33 = vector.load %arg7[%get3A_31, %get3A_32] : memref<1x128xf32, #tpu.memory_space<vmem>>, vector<1x128xf32>
    %add3A_34 = vector.broadcast %get3A_33 : vector<1x128xf32> to vector<2000x128xf32>
    %add3A_35 = arith.addf %dot_general3A_30, %add3A_34 : vector<2000x128xf32>
    %get3A_36 = arith.constant 0 : index
    %get3A_37 = arith.constant 0 : index
    %get3A_38 = vector.load %arg8[%get3A_36, %get3A_37] : memref<128x128xf32, #tpu.memory_space<vmem>>, vector<128x128xf32>
    %dot_general3A_39 = arith.constant dense<0.000000e+00> : vector<2000x128xf32>
    %dot_general3A_40 = tpu.matmul %add3A_35, %get3A_38, %dot_general3A_39 {dimension_numbers = #tpu.dot_dimension_numbers<[1], [0], [0], [1], [0, 0, 1, 1], [], []>, transpose_lhs_hint = false} : vector<2000x128xf32>, vector<128x128xf32>, vector<2000x128xf32> -> vector<2000x128xf32>
    %get3A_41 = arith.constant 0 : index
    %get3A_42 = arith.constant 0 : index
    %get3A_43 = vector.load %arg9[%get3A_41, %get3A_42] : memref<1x128xf32, #tpu.memory_space<vmem>>, vector<1x128xf32>
    %add3A_44 = vector.broadcast %get3A_43 : vector<1x128xf32> to vector<2000x128xf32>
    %add3A_45 = arith.addf %dot_general3A_40, %add3A_44 : vector<2000x128xf32>
    %ge3A_46 = arith.constant 0.000000e+00 : f32
    %ge3A_47 = vector.broadcast %ge3A_46 : f32 to vector<2000x128xf32>
    %ge3A_48 = arith.cmpf oge, %add3A_45, %ge3A_47 : vector<2000x128xf32>
    %mul3A_49 = arith.constant 0.00999999977 : f32
    %mul3A_50 = vector.broadcast %mul3A_49 : f32 to vector<2000x128xf32>
    %mul3A_51 = arith.mulf %mul3A_50, %add3A_45 : vector<2000x128xf32>
    %select_n3A_52 = arith.select %ge3A_48, %add3A_45, %mul3A_51 : vector<2000x128xi1>, vector<2000x128xf32>
    %get3A_53 = arith.constant 0 : index
    %get3A_54 = arith.constant 0 : index
    %get3A_55 = vector.load %arg10[%get3A_53, %get3A_54] : memref<128x8xf32, #tpu.memory_space<vmem>>, vector<128x8xf32>
    %dot_general3A_56 = arith.constant dense<0.000000e+00> : vector<2000x8xf32>
    %dot_general3A_57 = tpu.matmul %select_n3A_52, %get3A_55, %dot_general3A_56 {dimension_numbers = #tpu.dot_dimension_numbers<[1], [0], [0], [1], [0, 0, 1, 1], [], []>, transpose_lhs_hint = false} : vector<2000x128xf32>, vector<128x8xf32>, vector<2000x8xf32> -> vector<2000x8xf32>
    %get3A_58 = arith.constant 0 : index
    %get3A_59 = arith.constant 0 : index
    %get3A_60 = vector.load %arg11[%get3A_58, %get3A_59] : memref<1x8xf32, #tpu.memory_space<vmem>>, vector<1x8xf32>
    %add3A_61 = vector.broadcast %get3A_60 : vector<1x8xf32> to vector<2000x8xf32>
    %add3A_62 = arith.addf %dot_general3A_57, %add3A_61 : vector<2000x8xf32>
    %swap3A = arith.constant 0 : index
    %swap3A_63 = arith.constant 0 : index
    %swap3A_64 = vector.load %arg12[%swap3A, %swap3A_63] : memref<2000x8xf32, #tpu.memory_space<vmem>>, vector<2000x8xf32>
    tpu.vector_store %arg12[%swap3A, %swap3A_63], %add3A_62 {strides = array<i32>} : memref<2000x8xf32, #tpu.memory_space<vmem>>, vector<2000x8xf32>,
    return
  }
  func.func @transform_0(%arg0: i32) -> (i32, i32) {
    %c0_i32 = arith.constant 0 : i32
    %c0_i32_0 = arith.constant 0 : i32
    return %arg0, %c0_i32 : i32, i32
  }
  func.func @transform_1(%arg0: i32) -> (i32, i32, i32) {
    %c0_i32 = arith.constant 0 : i32
    %c0_i32_0 = arith.constant 0 : i32
    %c0_i32_1 = arith.constant 0 : i32
    return %c0_i32, %arg0, %c0_i32_0 : i32, i32, i32
  }
  func.func @transform_2(%arg0: i32) -> (i32, i32, i32) {
    %c1_i32 = arith.constant 1 : i32
    %c0_i32 = arith.constant 0 : i32
    %c0_i32_0 = arith.constant 0 : i32
    return %c1_i32, %arg0, %c0_i32 : i32, i32, i32
  }
  func.func @transform_3(%arg0: i32) -> (i32, i32) {
    %c0_i32 = arith.constant 0 : i32
    %c0_i32_0 = arith.constant 0 : i32
    %c0_i32_1 = arith.constant 0 : i32
    return %c0_i32, %c0_i32_0 : i32, i32
  }
  func.func @transform_4(%arg0: i32) -> (i32, i32) {
    %c0_i32 = arith.constant 0 : i32
    %c0_i32_0 = arith.constant 0 : i32
    %c0_i32_1 = arith.constant 0 : i32
    return %c0_i32, %c0_i32_0 : i32, i32
  }
  func.func @transform_5(%arg0: i32) -> (i32, i32) {
    %c0_i32 = arith.constant 0 : i32
    %c0_i32_0 = arith.constant 0 : i32
    %c0_i32_1 = arith.constant 0 : i32
    return %c0_i32, %c0_i32_0 : i32, i32
  }
  func.func @transform_6(%arg0: i32) -> (i32, i32) {
    %c0_i32 = arith.constant 0 : i32
    %c0_i32_0 = arith.constant 0 : i32
    %c0_i32_1 = arith.constant 0 : i32
    return %c0_i32, %c0_i32_0 : i32, i32
  }
  func.func @transform_7(%arg0: i32) -> (i32, i32) {
    %c0_i32 = arith.constant 0 : i32
    %c0_i32_0 = arith.constant 0 : i32
    %c0_i32_1 = arith.constant 0 : i32
    return %c0_i32, %c0_i32_0 : i32, i32
  }
  func.func @transform_8(%arg0: i32) -> (i32, i32) {
    %c0_i32 = arith.constant 0 : i32
    %c0_i32_0 = arith.constant 0 : i32
    %c0_i32_1 = arith.constant 0 : i32
    return %c0_i32, %c0_i32_0 : i32, i32
  }
  func.func @transform_9(%arg0: i32) -> (i32, i32) {
    %c0_i32 = arith.constant 0 : i32
    %c0_i32_0 = arith.constant 0 : i32
    %c0_i32_1 = arith.constant 0 : i32
    return %c0_i32, %c0_i32_0 : i32, i32
  }
  func.func @transform_10(%arg0: i32) -> (i32, i32) {
    %c0_i32 = arith.constant 0 : i32
    %c0_i32_0 = arith.constant 0 : i32
    %c0_i32_1 = arith.constant 0 : i32
    return %c0_i32, %c0_i32_0 : i32, i32
  }
  func.func @transform_11(%arg0: i32) -> (i32, i32) {
    %c0_i32 = arith.constant 0 : i32
    %c0_i32_0 = arith.constant 0 : i32
    return %arg0, %c0_i32 : i32, i32
  }
}

</mosaic_0001>

<sc_bundles>
// kernel: kernel.11.cloned.1.call-start
scs
__scs_entry_jumppad:
0x0: {  	(pc) =	sbr.rel $0x88, $3  }
0x1: {  	(tag) =	ssettag $0x0;
	lr =	simm.s32 $0x1  }
0x2: {  	[smem:$0x3F89] =	sst lr;
	_ =	strace $0xD0000000  }
0x3: {  	_ = 	snop  }
0x4: {  	_ = 	snop  }
0x5: {  	_ = 	snop  }
0x6: {  	_ = 	snop  }
0x7: {  	_ = 	snop  }
__scs_overlays_trampoline_lowered:
0x8: {  	[smem:$0x3F98] =	sst s0  }
0x9: {  	[smem:$0x3F99] =	sst s1  }
0xa: {  	[smem:$0x3F9A] =	sst s2  }
0xb: {  	[smem:$0x3F9B] =	sst s3  }
0xc: {  	[smem:$0x3F9C] =	sst s4  }
0xd: {  	[smem:$0x3F9D] =	sst s5  }
0xe: {  	[smem:$0x3F9E] =	sst s6  }
0xf: {  	[smem:$0x3F9F] =	sst s7  }
0x10: {  	[smem:$0x3FA0] =	sst s8  }
0x11: {  	[smem:$0x3FA1] =	sst s9;
	s0 =	simm.s32 @!p0 $0x0  }
0x12: {  	s1 =	sld [smem:$0x3F87];
	s0 =	simm.s32 @p0 $0x1  }
0x13: {  	[smem:$0x3FA2] =	sst s0;
	s0 =	simm.s32 @!p1 $0x0  }
0x14: {  	s2 =	sld [smem:$0x3F86];
	s0 =	simm.s32 @p1 $0x1  }
0x15: {  	[smem:$0x3FA3] =	sst s0;
	s0 =	simm.s32 @!p2 $0x0  }
0x16: {  	s3 =	sld [smem:$0x3FDB];
	s0 =	simm.s32 @p2 $0x1  }
0x17: {  	s4 =	simm.s32 $0x1BF5;
	[smem:$0x3FA5] =	sst s0  }
0x18: {  	s0 =	sld [smem:$0x3F88];
	_ =	swait.ge [sflag:s4], $0x0  }
0x19: {  	s7 =	sld [smem:$0x3F89]  }
0x1a: {  	s8 =	sadd.s32 $0xFFFFE003, lr  }
0x1b: {  	s9 =	sadd.s32 $0xFFFFFEF7, lr;
	s5 =	simm.s32 $0xFFFFFFFF;
	p2 =	slt.u32 s8, $0xFFFFF086  }
0x1c: {  	p1 =	slt.u32 s9, $0xF7A;
	s5 =	simm.s32 @!p2 $0x0  }
0x1d: {  	s5 =	simm.s32 @p1 $0x1;
	p0 =	seq.s32 s7, s2  }
0x1e: {  	s7 =	smul.u32 @!p0 $0xF7A, s2;
	p2 =	seq.s32 @!p0 s5, $0x0  }
0x1f: {  	s9 =	smul.u32 $0xF7A, s1;
	s8 =	simm.s32 @!p0 $0x1BF5;
	p2 =	por !p2, p0  }
0x20: {  	[sflag:s8] =	ssyncset.s32 @!p0 $0xFFFFF086;
	s6 =	sadd.s32 @!p0 s3, s7;
	s7 =	simm.s32 @!p0 $0x108  }
0x21: {  	s3 =	sadd.s32 s3, s9;
	s6 =	sadd.s32 @!p0 $0x88, s6;
	s7 =	simm.s32 @p2 $0x1082  }
0x22: {  	[simem:s7], [sflag:s8] =	dma.local @!p0 [hbm:s6], $0xF7A  }
0x23: {  	s9 =	sor.u32 $0xD0000000, s2;
	s6 =	simm.s32 $0x108;
	_ =	swait.ge @!p0 [sflag:s8], $0x0  }
0x24: {  	s3 =	sadd.s32 $0x88, s3;
	s6 =	simm.s32 @!p1 $0x1082;
	[sflag:s4] =	ssyncset.s32 $0xFFFFF086  }
0x25: {  	[simem:s6], [sflag:s4] =	dma.local [hbm:s3], $0xF7A  }
0x26: {  	[smem:$0x3F89] =	sst s1;
	(tag) =	ssettag s2;
	_ =	strace s9  }
0x27: {  	s1 =	sld [smem:$0x3F99]  }
0x28: {  	s2 =	sld [smem:$0x3F9A]  }
0x29: {  	s4 =	sld [smem:$0x3F9C]  }
0x2a: {  	p0 =	seq.s32 s5, $0x0;
	s5 =	sld [smem:$0x3F9D]  }
0x2b: {  	s6 =	sld [smem:$0x3F9E]  }
0x2c: {  	s7 =	sld [smem:$0x3F9F]  }
0x2d: {  	s3 =	simm.s32 $0x108;
	s8 =	sld [smem:$0x3FA0]  }
0x2e: {  	s3 =	simm.s32 @!p0 $0x1082;
	s9 =	sld [smem:$0x3FA1]  }
0x2f: {  	lr =	sadd.s32 s0, s3;
	s0 =	sld [smem:$0x3F98]  }
0x30: {  	s3 =	sld [smem:$0x3F9B]  }
0x31: {  	[smem:$0x3FA4] =	sst s10  }
0x32: {  	s10 =	sld [smem:$0x3FA2];
	_ =	sdelay $0x3  }
0x33: {  	p0 =	seq.s32 s10, $0x1;
	s10 =	sld [smem:$0x3FA4];
	_ =	sdelay $0x3  }
0x34: {  	[smem:$0x3FA4] =	sst s10  }
0x35: {  	s10 =	sld [smem:$0x3FA3];
	_ =	sdelay $0x3  }
0x36: {  	p1 =	seq.s32 s10, $0x1;
	s10 =	sld [smem:$0x3FA4];
	_ =	sdelay $0x3  }
0x37: {  	[smem:$0x3FA4] =	sst s10  }
0x38: {  	s10 =	sld [smem:$0x3FA5]  }
0x39: {  	_ = 	snop;
	(pc) =	sbr.ind lr, $3  }
0x3a: {  	_ = 	snop  }
0x3b: {  	_ = 	snop  }
0x3c: {  	p2 =	seq.s32 s10, $0x1;
	s10 =	sld [smem:$0x3FA4]  }
0x3d: {  	_ =	shalt  }
0x3e: {  	_ =	shalt  }
0x3f: {  	_ =	shalt  }
0x40: {  	_ =	shalt  }
0x41: {  	_ =	shalt  }
0x42: {  	_ =	shalt  }
0x43: {  	_ =	shalt  }
0x44: {  	_ =	shalt  }
0x45: {  	_ =	shalt  }
0x46: {  	_ =	shalt  }
0x47: {  	_ =	shalt  }
0x48: {  	_ =	shalt  }
0x49: {  	_ =	shalt  }
0x4a: {  	_ =	shalt  }
0x4b: {  	_ =	shalt  }
0x4c: {  	_ =	shalt  }
0x4d: {  	_ =	shalt  }
0x4e: {  	_ =	shalt  }
0x4f: {  	_ =	shalt  }
0x50: {  	_ =	shalt  }
0x51: {  	_ =	shalt  }
0x52: {  	_ =	shalt  }
0x53: {  	_ =	shalt  }
0x54: {  	_ =	shalt  }
0x55: {  	_ =	shalt  }
0x56: {  	_ =	shalt  }
0x57: {  	_ =	shalt  }
0x58: {  	_ =	shalt  }
0x59: {  	_ =	shalt  }
0x5a: {  	_ =	shalt  }
0x5b: {  	_ =	shalt  }
0x5c: {  	_ =	shalt  }
0x5d: {  	_ =	shalt  }
0x5e: {  	_ =	shalt  }
0x5f: {  	_ =	shalt  }
0x60: {  	_ =	shalt  }
0x61: {  	_ =	shalt  }
0x62: {  	_ =	shalt  }
0x63: {  	_ =	shalt  }
0x64: {  	_ =	shalt  }
0x65: {  	_ =	shalt  }
0x66: {  	_ =	shalt  }
0x67: {  	_ =	shalt  }
0x68: {  	_ =	shalt  }
0x69: {  	_ =	shalt  }
0x6a: {  	_ =	shalt  }
0x6b: {  	_ =	shalt  }
0x6c: {  	_ =	shalt  }
0x6d: {  	_ =	shalt  }
0x6e: {  	_ =	shalt  }
0x6f: {  	_ =	shalt  }
0x70: {  	_ =	shalt  }
0x71: {  	_ =	shalt  }
0x72: {  	_ =	shalt  }
0x73: {  	_ =	shalt  }
0x74: {  	_ =	shalt  }
0x75: {  	_ =	shalt  }
0x76: {  	_ =	shalt  }
0x77: {  	_ =	shalt  }
0x78: {  	_ =	shalt  }
0x79: {  	_ =	shalt  }
0x7a: {  	_ =	shalt  }
0x7b: {  	_ =	shalt  }
0x7c: {  	_ =	shalt  }
0x7d: {  	_ =	shalt  }
0x7e: {  	_ =	shalt  }
0x7f: {  	_ =	shalt  }
0x80: {  	_ =	shalt  }
0x81: {  	_ =	shalt  }
0x82: {  	_ =	shalt  }
0x83: {  	_ =	shalt  }
0x84: {  	_ =	shalt  }
0x85: {  	_ =	shalt  }
0x86: {  	_ =	shalt  }
0x87: {  	_ =	shalt  }
.Lfunc_end0:
.L_simem_size_0:
called_computation_lowered:
.L_overlay_start_0:
0x88: {  	s2 =	sld [smem:$0x3FD9]  }
0x89: {  	s3 =	sld [smem:$0x3FFE];
	_ =	sdelay $0x1  }
0x8a: {  	s1 =	srdreg.scid  }
0x8b: {  	s0 =	sand.u32 $0x1, s1  }
0x8c: {  	s16 =	sshll.u32 s0, $0xA;
	s2 =	sadd.s32 s3, s2  }
0x8d: {  	s2 =	sadd.s32 s2, s16  }
0x8e: {  	[smem:$0x3FB0] =	sst s2  }
0x8f: {  	_ = 	snop  }
0x90: {  	(tm) =	ssettm $0x1  }
0x91: {  	s17 =	sld [smem:$0x3FFB];
	_ =	sdelay $0x3  }
0x92: {  	_ =	strace s17  }
0x93: {  	s2 =	sld [smem:$0x3FFC];
	_ =	sdelay $0x3  }
0x94: {  	_ =	strace s2  }
0x95: {  	s2 =	sld [smem:$0x3FFD];
	_ =	sdelay $0x3  }
0x96: {  	_ =	strace s2  }
0x97: {  	_ =	strace $0x8FFFFFFF  }
0x98: {  	s18 =	sld [smem:$0x3FDB];
	_ =	sdelay $0x1  }
0x99: {  	s19 =	simm.s32 $_scs_section_size  }
0x9a: {  	s4 =	simm.s32 $_size__tile_overlayer_lowered;
	s5 =	simm.s32 $_tile_overlayer_lowered  }
0x9b: {  	s22 =	simm.s32 $0x1BFF;
	s21 =	sshll.u32 s5, $0x1;
	s2 =	sadd.s32 s19, s18  }
0x9c: {  	s6 =	simm.s32 $0x0;
	s20 =	sshll.u32 s4, $0x1;
	s4 =	sadd.s32 s21, s2  }
0x9d: {  	[timem:s6], [sflag:s22] =	dma.local [hbm:s4], s20  }
0x9e: {  	_ =	swait.ge [sflag:s22], s20  }
0x9f: {  	s3 =	ssub.s32 $0x0, s20;
	[sflag:s22] =	ssyncset.done $0x0  }
0xa0: {  	[sflag:s22] =	ssyncadd.s32 s3;
	_ =	sdelay $0x1  }
0xa1: {  	s23 =	simm.s32 $0x1B8B  }
0xa2: {  	_ =	swait.ge [sflag:s23], $0x1  }
0xa3: {  	[sflag:s23] =	ssyncset.done $0x0  }
0xa4: {  	s25 =	simm.s32 $0x1B8E;
	s24 =	sld [smem:$0x3FFE];
	[sflag:s23] =	ssyncadd.s32 $0xFFFFFFFF  }
0xa5: {  	s26 =	simm.s32 $execute0_lowered;
	[smem:$0x3FD2] =	sst s25  }
0xa6: {  	s4 =	sshll.u32 s26, $0x1;
	_ =	strace $0x80000046;
	[dreg:$0x1] =	wrdreg $0xFFFFFFFF  }
0xa7: {  	s28 =	simm.s32 $_size_execute0_lowered;
	s2 =	sadd.s32 s2, s4;
	[dreg:$0x0] =	wrdreg $0x0  }
0xa8: {  	s4 =	sshll.u32 s28, $0x1;
	[dreg:$0x2] =	wrdreg s2  }
0xa9: {  	[dreg:$0x3] =	wrdreg s4  }
0xaa: {  	[dreg:$0x4] =	wrdreg $0xC0  }
0xab: {  	_ =	task [dreg:s6], $0x5FFFF  }
0xac: {  	[dreg:$0x1] =	wrdreg $0xFFFFFFFF  }
0xad: {  	[dreg:$0x0] =	wrdreg $0x60  }
0xae: {  	[dreg:$0x2] =	wrdreg s24  }
0xaf: {  	[dreg:$0x3] =	wrdreg $0x84000  }
0xb0: {  	[dreg:$0x4] =	wrdreg $0x9  }
0xb1: {  	_ =	task.clear_ibuf [dreg:s6], $0x5FFFF;
	_ =	strace $0x90000046  }
0xb2: {  	s29 =	simm.s32 $0x9;
	_ =	strace $0x80000048  }
0xb3: {  	_ =	swait.ge [sflag:s29], $0x1  }
0xb4: {  	[sflag:s29] =	ssyncadd.s32 $0xFFFFFFFF  }
0xb5: {  	_ =	strace $0x90000048  }
0xb6: {  	_ =	sfence  }
0xb7: {  	s30 =	sld [smem:$0x0];
	_ =	sdelay $0x2  }
0xb8: {  	s31 =	sshll.u32 s1, $0xD;
	s1 =	sshrl.u32 s1, $0x2  }
0xb9: {  	s3 =	sand.u32 $0x4000, s31;
	s1 =	sadd.s32 s1, s30  }
0xba: {  	s0 =	sor.u32 s3, s0;
	s1 =	sshll.u32 s1, $0x11  }
0xbb: {  	s0 =	sor.u32 s1, s0  }
0xbc: {  	s0 =	sadd.s32 $0x8F2B, s0  }
0xbd: {  	[sflag:s0] =	ssyncadd.remote.s32 $0x1  }
0xbe: {  	_ =	sfence.sel $0xFFFF  }
0xbf: {  	[dreg:$0x0] =	wrdreg $0xFFFFFFFF;
	(pc) =	sbr.abs _section_cstart, $3  }
0xc0: {  	[dreg:$0x1] =	wrdreg $0xFFFFFFFF  }
0xc1: {  	_ =	task.clear_ibuf [dreg:s6], $0x2FFFF;
	_ =	strace $0x9FFFFFFF  }
0xc2: {  	(tm) =	ssettm $0x7FFFFFFF  }
0xc3: {  	_ =	shalt  }
tec
execute0_lowered:
.L_overlay_start_1:
0x0: {  	(tag) =	ssettag $0x1  }
0x1: {  	s5 =	rddreg [dreg:$0x0]  }
0x2: {  	s1 =	rddreg [dreg:$0x1]  }
0x3: {  	s2 =	srdreg.scid;
	s0 =	rddreg [dreg:$0x2];
	s3 =	simm.s32 $0x0  }
0x4: {  	s16 =	simm.s32 $0x80;
	s17 =	simm.s32 $0x4400;
	s18 =	simm.s32 $0x1  }
0x5: {  	s19 =	simm.s32 $0x3;
	s20 =	simm.s32 $0x2;
	s21 =	simm.s32 $0x300  }
0x6: {  	s22 =	simm.s32 $0x280;
	s23 =	simm.s32 $0x380;
	s6 =	sand.u32 $0x1, s2  }
0x7: {  	s24 =	simm.s32 $0x0;
	s2 =	stileid.u32;
	s7 =	smul.u32 $0x13C000, s6  }
0x8: {  	[smem:$0x7FF] =	sst s3;
	s4 =	sadd.s32 $0x18800, s5;
	s8 =	smul.u32 $0x13C00, s2  }
0x9: {  	s13 =	sadd.s32 $0x4800, s5;
	_ =	strace $0x80000047;
	s9 =	smul.u32 $0x4F000, s2  }
0xa: {  	s25 =	sshll.u32 s6, $0x4;
	s26 =	ssub.s32 $0x2, s6;
	s29 =	smul.u32 $0x50000, s6  }
0xb: {  	s12 =	smul.u32 $0x5000, s2;
	s30 =	sshrl.u32 s26, $0x1;
	s7 =	sadd.s32 s8, s7  }
0xc: {  	s8 =	sor.u32 s2, s25;
	s28 =	sshrl.u32 s9, $0x2;
	s14 =	ssub.s32 s26, s30  }
0xd: {  	s12 =	sadd.s32 s12, s29;
	s7 =	sshrl.u32 s7, $0x3;
	s10 =	smul.u32 $0x5000, s8  }
0xe: {  	s15 =	sor.u32 $0x200, s12;
	s12 =	smax.u32 s14, $0x1;
	s14 =	simm.s32 $0x400  }
0xf: {  	s11 =	sadd.s32 s7, s5;
	s5 =	sadd.s32 s28, s1;
	s31 =	sshrl.u32 s15, $0x3  }
0x10: {  	s15 =	simm.s32 $0x4;
	s6 =	sadd.s32 $0x4000, s5;
	s7 =	sadd.s32 $0x8000, s5  }
0x11: {  	s8 =	sadd.s32 $0xC000, s5;
	s10 =	sshrl.u32 s10, $0x3;
	s9 =	sadd.s32 $0x10000, s5  }
0x12: {  	v0 =	vimm.f32 $0.0e+00;
	s11 =	sadd.s32 $0x3FA00, s11;
	s10 =	sadd.s32 s13, s10;
	s13 =	sadd.s32 s31, s13  }
.LBB2_1:
0x13: {  	s25 =	sand.u32 $0xFE00, s3  }
0x14: {  	s26 =	sand.u32 $0x70, s3;
	s28 =	sshrl.u32 s25, $0x2  }
0x15: {  	s25 =	simm.s32 $0x40;
	s28 =	sor.u32 s26, s28;
	s26 =	simm.s32 $0x0  }
.LBB2_2:
0x16: {  	p0 =	sne.s32 s25, $0xFFC0  }
0x17: {  	[tilespmem:s28+$0x400] =	vst v0;
	s26 =	sadd.s32 $0x10, s26;
	s28 =	smov.u32 s25;
	s25 =	sadd.s32 $0x40, s25  }
.Ltmp0:
0x18: {  	(pc) =	sbr.rel @p0 .LBB2_2-.Ltmp0, $4  }
0x19: {  	_ = 	snop  }
0x1a: {  	s28 =	sand.u32 $0xFE00, s28  }
0x1b: {  	s29 =	sand.u32 $0x70, s26;
	s28 =	sshrl.u32 s28, $0x2  }
0x1c: {  	s28 =	sor.u32 s29, s28  }
0x1d: {  	[tilespmem:s28+$0x400] =	vst v0  }
0x1e: {  	[spmem:s5] =	stream.linear.scatter [tilespmem:s14], [sflag:$0x4], $0x4000, $0x38;
	[tilespmem:$0x1C000] =	vst v63  }
0x1f: {  	_ =	swait.ge [sflag:s15], $0x4000  }
0x20: {  	[sflag:s15] =	ssyncset.done $0x0  }
0x21: {  	[sflag:s15] =	ssyncadd.s32 $0xFFFFC000  }
0x22: {  	[spmem:s6] =	stream.linear.scatter [tilespmem:s14], [sflag:$0x4], $0x4000, $0x38;
	[tilespmem:$0x1C000] =	vst v63  }
0x23: {  	_ =	swait.ge [sflag:s15], $0x4000  }
0x24: {  	[sflag:s15] =	ssyncset.done $0x0  }
0x25: {  	[sflag:s15] =	ssyncadd.s32 $0xFFFFC000  }
0x26: {  	[spmem:s7] =	stream.linear.scatter [tilespmem:s14], [sflag:$0x4], $0x4000, $0x38;
	[tilespmem:$0x1C000] =	vst v63  }
0x27: {  	_ =	swait.ge [sflag:s15], $0x4000  }
0x28: {  	[sflag:s15] =	ssyncset.done $0x0  }
0x29: {  	[sflag:s15] =	ssyncadd.s32 $0xFFFFC000  }
0x2a: {  	[spmem:s8] =	stream.linear.scatter [tilespmem:s14], [sflag:$0x4], $0x4000, $0x38;
	[tilespmem:$0x1C000] =	vst v63  }
0x2b: {  	_ =	swait.ge [sflag:s15], $0x4000  }
0x2c: {  	[sflag:s15] =	ssyncset.done $0x0  }
0x2d: {  	[sflag:s15] =	ssyncadd.s32 $0xFFFFC000  }
0x2e: {  	[spmem:s9] =	stream.linear.scatter [tilespmem:s14], [sflag:$0x4], $0x3C00, $0x38;
	[tilespmem:$0x1C000] =	vst v63  }
0x2f: {  	_ =	swait.ge [sflag:s15], $0x3C00  }
0x30: {  	[sflag:s15] =	ssyncset.done $0x0  }
0x31: {  	[sflag:s15] =	ssyncadd.s32 $0xFFFFC400  }
0x32: {  	s25 =	simm.s32 $0x0;
	[bflag:$0x0] =	sbarrier.arrive $0xFFFF  }
0x33: {  	[tilespmem:s25], [sflag:$0x4] =	stream.linear.gather [hbm4b:s10+s25], $0x200, $0x38;
	[tilespmem:$0x1C000] =	vst v63  }
0x34: {  	_ =	swait.ge [sflag:s15], $0x200  }
0x35: {  	[sflag:s15] =	ssyncset.done $0x0  }
0x36: {  	[sflag:s15] =	ssyncadd.s32 $0xFFFFFE00  }
0x37: {  	[tilespmem:s14], [sflag:$0x1] =	stream.indirect.gather [hbm4b:s4+s16], $0x80, s25, s16, $0xb8;
	[tilespmem:$0x1C000] =	vst v63  }
0x38: {  	s25 =	sand.u32 $0x200, s25  }
0x39: {  	s26 =	sxor.u32 $0x200, s25  }
0x3a: {  	[tilespmem:s26], [sflag:$0x3] =	stream.linear.gather [hbm4b:s13+s3], $0x200, $0x38;
	[tilespmem:$0x1C000] =	vst v63  }
0x3b: {  	s28 =	sor.u32 $0x100, s25  }
0x3c: {  	[tilespmem:s17], [sflag:$0x2] =	stream.indirect.gather [hbm4b:s4+s16], $0x80, s28, s16, $0xb8;
	[tilespmem:$0x1C000] =	vst v63  }
0x3d: {  	_ =	swait.ge [sflag:s18], $0x4000  }
0x3e: {  	[sflag:s18] =	ssyncset.done $0x0  }
0x3f: {  	s28 =	sor.u32 $0x80, s25;
	[sflag:s18] =	ssyncadd.s32 $0xFFFFC000  }
0x40: {  	[spmem:s1] =	stream.indirect.scatter.add.f32 [tilespmem:s14], [sflag:$0x4], $0x80, s28, s16, $0xb8;
	[tilespmem:$0x1C000] =	vst v63  }
0x41: {  	_ =	swait.ge [sflag:s15], $0x4000  }
0x42: {  	[sflag:s15] =	ssyncset.done $0x0  }
0x43: {  	[sflag:s15] =	ssyncadd.s32 $0xFFFFC000  }
0x44: {  	_ =	swait.ge [sflag:s19], $0x200  }
0x45: {  	[sflag:s19] =	ssyncset.done $0x0  }
0x46: {  	[sflag:s19] =	ssyncadd.s32 $0xFFFFFE00  }
0x47: {  	[tilespmem:s14], [sflag:$0x1] =	stream.indirect.gather [hbm4b:s4+s16], $0x80, s26, s16, $0xb8;
	[tilespmem:$0x1C000] =	vst v63  }
0x48: {  	_ =	swait.ge [sflag:s20], $0x4000  }
0x49: {  	[sflag:s20] =	ssyncset.done $0x0  }
0x4a: {  	s25 =	sor.u32 $0x180, s25;
	[sflag:s20] =	ssyncadd.s32 $0xFFFFC000  }
0x4b: {  	[spmem:s1] =	stream.indirect.scatter.add.f32 [tilespmem:s17], [sflag:$0x4], $0x80, s25, s16, $0xb8;
	[tilespmem:$0x1C000] =	vst v63  }
0x4c: {  	s31 =	simm.s32 $0x200;
	s28 =	simm.s32 $0x400;
	_ =	swait.ge [sflag:s15], $0x4000  }
0x4d: {  	s26 =	sadd.s32 $0x40, s13;
	s25 =	sand.u32 $0x200, s31;
	[sflag:s15] =	ssyncset.done $0x0  }
.LBB2_4:
0x4e: {  	s29 =	sxor.u32 $0x200, s25  }
0x4f: {  	[sflag:s15] =	ssyncadd.s32 $0xFFFFC000;
	s30 =	smov.u32 s28;
	s31 =	sadd.s32 $0x200, s28  }
0x50: {  	[tilespmem:s29], [sflag:$0x3] =	stream.linear.gather [hbm4b:s26+s3], $0x200, $0x38;
	[tilespmem:$0x1C000] =	vst v63  }
0x51: {  	p0 =	sne.s32 s28, $0x4C00;
	s28 =	sor.u32 $0x100, s25  }
0x52: {  	[tilespmem:s17], [sflag:$0x2] =	stream.indirect.gather [hbm4b:s4+s16], $0x80, s28, s16, $0xb8;
	[tilespmem:$0x1C000] =	vst v63  }
0x53: {  	_ =	swait.ge [sflag:s18], $0x4000  }
0x54: {  	[sflag:s18] =	ssyncset.done $0x0  }
0x55: {  	s28 =	sor.u32 $0x80, s25;
	[sflag:s18] =	ssyncadd.s32 $0xFFFFC000  }
0x56: {  	[spmem:s1] =	stream.indirect.scatter.add.f32 [tilespmem:s14], [sflag:$0x4], $0x80, s28, s16, $0xb8;
	[tilespmem:$0x1C000] =	vst v63  }
0x57: {  	_ =	swait.ge [sflag:s15], $0x4000  }
0x58: {  	[sflag:s15] =	ssyncset.done $0x0  }
0x59: {  	[sflag:s15] =	ssyncadd.s32 $0xFFFFC000  }
0x5a: {  	_ =	swait.ge [sflag:s19], $0x200  }
0x5b: {  	[sflag:s19] =	ssyncset.done $0x0  }
0x5c: {  	[sflag:s19] =	ssyncadd.s32 $0xFFFFFE00  }
0x5d: {  	[tilespmem:s14], [sflag:$0x1] =	stream.indirect.gather [hbm4b:s4+s16], $0x80, s29, s16, $0xb8;
	[tilespmem:$0x1C000] =	vst v63  }
0x5e: {  	_ =	swait.ge [sflag:s20], $0x4000  }
.Ltmp1:
0x5f: {  	[sflag:s20] =	ssyncset.done $0x0;
	(pc) =	sbr.rel @p0 .LBB2_4-.Ltmp1, $4  }
0x60: {  	s25 =	sor.u32 $0x180, s25;
	[sflag:s20] =	ssyncadd.s32 $0xFFFFC000  }
0x61: {  	[spmem:s1] =	stream.indirect.scatter.add.f32 [tilespmem:s17], [sflag:$0x4], $0x80, s25, s16, $0xb8;
	[tilespmem:$0x1C000] =	vst v63  }
0x62: {  	s26 =	sadd.s32 $0x40, s26;
	_ =	swait.ge [sflag:s15], $0x4000  }
0x63: {  	s28 =	smov.u32 s31;
	s25 =	sand.u32 $0x200, s30;
	[sflag:s15] =	ssyncset.done $0x0  }
0x64: {  	s28 =	sxor.u32 $0x200, s25;
	[sflag:s15] =	ssyncadd.s32 $0xFFFFC000  }
0x65: {  	[tilespmem:s28], [sflag:$0x3] =	stream.linear.gather [hbm4b:s26+s3], $0x200, $0x38;
	[tilespmem:$0x1C000] =	vst v63  }
0x66: {  	s30 =	sor.u32 $0x100, s25  }
0x67: {  	[tilespmem:s17], [sflag:$0x2] =	stream.indirect.gather [hbm4b:s4+s16], $0x80, s30, s16, $0xb8;
	[tilespmem:$0x1C000] =	vst v63  }
0x68: {  	_ =	swait.ge [sflag:s18], $0x4000  }
0x69: {  	[sflag:s18] =	ssyncset.done $0x0  }
0x6a: {  	s31 =	sor.u32 $0x80, s25;
	[sflag:s18] =	ssyncadd.s32 $0xFFFFC000  }
0x6b: {  	[spmem:s1] =	stream.indirect.scatter.add.f32 [tilespmem:s14], [sflag:$0x4], $0x80, s31, s16, $0xb8;
	[tilespmem:$0x1C000] =	vst v63  }
0x6c: {  	_ =	swait.ge [sflag:s15], $0x4000  }
0x6d: {  	[sflag:s15] =	ssyncset.done $0x0  }
0x6e: {  	[sflag:s15] =	ssyncadd.s32 $0xFFFFC000  }
0x6f: {  	_ =	swait.ge [sflag:s19], $0x200  }
0x70: {  	[sflag:s19] =	ssyncset.done $0x0  }
0x71: {  	[sflag:s19] =	ssyncadd.s32 $0xFFFFFE00  }
0x72: {  	[tilespmem:s14], [sflag:$0x1] =	stream.indirect.gather [hbm4b:s4+s16], $0x80, s28, s16, $0xb8;
	[tilespmem:$0x1C000] =	vst v63  }
0x73: {  	_ =	swait.ge [sflag:s20], $0x4000  }
0x74: {  	[sflag:s20] =	ssyncset.done $0x0  }
0x75: {  	s29 =	sor.u32 $0x180, s25;
	[sflag:s20] =	ssyncadd.s32 $0xFFFFC000  }
0x76: {  	[spmem:s1] =	stream.indirect.scatter.add.f32 [tilespmem:s17], [sflag:$0x4], $0x80, s29, s16, $0xb8;
	[tilespmem:$0x1C000] =	vst v63  }
0x77: {  	_ =	swait.ge [sflag:s15], $0x4000  }
0x78: {  	[sflag:s15] =	ssyncset.done $0x0  }
0x79: {  	[sflag:s15] =	ssyncadd.s32 $0xFFFFC000  }
0x7a: {  	[tilespmem:s17], [sflag:$0x2] =	stream.indirect.gather [hbm4b:s4+s16], $0x80, s21, s16, $0xb8;
	[tilespmem:$0x1C000] =	vst v63  }
0x7b: {  	_ =	swait.ge [sflag:s18], $0x4000  }
0x7c: {  	[sflag:s18] =	ssyncset.done $0x0  }
0x7d: {  	[sflag:s18] =	ssyncadd.s32 $0xFFFFC000  }
0x7e: {  	[spmem:s1] =	stream.indirect.scatter.add.f32 [tilespmem:s14], [sflag:$0x4], $0x80, s22, s16, $0xb8;
	[tilespmem:$0x1C000] =	vst v63  }
0x7f: {  	_ =	swait.ge [sflag:s15], $0x4000  }
0x80: {  	[sflag:s15] =	ssyncset.done $0x0  }
0x81: {  	[sflag:s15] =	ssyncadd.s32 $0xFFFFC000  }
0x82: {  	_ =	swait.ge [sflag:s20], $0x4000  }
0x83: {  	[sflag:s20] =	ssyncset.done $0x0  }
0x84: {  	[sflag:s20] =	ssyncadd.s32 $0xFFFFC000  }
0x85: {  	[spmem:s1] =	stream.indirect.scatter.add.f32 [tilespmem:s17], [sflag:$0x4], $0x80, s23, s16, $0xb8;
	[tilespmem:$0x1C000] =	vst v63  }
0x86: {  	_ =	swait.ge [sflag:s15], $0x4000  }
0x87: {  	s24 =	sadd.s32 $0x1, s24;
	s30 =	sshll.u32 s2, $0x6;
	[sflag:s15] =	ssyncset.done $0x0  }
0x88: {  	p0 =	sne.s32 s24, s12;
	s25 =	sor.u32 $0x1C04, s30;
	[sflag:s15] =	ssyncadd.s32 $0xFFFFC000  }
.Ltmp2:
0x89: {  	s31 =	sshrl.u32 s5, $0x3;
	[bflag:$0x0] =	sbarrier.arrive $0xFFFF;
	(pc) =	sbr.rel @p0 .LBB2_1-.Ltmp2, $4  }
0x8a: {  	[hbm:s11], [sflag:s25] =	dma.local [spmem:s31], $0x2780  }
0x8b: {  	_ =	swait.ge [sflag:s15], $0x2780  }
0x8c: {  	[sflag:s15] =	ssyncset.done $0x0  }
0x8d: {  	[sflag:s15] =	ssyncadd.s32 $0xFFFFD880  }
0x8e: {  	_ =	sfence.sel $0x180000  }
0x8f: {  	[bflag:$0x0] =	sbarrier.arrive $0xFFFF  }
0x90: {  	p0 =	sne.s32 s2, $0x0;
	_ =	strace $0x90000047  }
0x91: {  	s0 =	sadd.s32 @!p0 $0x100000, s0;
	[bflag:$0x2] =	sbarrier.arrive $0xFFFF  }
0x92: {  	[sflag:s0] =	ssyncadd.tile.s32 @!p0 $0x1;
	_ =	shalt  }
.Lfunc_end2:
_tile_overlayer_lowered:
.L_overlay_start_2:
0x93: {  	(tag) =	ssettag $0x2  }
0x94: {  	s0 =	rddreg [dreg:$0x0];
	s2 =	stileid.u32  }
0x95: {  	s1 =	rddreg [dreg:$0x1];
	p0 =	sne.s32 s2, $0x0  }
0x96: {  	s3 =	rddreg [dreg:$0x2];
	[bflag:$0x3] =	sbarrier.arrive $0xFFFF;
	s2 =	simm.s32 @!p0 $0x1C04  }
0x97: {  	[timem:s3], [sflag:s2] =	dma.local @!p0 [hbm:s0], s1  }
0x98: {  	s0 =	simm.s32 @!p0 $0x4  }
0x99: {  	_ =	swait.ge @!p0 [sflag:s0], s1  }
0x9a: {  	s1 =	ssub.s32 @!p0 $0x0, s1;
	[sflag:s0] =	ssyncset.done @!p0 $0x0  }
0x9b: {  	[sflag:s0] =	ssyncadd.s32 @!p0 s1  }
0x9c: {  	[bflag:$0x3] =	sbarrier.arrive $0xFFFF  }
0x9d: {  	_ =	shalt  }

// kernel: kernel.14.cloned.1.call-start
scs
__scs_entry_jumppad:
0x0: {  	(pc) =	sbr.rel $0x88, $3  }
0x1: {  	(tag) =	ssettag $0x0;
	lr =	simm.s32 $0x1  }
0x2: {  	[smem:$0x3F89] =	sst lr;
	_ =	strace $0xD0000000  }
0x3: {  	_ = 	snop  }
0x4: {  	_ = 	snop  }
0x5: {  	_ = 	snop  }
0x6: {  	_ = 	snop  }
0x7: {  	_ = 	snop  }
__scs_overlays_trampoline_lowered:
0x8: {  	[smem:$0x3F98] =	sst s0  }
0x9: {  	[smem:$0x3F99] =	sst s1  }
0xa: {  	[smem:$0x3F9A] =	sst s2  }
0xb: {  	[smem:$0x3F9B] =	sst s3  }
0xc: {  	[smem:$0x3F9C] =	sst s4  }
0xd: {  	[smem:$0x3F9D] =	sst s5  }
0xe: {  	[smem:$0x3F9E] =	sst s6  }
0xf: {  	[smem:$0x3F9F] =	sst s7  }
0x10: {  	[smem:$0x3FA0] =	sst s8  }
0x11: {  	[smem:$0x3FA1] =	sst s9;
	s0 =	simm.s32 @!p0 $0x0  }
0x12: {  	s1 =	sld [smem:$0x3F87];
	s0 =	simm.s32 @p0 $0x1  }
0x13: {  	[smem:$0x3FA2] =	sst s0;
	s0 =	simm.s32 @!p1 $0x0  }
0x14: {  	s2 =	sld [smem:$0x3F86];
	s0 =	simm.s32 @p1 $0x1  }
0x15: {  	[smem:$0x3FA3] =	sst s0;
	s0 =	simm.s32 @!p2 $0x0  }
0x16: {  	s3 =	sld [smem:$0x3FDB];
	s0 =	simm.s32 @p2 $0x1  }
0x17: {  	s4 =	simm.s32 $0x1BF5;
	[smem:$0x3FA5] =	sst s0  }
0x18: {  	s0 =	sld [smem:$0x3F88];
	_ =	swait.ge [sflag:s4], $0x0  }
0x19: {  	s7 =	sld [smem:$0x3F89]  }
0x1a: {  	s8 =	sadd.s32 $0xFFFFE003, lr  }
0x1b: {  	s9 =	sadd.s32 $0xFFFFFEF7, lr;
	s5 =	simm.s32 $0xFFFFFFFF;
	p2 =	slt.u32 s8, $0xFFFFF086  }
0x1c: {  	p1 =	slt.u32 s9, $0xF7A;
	s5 =	simm.s32 @!p2 $0x0  }
0x1d: {  	s5 =	simm.s32 @p1 $0x1;
	p0 =	seq.s32 s7, s2  }
0x1e: {  	s7 =	smul.u32 @!p0 $0xF7A, s2;
	p2 =	seq.s32 @!p0 s5, $0x0  }
0x1f: {  	s9 =	smul.u32 $0xF7A, s1;
	s8 =	simm.s32 @!p0 $0x1BF5;
	p2 =	por !p2, p0  }
0x20: {  	[sflag:s8] =	ssyncset.s32 @!p0 $0xFFFFF086;
	s6 =	sadd.s32 @!p0 s3, s7;
	s7 =	simm.s32 @!p0 $0x108  }
0x21: {  	s3 =	sadd.s32 s3, s9;
	s6 =	sadd.s32 @!p0 $0x88, s6;
	s7 =	simm.s32 @p2 $0x1082  }
0x22: {  	[simem:s7], [sflag:s8] =	dma.local @!p0 [hbm:s6], $0xF7A  }
0x23: {  	s9 =	sor.u32 $0xD0000000, s2;
	s6 =	simm.s32 $0x108;
	_ =	swait.ge @!p0 [sflag:s8], $0x0  }
0x24: {  	s3 =	sadd.s32 $0x88, s3;
	s6 =	simm.s32 @!p1 $0x1082;
	[sflag:s4] =	ssyncset.s32 $0xFFFFF086  }
0x25: {  	[simem:s6], [sflag:s4] =	dma.local [hbm:s3], $0xF7A  }
0x26: {  	[smem:$0x3F89] =	sst s1;
	(tag) =	ssettag s2;
	_ =	strace s9  }
0x27: {  	s1 =	sld [smem:$0x3F99]  }
0x28: {  	s2 =	sld [smem:$0x3F9A]  }
0x29: {  	s4 =	sld [smem:$0x3F9C]  }
0x2a: {  	p0 =	seq.s32 s5, $0x0;
	s5 =	sld [smem:$0x3F9D]  }
0x2b: {  	s6 =	sld [smem:$0x3F9E]  }
0x2c: {  	s7 =	sld [smem:$0x3F9F]  }
0x2d: {  	s3 =	simm.s32 $0x108;
	s8 =	sld [smem:$0x3FA0]  }
0x2e: {  	s3 =	simm.s32 @!p0 $0x1082;
	s9 =	sld [smem:$0x3FA1]  }
0x2f: {  	lr =	sadd.s32 s0, s3;
	s0 =	sld [smem:$0x3F98]  }
0x30: {  	s3 =	sld [smem:$0x3F9B]  }
0x31: {  	[smem:$0x3FA4] =	sst s10  }
0x32: {  	s10 =	sld [smem:$0x3FA2];
	_ =	sdelay $0x3  }
0x33: {  	p0 =	seq.s32 s10, $0x1;
	s10 =	sld [smem:$0x3FA4];
	_ =	sdelay $0x3  }
0x34: {  	[smem:$0x3FA4] =	sst s10  }
0x35: {  	s10 =	sld [smem:$0x3FA3];
	_ =	sdelay $0x3  }
0x36: {  	p1 =	seq.s32 s10, $0x1;
	s10 =	sld [smem:$0x3FA4];
	_ =	sdelay $0x3  }
0x37: {  	[smem:$0x3FA4] =	sst s10  }
0x38: {  	s10 =	sld [smem:$0x3FA5]  }
0x39: {  	_ = 	snop;
	(pc) =	sbr.ind lr, $3  }
0x3a: {  	_ = 	snop  }
0x3b: {  	_ = 	snop  }
0x3c: {  	p2 =	seq.s32 s10, $0x1;
	s10 =	sld [smem:$0x3FA4]  }
0x3d: {  	_ =	shalt  }
0x3e: {  	_ =	shalt  }
0x3f: {  	_ =	shalt  }
0x40: {  	_ =	shalt  }
0x41: {  	_ =	shalt  }
0x42: {  	_ =	shalt  }
0x43: {  	_ =	shalt  }
0x44: {  	_ =	shalt  }
0x45: {  	_ =	shalt  }
0x46: {  	_ =	shalt  }
0x47: {  	_ =	shalt  }
0x48: {  	_ =	shalt  }
0x49: {  	_ =	shalt  }
0x4a: {  	_ =	shalt  }
0x4b: {  	_ =	shalt  }
0x4c: {  	_ =	shalt  }
0x4d: {  	_ =	shalt  }
0x4e: {  	_ =	shalt  }
0x4f: {  	_ =	shalt  }
0x50: {  	_ =	shalt  }
0x51: {  	_ =	shalt  }
0x52: {  	_ =	shalt  }
0x53: {  	_ =	shalt  }
0x54: {  	_ =	shalt  }
0x55: {  	_ =	shalt  }
0x56: {  	_ =	shalt  }
0x57: {  	_ =	shalt  }
0x58: {  	_ =	shalt  }
0x59: {  	_ =	shalt  }
0x5a: {  	_ =	shalt  }
0x5b: {  	_ =	shalt  }
0x5c: {  	_ =	shalt  }
0x5d: {  	_ =	shalt  }
0x5e: {  	_ =	shalt  }
0x5f: {  	_ =	shalt  }
0x60: {  	_ =	shalt  }
0x61: {  	_ =	shalt  }
0x62: {  	_ =	shalt  }
0x63: {  	_ =	shalt  }
0x64: {  	_ =	shalt  }
0x65: {  	_ =	shalt  }
0x66: {  	_ =	shalt  }
0x67: {  	_ =	shalt  }
0x68: {  	_ =	shalt  }
0x69: {  	_ =	shalt  }
0x6a: {  	_ =	shalt  }
0x6b: {  	_ =	shalt  }
0x6c: {  	_ =	shalt  }
0x6d: {  	_ =	shalt  }
0x6e: {  	_ =	shalt  }
0x6f: {  	_ =	shalt  }
0x70: {  	_ =	shalt  }
0x71: {  	_ =	shalt  }
0x72: {  	_ =	shalt  }
0x73: {  	_ =	shalt  }
0x74: {  	_ =	shalt  }
0x75: {  	_ =	shalt  }
0x76: {  	_ =	shalt  }
0x77: {  	_ =	shalt  }
0x78: {  	_ =	shalt  }
0x79: {  	_ =	shalt  }
0x7a: {  	_ =	shalt  }
0x7b: {  	_ =	shalt  }
0x7c: {  	_ =	shalt  }
0x7d: {  	_ =	shalt  }
0x7e: {  	_ =	shalt  }
0x7f: {  	_ =	shalt  }
0x80: {  	_ =	shalt  }
0x81: {  	_ =	shalt  }
0x82: {  	_ =	shalt  }
0x83: {  	_ =	shalt  }
0x84: {  	_ =	shalt  }
0x85: {  	_ =	shalt  }
0x86: {  	_ =	shalt  }
0x87: {  	_ =	shalt  }
.Lfunc_end0:
.L_simem_size_0:
called_computation.1_lowered:
.L_overlay_start_0:
0x88: {  	s2 =	sld [smem:$0x3FD9]  }
0x89: {  	s3 =	sld [smem:$0x3FFE];
	_ =	sdelay $0x1  }
0x8a: {  	s1 =	srdreg.scid  }
0x8b: {  	s0 =	sand.u32 $0x1, s1  }
0x8c: {  	s16 =	sshll.u32 s0, $0xA;
	s2 =	sadd.s32 s3, s2  }
0x8d: {  	s2 =	sadd.s32 s2, s16  }
0x8e: {  	[smem:$0x3FB0] =	sst s2  }
0x8f: {  	_ = 	snop  }
0x90: {  	(tm) =	ssettm $0x1  }
0x91: {  	s17 =	sld [smem:$0x3FFB];
	_ =	sdelay $0x3  }
0x92: {  	_ =	strace s17  }
0x93: {  	s2 =	sld [smem:$0x3FFC];
	_ =	sdelay $0x3  }
0x94: {  	_ =	strace s2  }
0x95: {  	s2 =	sld [smem:$0x3FFD];
	_ =	sdelay $0x3  }
0x96: {  	_ =	strace s2  }
0x97: {  	_ =	strace $0x8FFFFFFF  }
0x98: {  	s18 =	sld [smem:$0x3FDB];
	_ =	sdelay $0x1  }
0x99: {  	s19 =	simm.s32 $_scs_section_size  }
0x9a: {  	s4 =	simm.s32 $_size__tile_overlayer_lowered;
	s5 =	simm.s32 $_tile_overlayer_lowered  }
0x9b: {  	s22 =	simm.s32 $0x1BFF;
	s21 =	sshll.u32 s5, $0x1;
	s2 =	sadd.s32 s19, s18  }
0x9c: {  	s6 =	simm.s32 $0x0;
	s20 =	sshll.u32 s4, $0x1;
	s4 =	sadd.s32 s21, s2  }
0x9d: {  	[timem:s6], [sflag:s22] =	dma.local [hbm:s4], s20  }
0x9e: {  	_ =	swait.ge [sflag:s22], s20  }
0x9f: {  	s3 =	ssub.s32 $0x0, s20;
	[sflag:s22] =	ssyncset.done $0x0  }
0xa0: {  	[sflag:s22] =	ssyncadd.s32 s3;
	_ =	sdelay $0x1  }
0xa1: {  	s23 =	simm.s32 $0x1B8B  }
0xa2: {  	_ =	swait.ge [sflag:s23], $0x1  }
0xa3: {  	[sflag:s23] =	ssyncset.done $0x0  }
0xa4: {  	s25 =	simm.s32 $0x1B8E;
	s24 =	sld [smem:$0x3FFE];
	[sflag:s23] =	ssyncadd.s32 $0xFFFFFFFF  }
0xa5: {  	s26 =	simm.s32 $execute0_lowered;
	[smem:$0x3FD2] =	sst s25  }
0xa6: {  	s4 =	sshll.u32 s26, $0x1;
	_ =	strace $0x80000049;
	[dreg:$0x1] =	wrdreg $0xFFFFFFFF  }
0xa7: {  	s28 =	simm.s32 $_size_execute0_lowered;
	s2 =	sadd.s32 s2, s4;
	[dreg:$0x0] =	wrdreg $0x0  }
0xa8: {  	s4 =	sshll.u32 s28, $0x1;
	[dreg:$0x2] =	wrdreg s2  }
0xa9: {  	[dreg:$0x3] =	wrdreg s4  }
0xaa: {  	[dreg:$0x4] =	wrdreg $0xC0  }
0xab: {  	_ =	task [dreg:s6], $0x5FFFF  }
0xac: {  	[dreg:$0x1] =	wrdreg $0xFFFFFFFF  }
0xad: {  	[dreg:$0x0] =	wrdreg $0x60  }
0xae: {  	[dreg:$0x2] =	wrdreg s24  }
0xaf: {  	[dreg:$0x3] =	wrdreg $0x84000  }
0xb0: {  	[dreg:$0x4] =	wrdreg $0x9  }
0xb1: {  	_ =	task.clear_ibuf [dreg:s6], $0x5FFFF;
	_ =	strace $0x90000049  }
0xb2: {  	s29 =	simm.s32 $0x9;
	_ =	strace $0x8000004B  }
0xb3: {  	_ =	swait.ge [sflag:s29], $0x1  }
0xb4: {  	[sflag:s29] =	ssyncadd.s32 $0xFFFFFFFF  }
0xb5: {  	_ =	strace $0x9000004B  }
0xb6: {  	_ =	sfence  }
0xb7: {  	s30 =	sld [smem:$0x0];
	_ =	sdelay $0x2  }
0xb8: {  	s31 =	sshll.u32 s1, $0xD;
	s1 =	sshrl.u32 s1, $0x2  }
0xb9: {  	s3 =	sand.u32 $0x4000, s31;
	s1 =	sadd.s32 s1, s30  }
0xba: {  	s0 =	sor.u32 s3, s0;
	s1 =	sshll.u32 s1, $0x11  }
0xbb: {  	s0 =	sor.u32 s1, s0  }
0xbc: {  	s0 =	sadd.s32 $0x8F2B, s0  }
0xbd: {  	[sflag:s0] =	ssyncadd.remote.s32 $0x1  }
0xbe: {  	_ =	sfence.sel $0xFFFF  }
0xbf: {  	[dreg:$0x0] =	wrdreg $0xFFFFFFFF;
	(pc) =	sbr.abs _section_cstart, $3  }
0xc0: {  	[dreg:$0x1] =	wrdreg $0xFFFFFFFF  }
0xc1: {  	_ =	task.clear_ibuf [dreg:s6], $0x2FFFF;
	_ =	strace $0x9FFFFFFF  }
0xc2: {  	(tm) =	ssettm $0x7FFFFFFF  }
0xc3: {  	_ =	shalt  }
tec
execute0_lowered:
.L_overlay_start_1:
0x0: {  	(tag) =	ssettag $0x1  }
0x1: {  	s5 =	rddreg [dreg:$0x0]  }
0x2: {  	s1 =	rddreg [dreg:$0x1]  }
0x3: {  	s2 =	srdreg.scid;
	s0 =	rddreg [dreg:$0x2];
	s3 =	simm.s32 $0x0  }
0x4: {  	s16 =	simm.s32 $0x80;
	s17 =	simm.s32 $0x4400;
	s18 =	simm.s32 $0x1  }
0x5: {  	s19 =	simm.s32 $0x3;
	s20 =	simm.s32 $0x2;
	s21 =	simm.s32 $0x300  }
0x6: {  	s22 =	simm.s32 $0x280;
	s23 =	simm.s32 $0x380;
	s6 =	sand.u32 $0x1, s2  }
0x7: {  	s24 =	simm.s32 $0x0;
	s2 =	stileid.u32;
	s7 =	smul.u32 $0x13C000, s6  }
0x8: {  	[smem:$0x7FF] =	sst s3;
	s4 =	sadd.s32 $0x18800, s5;
	s8 =	smul.u32 $0x13C00, s2  }
0x9: {  	s13 =	sadd.s32 $0x4800, s5;
	_ =	strace $0x8000004A;
	s9 =	smul.u32 $0x4F000, s2  }
0xa: {  	s25 =	sshll.u32 s6, $0x4;
	s26 =	ssub.s32 $0x2, s6;
	s29 =	smul.u32 $0x50000, s6  }
0xb: {  	s12 =	smul.u32 $0x5000, s2;
	s30 =	sshrl.u32 s26, $0x1;
	s7 =	sadd.s32 s8, s7  }
0xc: {  	s8 =	sor.u32 s2, s25;
	s28 =	sshrl.u32 s9, $0x2;
	s14 =	ssub.s32 s26, s30  }
0xd: {  	s12 =	sadd.s32 s12, s29;
	s7 =	sshrl.u32 s7, $0x3;
	s10 =	smul.u32 $0x5000, s8  }
0xe: {  	s15 =	sor.u32 $0x200, s12;
	s12 =	smax.u32 s14, $0x1;
	s14 =	simm.s32 $0x400  }
0xf: {  	s11 =	sadd.s32 s7, s5;
	s5 =	sadd.s32 s28, s1;
	s31 =	sshrl.u32 s15, $0x3  }
0x10: {  	s15 =	simm.s32 $0x4;
	s6 =	sadd.s32 $0x4000, s5;
	s7 =	sadd.s32 $0x8000, s5  }
0x11: {  	s8 =	sadd.s32 $0xC000, s5;
	s10 =	sshrl.u32 s10, $0x3;
	s9 =	sadd.s32 $0x10000, s5  }
0x12: {  	v0 =	vimm.f32 $0.0e+00;
	s11 =	sadd.s32 $0x3FA00, s11;
	s10 =	sadd.s32 s13, s10;
	s13 =	sadd.s32 s31, s13  }
.LBB2_1:
0x13: {  	s25 =	sand.u32 $0xFE00, s3  }
0x14: {  	s26 =	sand.u32 $0x70, s3;
	s28 =	sshrl.u32 s25, $0x2  }
0x15: {  	s25 =	simm.s32 $0x40;
	s28 =	sor.u32 s26, s28;
	s26 =	simm.s32 $0x0  }
.LBB2_2:
0x16: {  	p0 =	sne.s32 s25, $0xFFC0  }
0x17: {  	[tilespmem:s28+$0x400] =	vst v0;
	s26 =	sadd.s32 $0x10, s26;
	s28 =	smov.u32 s25;
	s25 =	sadd.s32 $0x40, s25  }
.Ltmp0:
0x18: {  	(pc) =	sbr.rel @p0 .LBB2_2-.Ltmp0, $4  }
0x19: {  	_ = 	snop  }
0x1a: {  	s28 =	sand.u32 $0xFE00, s28  }
0x1b: {  	s29 =	sand.u32 $0x70, s26;
	s28 =	sshrl.u32 s28, $0x2  }
0x1c: {  	s28 =	sor.u32 s29, s28  }
0x1d: {  	[tilespmem:s28+$0x400] =	vst v0  }
0x1e: {  	[spmem:s5] =	stream.linear.scatter [tilespmem:s14], [sflag:$0x4], $0x4000, $0x38;
	[tilespmem:$0x1C000] =	vst v63  }
0x1f: {  	_ =	swait.ge [sflag:s15], $0x4000  }
0x20: {  	[sflag:s15] =	ssyncset.done $0x0  }
0x21: {  	[sflag:s15] =	ssyncadd.s32 $0xFFFFC000  }
0x22: {  	[spmem:s6] =	stream.linear.scatter [tilespmem:s14], [sflag:$0x4], $0x4000, $0x38;
	[tilespmem:$0x1C000] =	vst v63  }
0x23: {  	_ =	swait.ge [sflag:s15], $0x4000  }
0x24: {  	[sflag:s15] =	ssyncset.done $0x0  }
0x25: {  	[sflag:s15] =	ssyncadd.s32 $0xFFFFC000  }
0x26: {  	[spmem:s7] =	stream.linear.scatter [tilespmem:s14], [sflag:$0x4], $0x4000, $0x38;
	[tilespmem:$0x1C000] =	vst v63  }
0x27: {  	_ =	swait.ge [sflag:s15], $0x4000  }
0x28: {  	[sflag:s15] =	ssyncset.done $0x0  }
0x29: {  	[sflag:s15] =	ssyncadd.s32 $0xFFFFC000  }
0x2a: {  	[spmem:s8] =	stream.linear.scatter [tilespmem:s14], [sflag:$0x4], $0x4000, $0x38;
	[tilespmem:$0x1C000] =	vst v63  }
0x2b: {  	_ =	swait.ge [sflag:s15], $0x4000  }
0x2c: {  	[sflag:s15] =	ssyncset.done $0x0  }
0x2d: {  	[sflag:s15] =	ssyncadd.s32 $0xFFFFC000  }
0x2e: {  	[spmem:s9] =	stream.linear.scatter [tilespmem:s14], [sflag:$0x4], $0x3C00, $0x38;
	[tilespmem:$0x1C000] =	vst v63  }
0x2f: {  	_ =	swait.ge [sflag:s15], $0x3C00  }
0x30: {  	[sflag:s15] =	ssyncset.done $0x0  }
0x31: {  	[sflag:s15] =	ssyncadd.s32 $0xFFFFC400  }
0x32: {  	s25 =	simm.s32 $0x0;
	[bflag:$0x0] =	sbarrier.arrive $0xFFFF  }
0x33: {  	[tilespmem:s25], [sflag:$0x4] =	stream.linear.gather [hbm4b:s10+s25], $0x200, $0x38;
	[tilespmem:$0x1C000] =	vst v63  }
0x34: {  	_ =	swait.ge [sflag:s15], $0x200  }
0x35: {  	[sflag:s15] =	ssyncset.done $0x0  }
0x36: {  	[sflag:s15] =	ssyncadd.s32 $0xFFFFFE00  }
0x37: {  	[tilespmem:s14], [sflag:$0x1] =	stream.indirect.gather [hbm4b:s4+s16], $0x80, s25, s16, $0xb8;
	[tilespmem:$0x1C000] =	vst v63  }
0x38: {  	s25 =	sand.u32 $0x200, s25  }
0x39: {  	s26 =	sxor.u32 $0x200, s25  }
0x3a: {  	[tilespmem:s26], [sflag:$0x3] =	stream.linear.gather [hbm4b:s13+s3], $0x200, $0x38;
	[tilespmem:$0x1C000] =	vst v63  }
0x3b: {  	s28 =	sor.u32 $0x100, s25  }
0x3c: {  	[tilespmem:s17], [sflag:$0x2] =	stream.indirect.gather [hbm4b:s4+s16], $0x80, s28, s16, $0xb8;
	[tilespmem:$0x1C000] =	vst v63  }
0x3d: {  	_ =	swait.ge [sflag:s18], $0x4000  }
0x3e: {  	[sflag:s18] =	ssyncset.done $0x0  }
0x3f: {  	s28 =	sor.u32 $0x80, s25;
	[sflag:s18] =	ssyncadd.s32 $0xFFFFC000  }
0x40: {  	[spmem:s1] =	stream.indirect.scatter.add.f32 [tilespmem:s14], [sflag:$0x4], $0x80, s28, s16, $0xb8;
	[tilespmem:$0x1C000] =	vst v63  }
0x41: {  	_ =	swait.ge [sflag:s15], $0x4000  }
0x42: {  	[sflag:s15] =	ssyncset.done $0x0  }
0x43: {  	[sflag:s15] =	ssyncadd.s32 $0xFFFFC000  }
0x44: {  	_ =	swait.ge [sflag:s19], $0x200  }
0x45: {  	[sflag:s19] =	ssyncset.done $0x0  }
0x46: {  	[sflag:s19] =	ssyncadd.s32 $0xFFFFFE00  }
0x47: {  	[tilespmem:s14], [sflag:$0x1] =	stream.indirect.gather [hbm4b:s4+s16], $0x80, s26, s16, $0xb8;
	[tilespmem:$0x1C000] =	vst v63  }
0x48: {  	_ =	swait.ge [sflag:s20], $0x4000  }
0x49: {  	[sflag:s20] =	ssyncset.done $0x0  }
0x4a: {  	s25 =	sor.u32 $0x180, s25;
	[sflag:s20] =	ssyncadd.s32 $0xFFFFC000  }
0x4b: {  	[spmem:s1] =	stream.indirect.scatter.add.f32 [tilespmem:s17], [sflag:$0x4], $0x80, s25, s16, $0xb8;
	[tilespmem:$0x1C000] =	vst v63  }
0x4c: {  	s31 =	simm.s32 $0x200;
	s28 =	simm.s32 $0x400;
	_ =	swait.ge [sflag:s15], $0x4000  }
0x4d: {  	s26 =	sadd.s32 $0x40, s13;
	s25 =	sand.u32 $0x200, s31;
	[sflag:s15] =	ssyncset.done $0x0  }
.LBB2_4:
0x4e: {  	s29 =	sxor.u32 $0x200, s25  }
0x4f: {  	[sflag:s15] =	ssyncadd.s32 $0xFFFFC000;
	s30 =	smov.u32 s28;
	s31 =	sadd.s32 $0x200, s28  }
0x50: {  	[tilespmem:s29], [sflag:$0x3] =	stream.linear.gather [hbm4b:s26+s3], $0x200, $0x38;
	[tilespmem:$0x1C000] =	vst v63  }
0x51: {  	p0 =	sne.s32 s28, $0x4C00;
	s28 =	sor.u32 $0x100, s25  }
0x52: {  	[tilespmem:s17], [sflag:$0x2] =	stream.indirect.gather [hbm4b:s4+s16], $0x80, s28, s16, $0xb8;
	[tilespmem:$0x1C000] =	vst v63  }
0x53: {  	_ =	swait.ge [sflag:s18], $0x4000  }
0x54: {  	[sflag:s18] =	ssyncset.done $0x0  }
0x55: {  	s28 =	sor.u32 $0x80, s25;
	[sflag:s18] =	ssyncadd.s32 $0xFFFFC000  }
0x56: {  	[spmem:s1] =	stream.indirect.scatter.add.f32 [tilespmem:s14], [sflag:$0x4], $0x80, s28, s16, $0xb8;
	[tilespmem:$0x1C000] =	vst v63  }
0x57: {  	_ =	swait.ge [sflag:s15], $0x4000  }
0x58: {  	[sflag:s15] =	ssyncset.done $0x0  }
0x59: {  	[sflag:s15] =	ssyncadd.s32 $0xFFFFC000  }
0x5a: {  	_ =	swait.ge [sflag:s19], $0x200  }
0x5b: {  	[sflag:s19] =	ssyncset.done $0x0  }
0x5c: {  	[sflag:s19] =	ssyncadd.s32 $0xFFFFFE00  }
0x5d: {  	[tilespmem:s14], [sflag:$0x1] =	stream.indirect.gather [hbm4b:s4+s16], $0x80, s29, s16, $0xb8;
	[tilespmem:$0x1C000] =	vst v63  }
0x5e: {  	_ =	swait.ge [sflag:s20], $0x4000  }
.Ltmp1:
0x5f: {  	[sflag:s20] =	ssyncset.done $0x0;
	(pc) =	sbr.rel @p0 .LBB2_4-.Ltmp1, $4  }
0x60: {  	s25 =	sor.u32 $0x180, s25;
	[sflag:s20] =	ssyncadd.s32 $0xFFFFC000  }
0x61: {  	[spmem:s1] =	stream.indirect.scatter.add.f32 [tilespmem:s17], [sflag:$0x4], $0x80, s25, s16, $0xb8;
	[tilespmem:$0x1C000] =	vst v63  }
0x62: {  	s26 =	sadd.s32 $0x40, s26;
	_ =	swait.ge [sflag:s15], $0x4000  }
0x63: {  	s28 =	smov.u32 s31;
	s25 =	sand.u32 $0x200, s30;
	[sflag:s15] =	ssyncset.done $0x0  }
0x64: {  	s28 =	sxor.u32 $0x200, s25;
	[sflag:s15] =	ssyncadd.s32 $0xFFFFC000  }
0x65: {  	[tilespmem:s28], [sflag:$0x3] =	stream.linear.gather [hbm4b:s26+s3], $0x200, $0x38;
	[tilespmem:$0x1C000] =	vst v63  }
0x66: {  	s30 =	sor.u32 $0x100, s25  }
0x67: {  	[tilespmem:s17], [sflag:$0x2] =	stream.indirect.gather [hbm4b:s4+s16], $0x80, s30, s16, $0xb8;
	[tilespmem:$0x1C000] =	vst v63  }
0x68: {  	_ =	swait.ge [sflag:s18], $0x4000  }
0x69: {  	[sflag:s18] =	ssyncset.done $0x0  }
0x6a: {  	s31 =	sor.u32 $0x80, s25;
	[sflag:s18] =	ssyncadd.s32 $0xFFFFC000  }
0x6b: {  	[spmem:s1] =	stream.indirect.scatter.add.f32 [tilespmem:s14], [sflag:$0x4], $0x80, s31, s16, $0xb8;
	[tilespmem:$0x1C000] =	vst v63  }
0x6c: {  	_ =	swait.ge [sflag:s15], $0x4000  }
0x6d: {  	[sflag:s15] =	ssyncset.done $0x0  }
0x6e: {  	[sflag:s15] =	ssyncadd.s32 $0xFFFFC000  }
0x6f: {  	_ =	swait.ge [sflag:s19], $0x200  }
0x70: {  	[sflag:s19] =	ssyncset.done $0x0  }
0x71: {  	[sflag:s19] =	ssyncadd.s32 $0xFFFFFE00  }
0x72: {  	[tilespmem:s14], [sflag:$0x1] =	stream.indirect.gather [hbm4b:s4+s16], $0x80, s28, s16, $0xb8;
	[tilespmem:$0x1C000] =	vst v63  }
0x73: {  	_ =	swait.ge [sflag:s20], $0x4000  }
0x74: {  	[sflag:s20] =	ssyncset.done $0x0  }
0x75: {  	s29 =	sor.u32 $0x180, s25;
	[sflag:s20] =	ssyncadd.s32 $0xFFFFC000  }
0x76: {  	[spmem:s1] =	stream.indirect.scatter.add.f32 [tilespmem:s17], [sflag:$0x4], $0x80, s29, s16, $0xb8;
	[tilespmem:$0x1C000] =	vst v63  }
0x77: {  	_ =	swait.ge [sflag:s15], $0x4000  }
0x78: {  	[sflag:s15] =	ssyncset.done $0x0  }
0x79: {  	[sflag:s15] =	ssyncadd.s32 $0xFFFFC000  }
0x7a: {  	[tilespmem:s17], [sflag:$0x2] =	stream.indirect.gather [hbm4b:s4+s16], $0x80, s21, s16, $0xb8;
	[tilespmem:$0x1C000] =	vst v63  }
0x7b: {  	_ =	swait.ge [sflag:s18], $0x4000  }
0x7c: {  	[sflag:s18] =	ssyncset.done $0x0  }
0x7d: {  	[sflag:s18] =	ssyncadd.s32 $0xFFFFC000  }
0x7e: {  	[spmem:s1] =	stream.indirect.scatter.add.f32 [tilespmem:s14], [sflag:$0x4], $0x80, s22, s16, $0xb8;
	[tilespmem:$0x1C000] =	vst v63  }
0x7f: {  	_ =	swait.ge [sflag:s15], $0x4000  }
0x80: {  	[sflag:s15] =	ssyncset.done $0x0  }
0x81: {  	[sflag:s15] =	ssyncadd.s32 $0xFFFFC000  }
0x82: {  	_ =	swait.ge [sflag:s20], $0x4000  }
0x83: {  	[sflag:s20] =	ssyncset.done $0x0  }
0x84: {  	[sflag:s20] =	ssyncadd.s32 $0xFFFFC000  }
0x85: {  	[spmem:s1] =	stream.indirect.scatter.add.f32 [tilespmem:s17], [sflag:$0x4], $0x80, s23, s16, $0xb8;
	[tilespmem:$0x1C000] =	vst v63  }
0x86: {  	_ =	swait.ge [sflag:s15], $0x4000  }
0x87: {  	s24 =	sadd.s32 $0x1, s24;
	s30 =	sshll.u32 s2, $0x6;
	[sflag:s15] =	ssyncset.done $0x0  }
0x88: {  	p0 =	sne.s32 s24, s12;
	s25 =	sor.u32 $0x1C04, s30;
	[sflag:s15] =	ssyncadd.s32 $0xFFFFC000  }
.Ltmp2:
0x89: {  	s31 =	sshrl.u32 s5, $0x3;
	[bflag:$0x0] =	sbarrier.arrive $0xFFFF;
	(pc) =	sbr.rel @p0 .LBB2_1-.Ltmp2, $4  }
0x8a: {  	[hbm:s11], [sflag:s25] =	dma.local [spmem:s31], $0x2780  }
0x8b: {  	_ =	swait.ge [sflag:s15], $0x2780  }
0x8c: {  	[sflag:s15] =	ssyncset.done $0x0  }
0x8d: {  	[sflag:s15] =	ssyncadd.s32 $0xFFFFD880  }
0x8e: {  	_ =	sfence.sel $0x180000  }
0x8f: {  	[bflag:$0x0] =	sbarrier.arrive $0xFFFF  }
0x90: {  	p0 =	sne.s32 s2, $0x0;
	_ =	strace $0x9000004A  }
0x91: {  	s0 =	sadd.s32 @!p0 $0x100000, s0;
	[bflag:$0x2] =	sbarrier.arrive $0xFFFF  }
0x92: {  	[sflag:s0] =	ssyncadd.tile.s32 @!p0 $0x1;
	_ =	shalt  }
.Lfunc_end2:
_tile_overlayer_lowered:
.L_overlay_start_2:
0x93: {  	(tag) =	ssettag $0x2  }
0x94: {  	s0 =	rddreg [dreg:$0x0];
	s2 =	stileid.u32  }
0x95: {  	s1 =	rddreg [dreg:$0x1];
	p0 =	sne.s32 s2, $0x0  }
0x96: {  	s3 =	rddreg [dreg:$0x2];
	[bflag:$0x3] =	sbarrier.arrive $0xFFFF;
	s2 =	simm.s32 @!p0 $0x1C04  }
0x97: {  	[timem:s3], [sflag:s2] =	dma.local @!p0 [hbm:s0], s1  }
0x98: {  	s0 =	simm.s32 @!p0 $0x4  }
0x99: {  	_ =	swait.ge @!p0 [sflag:s0], s1  }
0x9a: {  	s1 =	ssub.s32 @!p0 $0x0, s1;
	[sflag:s0] =	ssyncset.done @!p0 $0x0  }
0x9b: {  	[sflag:s0] =	ssyncadd.s32 @!p0 s1  }
0x9c: {  	[bflag:$0x3] =	sbarrier.arrive $0xFFFF  }
0x9d: {  	_ =	shalt  }

// kernel: kernel.17.cloned.1.call-start
scs
__scs_entry_jumppad:
0x0: {  	(pc) =	sbr.rel $0x88, $3  }
0x1: {  	(tag) =	ssettag $0x0;
	lr =	simm.s32 $0x1  }
0x2: {  	[smem:$0x3F89] =	sst lr;
	_ =	strace $0xD0000000  }
0x3: {  	_ = 	snop  }
0x4: {  	_ = 	snop  }
0x5: {  	_ = 	snop  }
0x6: {  	_ = 	snop  }
0x7: {  	_ = 	snop  }
__scs_overlays_trampoline_lowered:
0x8: {  	[smem:$0x3F98] =	sst s0  }
0x9: {  	[smem:$0x3F99] =	sst s1  }
0xa: {  	[smem:$0x3F9A] =	sst s2  }
0xb: {  	[smem:$0x3F9B] =	sst s3  }
0xc: {  	[smem:$0x3F9C] =	sst s4  }
0xd: {  	[smem:$0x3F9D] =	sst s5  }
0xe: {  	[smem:$0x3F9E] =	sst s6  }
0xf: {  	[smem:$0x3F9F] =	sst s7  }
0x10: {  	[smem:$0x3FA0] =	sst s8  }
0x11: {  	[smem:$0x3FA1] =	sst s9;
	s0 =	simm.s32 @!p0 $0x0  }
0x12: {  	s1 =	sld [smem:$0x3F87];
	s0 =	simm.s32 @p0 $0x1  }
0x13: {  	[smem:$0x3FA2] =	sst s0;
	s0 =	simm.s32 @!p1 $0x0  }
0x14: {  	s2 =	sld [smem:$0x3F86];
	s0 =	simm.s32 @p1 $0x1  }
0x15: {  	[smem:$0x3FA3] =	sst s0;
	s0 =	simm.s32 @!p2 $0x0  }
0x16: {  	s3 =	sld [smem:$0x3FDB];
	s0 =	simm.s32 @p2 $0x1  }
0x17: {  	s4 =	simm.s32 $0x1BF5;
	[smem:$0x3FA5] =	sst s0  }
0x18: {  	s0 =	sld [smem:$0x3F88];
	_ =	swait.ge [sflag:s4], $0x0  }
0x19: {  	s7 =	sld [smem:$0x3F89]  }
0x1a: {  	s8 =	sadd.s32 $0xFFFFE003, lr  }
0x1b: {  	s9 =	sadd.s32 $0xFFFFFEF7, lr;
	s5 =	simm.s32 $0xFFFFFFFF;
	p2 =	slt.u32 s8, $0xFFFFF086  }
0x1c: {  	p1 =	slt.u32 s9, $0xF7A;
	s5 =	simm.s32 @!p2 $0x0  }
0x1d: {  	s5 =	simm.s32 @p1 $0x1;
	p0 =	seq.s32 s7, s2  }
0x1e: {  	s7 =	smul.u32 @!p0 $0xF7A, s2;
	p2 =	seq.s32 @!p0 s5, $0x0  }
0x1f: {  	s9 =	smul.u32 $0xF7A, s1;
	s8 =	simm.s32 @!p0 $0x1BF5;
	p2 =	por !p2, p0  }
0x20: {  	[sflag:s8] =	ssyncset.s32 @!p0 $0xFFFFF086;
	s6 =	sadd.s32 @!p0 s3, s7;
	s7 =	simm.s32 @!p0 $0x108  }
0x21: {  	s3 =	sadd.s32 s3, s9;
	s6 =	sadd.s32 @!p0 $0x88, s6;
	s7 =	simm.s32 @p2 $0x1082  }
0x22: {  	[simem:s7], [sflag:s8] =	dma.local @!p0 [hbm:s6], $0xF7A  }
0x23: {  	s9 =	sor.u32 $0xD0000000, s2;
	s6 =	simm.s32 $0x108;
	_ =	swait.ge @!p0 [sflag:s8], $0x0  }
0x24: {  	s3 =	sadd.s32 $0x88, s3;
	s6 =	simm.s32 @!p1 $0x1082;
	[sflag:s4] =	ssyncset.s32 $0xFFFFF086  }
0x25: {  	[simem:s6], [sflag:s4] =	dma.local [hbm:s3], $0xF7A  }
0x26: {  	[smem:$0x3F89] =	sst s1;
	(tag) =	ssettag s2;
	_ =	strace s9  }
0x27: {  	s1 =	sld [smem:$0x3F99]  }
0x28: {  	s2 =	sld [smem:$0x3F9A]  }
0x29: {  	s4 =	sld [smem:$0x3F9C]  }
0x2a: {  	p0 =	seq.s32 s5, $0x0;
	s5 =	sld [smem:$0x3F9D]  }
0x2b: {  	s6 =	sld [smem:$0x3F9E]  }
0x2c: {  	s7 =	sld [smem:$0x3F9F]  }
0x2d: {  	s3 =	simm.s32 $0x108;
	s8 =	sld [smem:$0x3FA0]  }
0x2e: {  	s3 =	simm.s32 @!p0 $0x1082;
	s9 =	sld [smem:$0x3FA1]  }
0x2f: {  	lr =	sadd.s32 s0, s3;
	s0 =	sld [smem:$0x3F98]  }
0x30: {  	s3 =	sld [smem:$0x3F9B]  }
0x31: {  	[smem:$0x3FA4] =	sst s10  }
0x32: {  	s10 =	sld [smem:$0x3FA2];
	_ =	sdelay $0x3  }
0x33: {  	p0 =	seq.s32 s10, $0x1;
	s10 =	sld [smem:$0x3FA4];
	_ =	sdelay $0x3  }
0x34: {  	[smem:$0x3FA4] =	sst s10  }
0x35: {  	s10 =	sld [smem:$0x3FA3];
	_ =	sdelay $0x3  }
0x36: {  	p1 =	seq.s32 s10, $0x1;
	s10 =	sld [smem:$0x3FA4];
	_ =	sdelay $0x3  }
0x37: {  	[smem:$0x3FA4] =	sst s10  }
0x38: {  	s10 =	sld [smem:$0x3FA5]  }
0x39: {  	_ = 	snop;
	(pc) =	sbr.ind lr, $3  }
0x3a: {  	_ = 	snop  }
0x3b: {  	_ = 	snop  }
0x3c: {  	p2 =	seq.s32 s10, $0x1;
	s10 =	sld [smem:$0x3FA4]  }
0x3d: {  	_ =	shalt  }
0x3e: {  	_ =	shalt  }
0x3f: {  	_ =	shalt  }
0x40: {  	_ =	shalt  }
0x41: {  	_ =	shalt  }
0x42: {  	_ =	shalt  }
0x43: {  	_ =	shalt  }
0x44: {  	_ =	shalt  }
0x45: {  	_ =	shalt  }
0x46: {  	_ =	shalt  }
0x47: {  	_ =	shalt  }
0x48: {  	_ =	shalt  }
0x49: {  	_ =	shalt  }
0x4a: {  	_ =	shalt  }
0x4b: {  	_ =	shalt  }
0x4c: {  	_ =	shalt  }
0x4d: {  	_ =	shalt  }
0x4e: {  	_ =	shalt  }
0x4f: {  	_ =	shalt  }
0x50: {  	_ =	shalt  }
0x51: {  	_ =	shalt  }
0x52: {  	_ =	shalt  }
0x53: {  	_ =	shalt  }
0x54: {  	_ =	shalt  }
0x55: {  	_ =	shalt  }
0x56: {  	_ =	shalt  }
0x57: {  	_ =	shalt  }
0x58: {  	_ =	shalt  }
0x59: {  	_ =	shalt  }
0x5a: {  	_ =	shalt  }
0x5b: {  	_ =	shalt  }
0x5c: {  	_ =	shalt  }
0x5d: {  	_ =	shalt  }
0x5e: {  	_ =	shalt  }
0x5f: {  	_ =	shalt  }
0x60: {  	_ =	shalt  }
0x61: {  	_ =	shalt  }
0x62: {  	_ =	shalt  }
0x63: {  	_ =	shalt  }
0x64: {  	_ =	shalt  }
0x65: {  	_ =	shalt  }
0x66: {  	_ =	shalt  }
0x67: {  	_ =	shalt  }
0x68: {  	_ =	shalt  }
0x69: {  	_ =	shalt  }
0x6a: {  	_ =	shalt  }
0x6b: {  	_ =	shalt  }
0x6c: {  	_ =	shalt  }
0x6d: {  	_ =	shalt  }
0x6e: {  	_ =	shalt  }
0x6f: {  	_ =	shalt  }
0x70: {  	_ =	shalt  }
0x71: {  	_ =	shalt  }
0x72: {  	_ =	shalt  }
0x73: {  	_ =	shalt  }
0x74: {  	_ =	shalt  }
0x75: {  	_ =	shalt  }
0x76: {  	_ =	shalt  }
0x77: {  	_ =	shalt  }
0x78: {  	_ =	shalt  }
0x79: {  	_ =	shalt  }
0x7a: {  	_ =	shalt  }
0x7b: {  	_ =	shalt  }
0x7c: {  	_ =	shalt  }
0x7d: {  	_ =	shalt  }
0x7e: {  	_ =	shalt  }
0x7f: {  	_ =	shalt  }
0x80: {  	_ =	shalt  }
0x81: {  	_ =	shalt  }
0x82: {  	_ =	shalt  }
0x83: {  	_ =	shalt  }
0x84: {  	_ =	shalt  }
0x85: {  	_ =	shalt  }
0x86: {  	_ =	shalt  }
0x87: {  	_ =	shalt  }
.Lfunc_end0:
.L_simem_size_0:
called_computation.2_lowered:
.L_overlay_start_0:
0x88: {  	s2 =	sld [smem:$0x3FD9]  }
0x89: {  	s3 =	sld [smem:$0x3FFE];
	_ =	sdelay $0x1  }
0x8a: {  	s1 =	srdreg.scid  }
0x8b: {  	s0 =	sand.u32 $0x1, s1  }
0x8c: {  	s16 =	sshll.u32 s0, $0xA;
	s2 =	sadd.s32 s3, s2  }
0x8d: {  	s2 =	sadd.s32 s2, s16  }
0x8e: {  	[smem:$0x3FB0] =	sst s2  }
0x8f: {  	_ = 	snop  }
0x90: {  	(tm) =	ssettm $0x1  }
0x91: {  	s17 =	sld [smem:$0x3FFB];
	_ =	sdelay $0x3  }
0x92: {  	_ =	strace s17  }
0x93: {  	s2 =	sld [smem:$0x3FFC];
	_ =	sdelay $0x3  }
0x94: {  	_ =	strace s2  }
0x95: {  	s2 =	sld [smem:$0x3FFD];
	_ =	sdelay $0x3  }
0x96: {  	_ =	strace s2  }
0x97: {  	_ =	strace $0x8FFFFFFF  }
0x98: {  	s18 =	sld [smem:$0x3FDB];
	_ =	sdelay $0x1  }
0x99: {  	s19 =	simm.s32 $_scs_section_size  }
0x9a: {  	s4 =	simm.s32 $_size__tile_overlayer_lowered;
	s5 =	simm.s32 $_tile_overlayer_lowered  }
0x9b: {  	s22 =	simm.s32 $0x1BFF;
	s21 =	sshll.u32 s5, $0x1;
	s2 =	sadd.s32 s19, s18  }
0x9c: {  	s6 =	simm.s32 $0x0;
	s20 =	sshll.u32 s4, $0x1;
	s4 =	sadd.s32 s21, s2  }
0x9d: {  	[timem:s6], [sflag:s22] =	dma.local [hbm:s4], s20  }
0x9e: {  	_ =	swait.ge [sflag:s22], s20  }
0x9f: {  	s3 =	ssub.s32 $0x0, s20;
	[sflag:s22] =	ssyncset.done $0x0  }
0xa0: {  	[sflag:s22] =	ssyncadd.s32 s3;
	_ =	sdelay $0x1  }
0xa1: {  	s23 =	simm.s32 $0x1B8B  }
0xa2: {  	_ =	swait.ge [sflag:s23], $0x1  }
0xa3: {  	[sflag:s23] =	ssyncset.done $0x0  }
0xa4: {  	s25 =	simm.s32 $0x1B8E;
	s24 =	sld [smem:$0x3FFE];
	[sflag:s23] =	ssyncadd.s32 $0xFFFFFFFF  }
0xa5: {  	s26 =	simm.s32 $execute0_lowered;
	[smem:$0x3FD2] =	sst s25  }
0xa6: {  	s4 =	sshll.u32 s26, $0x1;
	_ =	strace $0x8000004C;
	[dreg:$0x1] =	wrdreg $0xFFFFFFFF  }
0xa7: {  	s28 =	simm.s32 $_size_execute0_lowered;
	s2 =	sadd.s32 s2, s4;
	[dreg:$0x0] =	wrdreg $0x0  }
0xa8: {  	s4 =	sshll.u32 s28, $0x1;
	[dreg:$0x2] =	wrdreg s2  }
0xa9: {  	[dreg:$0x3] =	wrdreg s4  }
0xaa: {  	[dreg:$0x4] =	wrdreg $0xC0  }
0xab: {  	_ =	task [dreg:s6], $0x5FFFF  }
0xac: {  	[dreg:$0x1] =	wrdreg $0xFFFFFFFF  }
0xad: {  	[dreg:$0x0] =	wrdreg $0x60  }
0xae: {  	[dreg:$0x2] =	wrdreg s24  }
0xaf: {  	[dreg:$0x3] =	wrdreg $0x84000  }
0xb0: {  	[dreg:$0x4] =	wrdreg $0x9  }
0xb1: {  	_ =	task.clear_ibuf [dreg:s6], $0x5FFFF;
	_ =	strace $0x9000004C  }
0xb2: {  	s29 =	simm.s32 $0x9;
	_ =	strace $0x8000004E  }
0xb3: {  	_ =	swait.ge [sflag:s29], $0x1  }
0xb4: {  	[sflag:s29] =	ssyncadd.s32 $0xFFFFFFFF  }
0xb5: {  	_ =	strace $0x9000004E  }
0xb6: {  	_ =	sfence  }
0xb7: {  	s30 =	sld [smem:$0x0];
	_ =	sdelay $0x2  }
0xb8: {  	s31 =	sshll.u32 s1, $0xD;
	s1 =	sshrl.u32 s1, $0x2  }
0xb9: {  	s3 =	sand.u32 $0x4000, s31;
	s1 =	sadd.s32 s1, s30  }
0xba: {  	s0 =	sor.u32 s3, s0;
	s1 =	sshll.u32 s1, $0x11  }
0xbb: {  	s0 =	sor.u32 s1, s0  }
0xbc: {  	s0 =	sadd.s32 $0x8F2B, s0  }
0xbd: {  	[sflag:s0] =	ssyncadd.remote.s32 $0x1  }
0xbe: {  	_ =	sfence.sel $0xFFFF  }
0xbf: {  	[dreg:$0x0] =	wrdreg $0xFFFFFFFF;
	(pc) =	sbr.abs _section_cstart, $3  }
0xc0: {  	[dreg:$0x1] =	wrdreg $0xFFFFFFFF  }
0xc1: {  	_ =	task.clear_ibuf [dreg:s6], $0x2FFFF;
	_ =	strace $0x9FFFFFFF  }
0xc2: {  	(tm) =	ssettm $0x7FFFFFFF  }
0xc3: {  	_ =	shalt  }
tec
execute0_lowered:
.L_overlay_start_1:
0x0: {  	(tag) =	ssettag $0x1  }
0x1: {  	s5 =	rddreg [dreg:$0x0]  }
0x2: {  	s1 =	rddreg [dreg:$0x1]  }
0x3: {  	s2 =	srdreg.scid;
	s0 =	rddreg [dreg:$0x2];
	s3 =	simm.s32 $0x0  }
0x4: {  	s16 =	simm.s32 $0x80;
	s17 =	simm.s32 $0x4400;
	s18 =	simm.s32 $0x1  }
0x5: {  	s19 =	simm.s32 $0x3;
	s20 =	simm.s32 $0x2;
	s21 =	simm.s32 $0x300  }
0x6: {  	s22 =	simm.s32 $0x280;
	s23 =	simm.s32 $0x380;
	s6 =	sand.u32 $0x1, s2  }
0x7: {  	s24 =	simm.s32 $0x0;
	s2 =	stileid.u32;
	s7 =	smul.u32 $0x13C000, s6  }
0x8: {  	[smem:$0x7FF] =	sst s3;
	s4 =	sadd.s32 $0x18800, s5;
	s8 =	smul.u32 $0x13C00, s2  }
0x9: {  	s13 =	sadd.s32 $0x4800, s5;
	_ =	strace $0x8000004D;
	s9 =	smul.u32 $0x4F000, s2  }
0xa: {  	s25 =	sshll.u32 s6, $0x4;
	s26 =	ssub.s32 $0x2, s6;
	s29 =	smul.u32 $0x50000, s6  }
0xb: {  	s12 =	smul.u32 $0x5000, s2;
	s30 =	sshrl.u32 s26, $0x1;
	s7 =	sadd.s32 s8, s7  }
0xc: {  	s8 =	sor.u32 s2, s25;
	s28 =	sshrl.u32 s9, $0x2;
	s14 =	ssub.s32 s26, s30  }
0xd: {  	s12 =	sadd.s32 s12, s29;
	s7 =	sshrl.u32 s7, $0x3;
	s10 =	smul.u32 $0x5000, s8  }
0xe: {  	s15 =	sor.u32 $0x200, s12;
	s12 =	smax.u32 s14, $0x1;
	s14 =	simm.s32 $0x400  }
0xf: {  	s11 =	sadd.s32 s7, s5;
	s5 =	sadd.s32 s28, s1;
	s31 =	sshrl.u32 s15, $0x3  }
0x10: {  	s15 =	simm.s32 $0x4;
	s6 =	sadd.s32 $0x4000, s5;
	s7 =	sadd.s32 $0x8000, s5  }
0x11: {  	s8 =	sadd.s32 $0xC000, s5;
	s10 =	sshrl.u32 s10, $0x3;
	s9 =	sadd.s32 $0x10000, s5  }
0x12: {  	v0 =	vimm.f32 $0.0e+00;
	s11 =	sadd.s32 $0x3FA00, s11;
	s10 =	sadd.s32 s13, s10;
	s13 =	sadd.s32 s31, s13  }
.LBB2_1:
0x13: {  	s25 =	sand.u32 $0xFE00, s3  }
0x14: {  	s26 =	sand.u32 $0x70, s3;
	s28 =	sshrl.u32 s25, $0x2  }
0x15: {  	s25 =	simm.s32 $0x40;
	s28 =	sor.u32 s26, s28;
	s26 =	simm.s32 $0x0  }
.LBB2_2:
0x16: {  	p0 =	sne.s32 s25, $0xFFC0  }
0x17: {  	[tilespmem:s28+$0x400] =	vst v0;
	s26 =	sadd.s32 $0x10, s26;
	s28 =	smov.u32 s25;
	s25 =	sadd.s32 $0x40, s25  }
.Ltmp0:
0x18: {  	(pc) =	sbr.rel @p0 .LBB2_2-.Ltmp0, $4  }
0x19: {  	_ = 	snop  }
0x1a: {  	s28 =	sand.u32 $0xFE00, s28  }
0x1b: {  	s29 =	sand.u32 $0x70, s26;
	s28 =	sshrl.u32 s28, $0x2  }
0x1c: {  	s28 =	sor.u32 s29, s28  }
0x1d: {  	[tilespmem:s28+$0x400] =	vst v0  }
0x1e: {  	[spmem:s5] =	stream.linear.scatter [tilespmem:s14], [sflag:$0x4], $0x4000, $0x38;
	[tilespmem:$0x1C000] =	vst v63  }
0x1f: {  	_ =	swait.ge [sflag:s15], $0x4000  }
0x20: {  	[sflag:s15] =	ssyncset.done $0x0  }
0x21: {  	[sflag:s15] =	ssyncadd.s32 $0xFFFFC000  }
0x22: {  	[spmem:s6] =	stream.linear.scatter [tilespmem:s14], [sflag:$0x4], $0x4000, $0x38;
	[tilespmem:$0x1C000] =	vst v63  }
0x23: {  	_ =	swait.ge [sflag:s15], $0x4000  }
0x24: {  	[sflag:s15] =	ssyncset.done $0x0  }
0x25: {  	[sflag:s15] =	ssyncadd.s32 $0xFFFFC000  }
0x26: {  	[spmem:s7] =	stream.linear.scatter [tilespmem:s14], [sflag:$0x4], $0x4000, $0x38;
	[tilespmem:$0x1C000] =	vst v63  }
0x27: {  	_ =	swait.ge [sflag:s15], $0x4000  }
0x28: {  	[sflag:s15] =	ssyncset.done $0x0  }
0x29: {  	[sflag:s15] =	ssyncadd.s32 $0xFFFFC000  }
0x2a: {  	[spmem:s8] =	stream.linear.scatter [tilespmem:s14], [sflag:$0x4], $0x4000, $0x38;
	[tilespmem:$0x1C000] =	vst v63  }
0x2b: {  	_ =	swait.ge [sflag:s15], $0x4000  }
0x2c: {  	[sflag:s15] =	ssyncset.done $0x0  }
0x2d: {  	[sflag:s15] =	ssyncadd.s32 $0xFFFFC000  }
0x2e: {  	[spmem:s9] =	stream.linear.scatter [tilespmem:s14], [sflag:$0x4], $0x3C00, $0x38;
	[tilespmem:$0x1C000] =	vst v63  }
0x2f: {  	_ =	swait.ge [sflag:s15], $0x3C00  }
0x30: {  	[sflag:s15] =	ssyncset.done $0x0  }
0x31: {  	[sflag:s15] =	ssyncadd.s32 $0xFFFFC400  }
0x32: {  	s25 =	simm.s32 $0x0;
	[bflag:$0x0] =	sbarrier.arrive $0xFFFF  }
0x33: {  	[tilespmem:s25], [sflag:$0x4] =	stream.linear.gather [hbm4b:s10+s25], $0x200, $0x38;
	[tilespmem:$0x1C000] =	vst v63  }
0x34: {  	_ =	swait.ge [sflag:s15], $0x200  }
0x35: {  	[sflag:s15] =	ssyncset.done $0x0  }
0x36: {  	[sflag:s15] =	ssyncadd.s32 $0xFFFFFE00  }
0x37: {  	[tilespmem:s14], [sflag:$0x1] =	stream.indirect.gather [hbm4b:s4+s16], $0x80, s25, s16, $0xb8;
	[tilespmem:$0x1C000] =	vst v63  }
0x38: {  	s25 =	sand.u32 $0x200, s25  }
0x39: {  	s26 =	sxor.u32 $0x200, s25  }
0x3a: {  	[tilespmem:s26], [sflag:$0x3] =	stream.linear.gather [hbm4b:s13+s3], $0x200, $0x38;
	[tilespmem:$0x1C000] =	vst v63  }
0x3b: {  	s28 =	sor.u32 $0x100, s25  }
0x3c: {  	[tilespmem:s17], [sflag:$0x2] =	stream.indirect.gather [hbm4b:s4+s16], $0x80, s28, s16, $0xb8;
	[tilespmem:$0x1C000] =	vst v63  }
0x3d: {  	_ =	swait.ge [sflag:s18], $0x4000  }
0x3e: {  	[sflag:s18] =	ssyncset.done $0x0  }
0x3f: {  	s28 =	sor.u32 $0x80, s25;
	[sflag:s18] =	ssyncadd.s32 $0xFFFFC000  }
0x40: {  	[spmem:s1] =	stream.indirect.scatter.add.f32 [tilespmem:s14], [sflag:$0x4], $0x80, s28, s16, $0xb8;
	[tilespmem:$0x1C000] =	vst v63  }
0x41: {  	_ =	swait.ge [sflag:s15], $0x4000  }
0x42: {  	[sflag:s15] =	ssyncset.done $0x0  }
0x43: {  	[sflag:s15] =	ssyncadd.s32 $0xFFFFC000  }
0x44: {  	_ =	swait.ge [sflag:s19], $0x200  }
0x45: {  	[sflag:s19] =	ssyncset.done $0x0  }
0x46: {  	[sflag:s19] =	ssyncadd.s32 $0xFFFFFE00  }
0x47: {  	[tilespmem:s14], [sflag:$0x1] =	stream.indirect.gather [hbm4b:s4+s16], $0x80, s26, s16, $0xb8;
	[tilespmem:$0x1C000] =	vst v63  }
0x48: {  	_ =	swait.ge [sflag:s20], $0x4000  }
0x49: {  	[sflag:s20] =	ssyncset.done $0x0  }
0x4a: {  	s25 =	sor.u32 $0x180, s25;
	[sflag:s20] =	ssyncadd.s32 $0xFFFFC000  }
0x4b: {  	[spmem:s1] =	stream.indirect.scatter.add.f32 [tilespmem:s17], [sflag:$0x4], $0x80, s25, s16, $0xb8;
	[tilespmem:$0x1C000] =	vst v63  }
0x4c: {  	s31 =	simm.s32 $0x200;
	s28 =	simm.s32 $0x400;
	_ =	swait.ge [sflag:s15], $0x4000  }
0x4d: {  	s26 =	sadd.s32 $0x40, s13;
	s25 =	sand.u32 $0x200, s31;
	[sflag:s15] =	ssyncset.done $0x0  }
.LBB2_4:
0x4e: {  	s29 =	sxor.u32 $0x200, s25  }
0x4f: {  	[sflag:s15] =	ssyncadd.s32 $0xFFFFC000;
	s30 =	smov.u32 s28;
	s31 =	sadd.s32 $0x200, s28  }
0x50: {  	[tilespmem:s29], [sflag:$0x3] =	stream.linear.gather [hbm4b:s26+s3], $0x200, $0x38;
	[tilespmem:$0x1C000] =	vst v63  }
0x51: {  	p0 =	sne.s32 s28, $0x4C00;
	s28 =	sor.u32 $0x100, s25  }
0x52: {  	[tilespmem:s17], [sflag:$0x2] =	stream.indirect.gather [hbm4b:s4+s16], $0x80, s28, s16, $0xb8;
	[tilespmem:$0x1C000] =	vst v63  }
0x53: {  	_ =	swait.ge [sflag:s18], $0x4000  }
0x54: {  	[sflag:s18] =	ssyncset.done $0x0  }
0x55: {  	s28 =	sor.u32 $0x80, s25;
	[sflag:s18] =	ssyncadd.s32 $0xFFFFC000  }
0x56: {  	[spmem:s1] =	stream.indirect.scatter.add.f32 [tilespmem:s14], [sflag:$0x4], $0x80, s28, s16, $0xb8;
	[tilespmem:$0x1C000] =	vst v63  }
0x57: {  	_ =	swait.ge [sflag:s15], $0x4000  }
0x58: {  	[sflag:s15] =	ssyncset.done $0x0  }
0x59: {  	[sflag:s15] =	ssyncadd.s32 $0xFFFFC000  }
0x5a: {  	_ =	swait.ge [sflag:s19], $0x200  }
0x5b: {  	[sflag:s19] =	ssyncset.done $0x0  }
0x5c: {  	[sflag:s19] =	ssyncadd.s32 $0xFFFFFE00  }
0x5d: {  	[tilespmem:s14], [sflag:$0x1] =	stream.indirect.gather [hbm4b:s4+s16], $0x80, s29, s16, $0xb8;
	[tilespmem:$0x1C000] =	vst v63  }
0x5e: {  	_ =	swait.ge [sflag:s20], $0x4000  }
.Ltmp1:
0x5f: {  	[sflag:s20] =	ssyncset.done $0x0;
	(pc) =	sbr.rel @p0 .LBB2_4-.Ltmp1, $4  }
0x60: {  	s25 =	sor.u32 $0x180, s25;
	[sflag:s20] =	ssyncadd.s32 $0xFFFFC000  }
0x61: {  	[spmem:s1] =	stream.indirect.scatter.add.f32 [tilespmem:s17], [sflag:$0x4], $0x80, s25, s16, $0xb8;
	[tilespmem:$0x1C000] =	vst v63  }
0x62: {  	s26 =	sadd.s32 $0x40, s26;
	_ =	swait.ge [sflag:s15], $0x4000  }
0x63: {  	s28 =	smov.u32 s31;
	s25 =	sand.u32 $0x200, s30;
	[sflag:s15] =	ssyncset.done $0x0  }
0x64: {  	s28 =	sxor.u32 $0x200, s25;
	[sflag:s15] =	ssyncadd.s32 $0xFFFFC000  }
0x65: {  	[tilespmem:s28], [sflag:$0x3] =	stream.linear.gather [hbm4b:s26+s3], $0x200, $0x38;
	[tilespmem:$0x1C000] =	vst v63  }
0x66: {  	s30 =	sor.u32 $0x100, s25  }
0x67: {  	[tilespmem:s17], [sflag:$0x2] =	stream.indirect.gather [hbm4b:s4+s16], $0x80, s30, s16, $0xb8;
	[tilespmem:$0x1C000] =	vst v63  }
0x68: {  	_ =	swait.ge [sflag:s18], $0x4000  }
0x69: {  	[sflag:s18] =	ssyncset.done $0x0  }
0x6a: {  	s31 =	sor.u32 $0x80, s25;
	[sflag:s18] =	ssyncadd.s32 $0xFFFFC000  }
0x6b: {  	[spmem:s1] =	stream.indirect.scatter.add.f32 [tilespmem:s14], [sflag:$0x4], $0x80, s31, s16, $0xb8;
	[tilespmem:$0x1C000] =	vst v63  }
0x6c: {  	_ =	swait.ge [sflag:s15], $0x4000  }
0x6d: {  	[sflag:s15] =	ssyncset.done $0x0  }
0x6e: {  	[sflag:s15] =	ssyncadd.s32 $0xFFFFC000  }
0x6f: {  	_ =	swait.ge [sflag:s19], $0x200  }
0x70: {  	[sflag:s19] =	ssyncset.done $0x0  }
0x71: {  	[sflag:s19] =	ssyncadd.s32 $0xFFFFFE00  }
0x72: {  	[tilespmem:s14], [sflag:$0x1] =	stream.indirect.gather [hbm4b:s4+s16], $0x80, s28, s16, $0xb8;
	[tilespmem:$0x1C000] =	vst v63  }
0x73: {  	_ =	swait.ge [sflag:s20], $0x4000  }
0x74: {  	[sflag:s20] =	ssyncset.done $0x0  }
0x75: {  	s29 =	sor.u32 $0x180, s25;
	[sflag:s20] =	ssyncadd.s32 $0xFFFFC000  }
0x76: {  	[spmem:s1] =	stream.indirect.scatter.add.f32 [tilespmem:s17], [sflag:$0x4], $0x80, s29, s16, $0xb8;
	[tilespmem:$0x1C000] =	vst v63  }
0x77: {  	_ =	swait.ge [sflag:s15], $0x4000  }
0x78: {  	[sflag:s15] =	ssyncset.done $0x0  }
0x79: {  	[sflag:s15] =	ssyncadd.s32 $0xFFFFC000  }
0x7a: {  	[tilespmem:s17], [sflag:$0x2] =	stream.indirect.gather [hbm4b:s4+s16], $0x80, s21, s16, $0xb8;
	[tilespmem:$0x1C000] =	vst v63  }
0x7b: {  	_ =	swait.ge [sflag:s18], $0x4000  }
0x7c: {  	[sflag:s18] =	ssyncset.done $0x0  }
0x7d: {  	[sflag:s18] =	ssyncadd.s32 $0xFFFFC000  }
0x7e: {  	[spmem:s1] =	stream.indirect.scatter.add.f32 [tilespmem:s14], [sflag:$0x4], $0x80, s22, s16, $0xb8;
	[tilespmem:$0x1C000] =	vst v63  }
0x7f: {  	_ =	swait.ge [sflag:s15], $0x4000  }
0x80: {  	[sflag:s15] =	ssyncset.done $0x0  }
0x81: {  	[sflag:s15] =	ssyncadd.s32 $0xFFFFC000  }
0x82: {  	_ =	swait.ge [sflag:s20], $0x4000  }
0x83: {  	[sflag:s20] =	ssyncset.done $0x0  }
0x84: {  	[sflag:s20] =	ssyncadd.s32 $0xFFFFC000  }
0x85: {  	[spmem:s1] =	stream.indirect.scatter.add.f32 [tilespmem:s17], [sflag:$0x4], $0x80, s23, s16, $0xb8;
	[tilespmem:$0x1C000] =	vst v63  }
0x86: {  	_ =	swait.ge [sflag:s15], $0x4000  }
0x87: {  	s24 =	sadd.s32 $0x1, s24;
	s30 =	sshll.u32 s2, $0x6;
	[sflag:s15] =	ssyncset.done $0x0  }
0x88: {  	p0 =	sne.s32 s24, s12;
	s25 =	sor.u32 $0x1C04, s30;
	[sflag:s15] =	ssyncadd.s32 $0xFFFFC000  }
.Ltmp2:
0x89: {  	s31 =	sshrl.u32 s5, $0x3;
	[bflag:$0x0] =	sbarrier.arrive $0xFFFF;
	(pc) =	sbr.rel @p0 .LBB2_1-.Ltmp2, $4  }
0x8a: {  	[hbm:s11], [sflag:s25] =	dma.local [spmem:s31], $0x2780  }
0x8b: {  	_ =	swait.ge [sflag:s15], $0x2780  }
0x8c: {  	[sflag:s15] =	ssyncset.done $0x0  }
0x8d: {  	[sflag:s15] =	ssyncadd.s32 $0xFFFFD880  }
0x8e: {  	_ =	sfence.sel $0x180000  }
0x8f: {  	[bflag:$0x0] =	sbarrier.arrive $0xFFFF  }
0x90: {  	p0 =	sne.s32 s2, $0x0;
	_ =	strace $0x9000004D  }
0x91: {  	s0 =	sadd.s32 @!p0 $0x100000, s0;
	[bflag:$0x2] =	sbarrier.arrive $0xFFFF  }
0x92: {  	[sflag:s0] =	ssyncadd.tile.s32 @!p0 $0x1;
	_ =	shalt  }
.Lfunc_end2:
_tile_overlayer_lowered:
.L_overlay_start_2:
0x93: {  	(tag) =	ssettag $0x2  }
0x94: {  	s0 =	rddreg [dreg:$0x0];
	s2 =	stileid.u32  }
0x95: {  	s1 =	rddreg [dreg:$0x1];
	p0 =	sne.s32 s2, $0x0  }
0x96: {  	s3 =	rddreg [dreg:$0x2];
	[bflag:$0x3] =	sbarrier.arrive $0xFFFF;
	s2 =	simm.s32 @!p0 $0x1C04  }
0x97: {  	[timem:s3], [sflag:s2] =	dma.local @!p0 [hbm:s0], s1  }
0x98: {  	s0 =	simm.s32 @!p0 $0x4  }
0x99: {  	_ =	swait.ge @!p0 [sflag:s0], s1  }
0x9a: {  	s1 =	ssub.s32 @!p0 $0x0, s1;
	[sflag:s0] =	ssyncset.done @!p0 $0x0  }
0x9b: {  	[sflag:s0] =	ssyncadd.s32 @!p0 s1  }
0x9c: {  	[bflag:$0x3] =	sbarrier.arrive $0xFFFF  }
0x9d: {  	_ =	shalt  }

</sc_bundles>
